<compile_context>
chip_gen: v7x
topology: tpu7x:2x2x1
jax: 0.10.2.dev20260603
libtpu: 0.0.44.dev20260713+nightly
codegen_flags: <defaults>
</compile_context>

<pallas_src>
import jax
import jax.numpy as jnp
from jax import lax
from jax.experimental import pallas as pl
from jax.experimental.pallas import tpu as pltpu
from jax.experimental.pallas import tpu_sc as plsc

N = 10000
KN = 32
KP = 15
IN_DIM = 128
OUT_DIM = 128
FFD = 128
FREE_DIM = 4
C = 19
KP_EXTENT = 1.2

SC_NC = 2
SC_NS = 16
NW = SC_NC * SC_NS
E = N * KN
PER_W = E // NW
GCHUNK = 400
GITERS = PER_W // GCHUNK


def _sc_gather_body(nb_hbm, table_hbm, gf_hbm, gx_hbm, gy_hbm, gz_hbm,
                    idx_all, rows0, rows1, gx_v, gy_v, gz_v,
                    gx_w, gy_w, gz_w, sem0, sem1, semw):
    c = lax.axis_index("c")
    s = lax.axis_index("s")
    wid = s * SC_NC + c
    base = pl.multiple_of(wid * PER_W, 8)
    pltpu.sync_copy(nb_hbm.at[pl.ds(base, PER_W)], idx_all)

    def start(j, rows, sem):
        off = pl.multiple_of(j * GCHUNK, 8)
        pltpu.async_copy(table_hbm.at[idx_all.at[pl.ds(off, GCHUNK)]],
                         rows, sem)

    def wait(rows, sem):
        pltpu.make_async_copy(table_hbm.at[pl.ds(0, GCHUNK)], rows,
                              sem).wait()

    iot = lax.iota(jnp.int32, 16)
    c64 = iot * 0 + (2 * (IN_DIM // 4))

    def drain(j, rows, gxv, gyv, gzv, sem):
        wait(rows, sem)
        for g in range(GCHUNK // 16):
            r16 = iot + g * 16
            xi = plsc.load_gather(rows, [r16, c64])
            yi = plsc.load_gather(rows, [r16, c64 + 1])
            zi = plsc.load_gather(rows, [r16, c64 + 2])
            gxv[pl.ds(g * 16, 16)] = plsc.bitcast(xi, jnp.float32)
            gyv[pl.ds(g * 16, 16)] = plsc.bitcast(yi, jnp.float32)
            gzv[pl.ds(g * 16, 16)] = plsc.bitcast(zi, jnp.float32)
        off = pl.multiple_of(base + j * GCHUNK, 8)
        return (pltpu.async_copy(rows, gf_hbm.at[pl.ds(off, GCHUNK)], semw),
                pltpu.async_copy(gxv, gx_hbm.at[pl.ds(off, GCHUNK)], semw),
                pltpu.async_copy(gyv, gy_hbm.at[pl.ds(off, GCHUNK)], semw),
                pltpu.async_copy(gzv, gz_hbm.at[pl.ds(off, GCHUNK)], semw))

    start(0, rows0, sem0)

    def body(j2, carry):
        j = 2 * j2
        start(j + 1, rows1, sem1)
        ws0 = drain(j, rows0, gx_v, gy_v, gz_v, sem0)
        for h in ws0:
            h.wait()
        start(j + 2, rows0, sem0)
        ws1 = drain(j + 1, rows1, gx_w, gy_w, gz_w, sem1)
        for h in ws1:
            h.wait()
        return carry

    lax.fori_loop(0, GITERS // 2, body, 0)
    ws = drain(GITERS - 1, rows0, gx_v, gy_v, gz_v, sem0)
    for h in ws:
        h.wait()


@jax.jit
def _sc_gather(nb_flat, table):
    mesh = plsc.VectorSubcoreMesh(core_axis_name="c", subcore_axis_name="s")
    return pl.kernel(
        _sc_gather_body,
        out_type=[
            jax.ShapeDtypeStruct((E, IN_DIM), jnp.int32),
            jax.ShapeDtypeStruct((E,), jnp.float32),
            jax.ShapeDtypeStruct((E,), jnp.float32),
            jax.ShapeDtypeStruct((E,), jnp.float32),
        ],
        mesh=mesh,
        compiler_params=pltpu.CompilerParams(needs_layout_passes=False),
        scratch_types=[
            pltpu.VMEM((PER_W,), jnp.int32),
            pltpu.VMEM((GCHUNK, IN_DIM), jnp.int32),
            pltpu.VMEM((GCHUNK, IN_DIM), jnp.int32),
            pltpu.VMEM((GCHUNK,), jnp.float32),
            pltpu.VMEM((GCHUNK,), jnp.float32),
            pltpu.VMEM((GCHUNK,), jnp.float32),
            pltpu.VMEM((GCHUNK,), jnp.float32),
            pltpu.VMEM((GCHUNK,), jnp.float32),
            pltpu.VMEM((GCHUNK,), jnp.float32),
            pltpu.SemaphoreType.DMA,
            pltpu.SemaphoreType.DMA,
            pltpu.SemaphoreType.DMA,
        ],
    )(nb_flat, table)


TN = 512
TB = 8
LW = TB * KN
NBLK = TN // TB


def _lrelu(x):
    return jnp.where(x >= 0, x, 0.1 * x)


def _tc_body(kp_ref, g_ref, gx_ref, gy_ref, gz_ref, pts_ref,
             wflat_ref, wun_ref, bun_ref, wmlp_ref, bmlp_ref,
             wheads_ref, bheads_ref, f_ref, v_ref, log_ref, c_ref):
    gi = g_ref[...][:, :IN_DIM // 2]
    lo_f = lax.bitcast_convert_type(lax.shift_left(gi, 16), jnp.float32)
    hi_f = lax.bitcast_convert_type(
        jnp.bitwise_and(gi, jnp.int32(-65536)), jnp.float32)
    feats = jnp.concatenate([lo_f, hi_f], axis=1)
    pts = pts_ref[...]

    pxr = jnp.repeat(pts[:, 0:1].reshape(NBLK, TB), KN, axis=1)
    pyr = jnp.repeat(pts[:, 1:2].reshape(NBLK, TB), KN, axis=1)
    pzr = jnp.repeat(pts[:, 2:3].reshape(NBLK, TB), KN, axis=1)
    dx = gx_ref[...] - pxr
    dy = gy_ref[...] - pyr
    dz = gz_ref[...] - pzr

    sub_i = lax.broadcasted_iota(jnp.int32, (TB, LW), 0)
    lane_i = lax.broadcasted_iota(jnp.int32, (TB, LW), 1) // KN
    mask8 = jnp.where(sub_i == lane_i, 1.0, 0.0)

    atl = []
    for p in range(KP):
        ex = dx - kp_ref[p, 0]
        ey = dy - kp_ref[p, 1]
        ez = dz - kp_ref[p, 2]
        sq = ex * ex + ey * ey + ez * ez
        wp = jnp.maximum(1.0 - jnp.sqrt(sq + 1e-9) / KP_EXTENT, 0.0)
        atl.append(wp[:, None, :] * mask8[None, :, :])
    at_all = jnp.stack(atl, axis=0)

    hblocks = []
    for b in range(NBLK):
        atb = at_all[:, b].reshape(KP * TB, LW)
        gb = feats[b * LW:(b + 1) * LW, :]
        hblocks.append(jnp.dot(atb, gb, preferred_element_type=jnp.float32))
    h_all = jnp.stack(hblocks, axis=0)

    x = None
    for p in range(KP):
        hp = h_all[:, p * TB:(p + 1) * TB, :].reshape(TN, IN_DIM)
        contrib = jnp.dot(hp, wflat_ref[p, :, :],
                          preferred_element_type=jnp.float32)
        x = contrib if x is None else x + contrib
    x = _lrelu(x)
    x = _lrelu(jnp.dot(x, wun_ref[...],
                       preferred_element_type=jnp.float32) + bun_ref[...])
    f = _lrelu(jnp.dot(x, wmlp_ref[...],
                       preferred_element_type=jnp.float32) + bmlp_ref[...])
    f_ref[...] = f
    h = jnp.dot(f, wheads_ref[...],
                preferred_element_type=jnp.float32) + bheads_ref[...]
    VW = OUT_DIM + FREE_DIM
    v_ref[...] = jnp.maximum(h[:, :VW], 0.0)
    log_ref[...] = h[:, VW:VW + C]
    hc = h[:, VW + C:]
    c_ref[...] = jnp.where(hc >= 0, 1.0 / (1.0 + jnp.exp(-hc)),
                           jnp.exp(hc) / (1.0 + jnp.exp(hc)))


@jax.jit
def _tc_compute(g3, gx, gy, gz, points, kernel_points, w_kp, w_un, b_un,
                w_mlp, b_mlp, w_heads, b_heads):
    grid = (pl.cdiv(N, TN),)
    hw = 1 + OUT_DIM + FREE_DIM + C
    return pl.pallas_call(
        _tc_body,
        grid=grid,
        in_specs=[
            pl.BlockSpec(memory_space=pltpu.SMEM),
            pl.BlockSpec((TN * KN, IN_DIM), lambda i: (i, 0)),
            pl.BlockSpec((NBLK, LW), lambda i: (i, 0)),
            pl.BlockSpec((NBLK, LW), lambda i: (i, 0)),
            pl.BlockSpec((NBLK, LW), lambda i: (i, 0)),
            pl.BlockSpec((TN, 3), lambda i: (i, 0)),
            pl.BlockSpec((KP, IN_DIM, OUT_DIM), lambda i: (0, 0, 0)),
            pl.BlockSpec((OUT_DIM, OUT_DIM), lambda i: (0, 0)),
            pl.BlockSpec((1, OUT_DIM), lambda i: (0, 0)),
            pl.BlockSpec((OUT_DIM, FFD), lambda i: (0, 0)),
            pl.BlockSpec((1, FFD), lambda i: (0, 0)),
            pl.BlockSpec((FFD, hw), lambda i: (0, 0)),
            pl.BlockSpec((1, hw), lambda i: (0, 0)),
        ],
        out_specs=[
            pl.BlockSpec((TN, FFD), lambda i: (i, 0)),
            pl.BlockSpec((TN, OUT_DIM + FREE_DIM), lambda i: (i, 0)),
            pl.BlockSpec((TN, C), lambda i: (i, 0)),
            pl.BlockSpec((TN, 1), lambda i: (i, 0)),
        ],
        out_shape=[
            jax.ShapeDtypeStruct((N, FFD), jnp.float32),
            jax.ShapeDtypeStruct((N, OUT_DIM + FREE_DIM), jnp.float32),
            jax.ShapeDtypeStruct((N, C), jnp.float32),
            jax.ShapeDtypeStruct((N, 1), jnp.float32),
        ],
    )(kernel_points, g3, gx, gy, gz, points, w_kp, w_un, b_un,
      w_mlp, b_mlp, w_heads, b_heads)


def kernel(points, features, neighbors, kernel_points, W_kp, W_unary, b_unary,
           W_mlp, b_mlp, W_center, b_center, W_var, b_var, W_soft, b_soft):
    fb = features.astype(jnp.bfloat16)
    fi = lax.bitcast_convert_type(
        jnp.stack([fb[:, :IN_DIM // 2], fb[:, IN_DIM // 2:]], axis=-1),
        jnp.int32)
    ci = lax.bitcast_convert_type(points, jnp.int32)
    table = jnp.concatenate(
        [fi, ci, jnp.zeros((N, IN_DIM - IN_DIM // 2 - 3), jnp.int32)],
        axis=1)
    nb_flat = neighbors.reshape(-1).astype(jnp.int32)
    gf, gx, gy, gz = _sc_gather(nb_flat, table)
    g3 = gf
    gx2 = gx.reshape(E // LW, LW)
    gy2 = gy.reshape(E // LW, LW)
    gz2 = gz.reshape(E // LW, LW)

    w_heads = jnp.concatenate([W_var, W_soft, W_center], axis=1)
    b_heads = jnp.concatenate([b_var, b_soft, b_center])[None, :]
    f, v, logits, c = _tc_compute(g3, gx2, gy2, gz2, points, kernel_points,
                                  W_kp, W_unary, b_unary[None, :], W_mlp,
                                  b_mlp[None, :], w_heads, b_heads)
    return (logits, c, v, f)

# --- scband reference (transcript-rebuilt; emitter-appended) ---
"""Pipeline reference for scband-kpfcnn-81114752352413 (READ-ONLY COPY).

The authoritative reference and input builder live on the scoring server;
editing this copy changes nothing except your own understanding.
"""

import jax, jax.numpy as jnp
import numpy as np

N, KN, KP = 10000, 32, 15
IN_DIM, OUT_DIM, FFD, FREE_DIM, C = 128, 128, 128, 4, 19
KP_EXTENT = 1.2


def setup_inputs(seed: int = 0) -> dict:
    key = jax.random.key(seed)
    ks = jax.random.split(key, 16)
    points = jax.random.uniform(ks[0], (N, 3), dtype=jnp.float32)
    features = jax.random.normal(ks[1], (N, IN_DIM), dtype=jnp.float32)
    neighbors = jax.random.randint(ks[2], (N, KN), 0, N)
    kernel_points = jax.random.uniform(ks[3], (KP, 3), dtype=jnp.float32, minval=-1.0, maxval=1.0)
    s = 0.02
    W_kp = jax.random.normal(ks[4], (KP, IN_DIM, OUT_DIM), dtype=jnp.float32) * s
    W_unary = jax.random.normal(ks[5], (OUT_DIM, OUT_DIM), dtype=jnp.float32) * s
    b_unary = jnp.zeros((OUT_DIM,), dtype=jnp.float32)
    W_mlp = jax.random.normal(ks[6], (OUT_DIM, FFD), dtype=jnp.float32) * s
    b_mlp = jnp.zeros((FFD,), dtype=jnp.float32)
    W_center = jax.random.normal(ks[7], (FFD, 1), dtype=jnp.float32) * s
    b_center = jnp.zeros((1,), dtype=jnp.float32)
    W_var = jax.random.normal(ks[8], (FFD, OUT_DIM + FREE_DIM), dtype=jnp.float32) * s
    b_var = jnp.zeros((OUT_DIM + FREE_DIM,), dtype=jnp.float32)
    W_soft = jax.random.normal(ks[9], (FFD, C), dtype=jnp.float32) * s
    b_soft = jnp.zeros((C,), dtype=jnp.float32)
    return {"points": points, "features": features, "neighbors": neighbors,
            "kernel_points": kernel_points, "W_kp": W_kp, "W_unary": W_unary, "b_unary": b_unary,
            "W_mlp": W_mlp, "b_mlp": b_mlp, "W_center": W_center, "b_center": b_center,
            "W_var": W_var, "b_var": b_var, "W_soft": W_soft, "b_soft": b_soft}


def reference(points, features, neighbors, kernel_points, W_kp, W_unary, b_unary,
              W_mlp, b_mlp, W_center, b_center, W_var, b_var, W_soft, b_soft):
    # KPConv encoder block: gather neighbor points/features (SparseCore gather)
    neighb_pts = points[neighbors] - points[:, None, :]                 # [N, KN, 3]
    differences = neighb_pts[:, :, None, :] - kernel_points[None, None, :, :]  # [N, KN, KP, 3]
    sq_distances = jnp.sum(differences ** 2, axis=-1)                   # [N, KN, KP]
    # linear kernel-point influence
    all_weights = jnp.maximum(1.0 - jnp.sqrt(sq_distances + 1e-9) / KP_EXTENT, 0.0)
    neighb_feats = features[neighbors]                                  # [N, KN, IN_DIM]
    weighted = jnp.einsum('nkp,nkc->npc', all_weights, neighb_feats)    # [N, KP, IN_DIM]
    x = jnp.einsum('npc,pcd->nd', weighted, W_kp)                       # [N, OUT_DIM]
    x = jax.nn.leaky_relu(x, 0.1)
    # decoder-style unary block
    x = jax.nn.leaky_relu(x @ W_unary + b_unary, 0.1)
    # heads (KPFCNN.forward)
    f = jax.nn.leaky_relu(x @ W_mlp + b_mlp, 0.1)                       # head_mlp
    c = jax.nn.sigmoid(f @ W_center + b_center)                         # head_center + sigmoid
    v = jax.nn.relu(f @ W_var + b_var)                                  # head_var + relu
    logits = f @ W_soft + b_soft                                        # head_softmax
    return (logits, c, v, f)

if __name__ == "__main__":
    import jax
    _d = setup_inputs()
    print(jax.jit(kernel)(*tuple(_d.values())))

</pallas_src>

<mosaic_0001>
#map = affine_map<(d0, d1) -> (0)>
#map1 = affine_map<(d0, d1) -> (0, 0)>
module attributes {stable_mosaic.version = 14 : i64} {
  func.func @_sc_gather_body(%arg0: i32, %arg1: i32, %arg2: memref<320000xi32, #tpu.memory_space<hbm>>, %arg3: memref<10000x128xi32, #tpu.memory_space<hbm>>, %arg4: memref<320000x128xi32, #tpu.memory_space<hbm>>, %arg5: memref<320000xf32, #tpu.memory_space<hbm>>, %arg6: memref<320000xf32, #tpu.memory_space<hbm>>, %arg7: memref<320000xf32, #tpu.memory_space<hbm>>, %arg8: memref<10000xi32, #tpu.memory_space<vmem>>, %arg9: memref<400x128xi32, #tpu.memory_space<vmem>>, %arg10: memref<400x128xi32, #tpu.memory_space<vmem>>, %arg11: memref<400xf32, #tpu.memory_space<vmem>>, %arg12: memref<400xf32, #tpu.memory_space<vmem>>, %arg13: memref<400xf32, #tpu.memory_space<vmem>>, %arg14: memref<400xf32, #tpu.memory_space<vmem>>, %arg15: memref<400xf32, #tpu.memory_space<vmem>>, %arg16: memref<400xf32, #tpu.memory_space<vmem>>, %arg17: memref<!tpu.dma_semaphore, #tpu.memory_space<semaphore_mem>>, %arg18: memref<!tpu.dma_semaphore, #tpu.memory_space<semaphore_mem>>, %arg19: memref<!tpu.dma_semaphore, #tpu.memory_space<semaphore_mem>>) attributes {dimension_semantics = [#tpu.dimension_semantics<core_parallel>, #tpu.dimension_semantics<subcore_parallel>], iteration_bounds = array<i64: 2, 16>, scalar_prefetch = 0 : i64, scratch_operands = 12 : i64, tpu.core_type = #tpu.core_type<sc_vector_subcore>, window_params = [{transform_indices = #map}, {transform_indices = #map1}, {transform_indices = #map1}, {transform_indices = #map}, {transform_indices = #map}, {transform_indices = #map}]} {
    %mul3A = arith.constant 2 : i32
    %mul3A_0 = arith.muli %arg1, %mul3A : i32
    %add3A = arith.addi %mul3A_0, %arg0 : i32
    %mul3A_1 = arith.constant 10000 : i32
    %mul3A_2 = arith.muli %add3A, %mul3A_1 : i32
    %multiple_of3A = tpu.assume_multiple %mul3A_2, 8 : i32
    "tpu.region"() ({
      %run_scoped3A = tpu.sem_alloc : memref<!tpu.dma_semaphore, #tpu.memory_space<semaphore_mem>>
      %dma_start3A_569 = tpu.memref_slice %arg2[%multiple_of3A] : memref<320000xi32, #tpu.memory_space<hbm>> -> memref<10000xi32, #tpu.memory_space<hbm>>
      %dma_start3A_570 = tpu.memref_slice %arg2[%multiple_of3A] : memref<320000xi32, #tpu.memory_space<hbm>> -> memref<10000xi32, #tpu.memory_space<hbm>>
      tpu.enqueue_dma source(%dma_start3A_570 : memref<10000xi32, #tpu.memory_space<hbm>>) target(%arg8 : memref<10000xi32, #tpu.memory_space<vmem>>) target_semaphore(%run_scoped3A : memref<!tpu.dma_semaphore, #tpu.memory_space<semaphore_mem>>)
      %dma_wait3A_571 = tpu.memref_slice %arg2[%multiple_of3A] : memref<320000xi32, #tpu.memory_space<hbm>> -> memref<10000xi32, #tpu.memory_space<hbm>>
      %dma_wait3A_572 = tpu.memref_slice %arg2[%multiple_of3A] : memref<320000xi32, #tpu.memory_space<hbm>> -> memref<10000xi32, #tpu.memory_space<hbm>>
      tpu.wait_dma2 semaphore(%run_scoped3A : memref<!tpu.dma_semaphore, #tpu.memory_space<semaphore_mem>>) src(%dma_wait3A_572 : memref<10000xi32, #tpu.memory_space<hbm>>) dst(%arg8 : memref<10000xi32, #tpu.memory_space<vmem>>)
      tpu.yield
    }) : () -> ()
    %iota3A = tpu.iota {dimensions = array<i32: 0>} : vector<16xi32>
    %mul3A_3 = arith.constant 0 : i32
    %mul3A_4 = vector.broadcast %mul3A_3 : i32 to vector<16xi32>
    %mul3A_5 = arith.muli %iota3A, %mul3A_4 : vector<16xi32>
    %add3A_6 = arith.constant 64 : i32
    %add3A_7 = vector.broadcast %add3A_6 : i32 to vector<16xi32>
    %add3A_8 = arith.addi %mul3A_5, %add3A_7 : vector<16xi32>
    %multiple_of3A_9 = arith.constant 0 : i32
    %multiple_of3A_10 = tpu.assume_multiple %multiple_of3A_9, 8 : i32
    %dma_start3A = tpu.memref_slice %arg8[%multiple_of3A_10] : memref<10000xi32, #tpu.memory_space<vmem>> -> memref<400xi32, #tpu.memory_space<vmem>>
    %dma_start3A_11 = arith.constant 0 : i32
    %dma_start3A_12 = arith.constant 0 : i32
    %dma_start3A_13 = tpu.memref_slice %arg3[%dma_start3A_11, %dma_start3A_12] : memref<10000x128xi32, #tpu.memory_space<hbm>> -> memref<10000x128xi32, #tpu.memory_space<hbm>>
    tpu.enqueue_indirect_dma source(%dma_start3A_13 : memref<10000x128xi32, #tpu.memory_space<hbm>>) target(%arg9 : memref<400x128xi32, #tpu.memory_space<vmem>>) offsets(%dma_start3A : memref<400xi32, #tpu.memory_space<vmem>>) semaphore(%arg17 : memref<!tpu.dma_semaphore, #tpu.memory_space<semaphore_mem>>)
    %scan3A = arith.constant 0 : i32
    %scan3A_14 = arith.constant 0 : i32
    %scan3A_15 = arith.constant 12 : i32
    %scan3A_16 = arith.addi %scan3A_14, %scan3A_15 : i32
    %scan3A_17 = arith.constant 1 : i32
    scf.for %scan3A_569 = %scan3A_14 to %scan3A_16 step %scan3A_17  : i32 {
      %mul3A_570 = arith.constant 2 : i32
      %mul3A_571 = arith.muli %mul3A_570, %scan3A_569 : i32
      %add3A_572 = arith.constant 1 : i32
      %add3A_573 = arith.addi %mul3A_571, %add3A_572 : i32
      %mul3A_574 = arith.constant 400 : i32
      %mul3A_575 = arith.muli %add3A_573, %mul3A_574 : i32
      %multiple_of3A_576 = tpu.assume_multiple %mul3A_575, 8 : i32
      %dma_start3A_577 = tpu.memref_slice %arg8[%multiple_of3A_576] : memref<10000xi32, #tpu.memory_space<vmem>> -> memref<400xi32, #tpu.memory_space<vmem>>
      %dma_start3A_578 = arith.constant 0 : i32
      %dma_start3A_579 = arith.constant 0 : i32
      %dma_start3A_580 = tpu.memref_slice %arg3[%dma_start3A_578, %dma_start3A_579] : memref<10000x128xi32, #tpu.memory_space<hbm>> -> memref<10000x128xi32, #tpu.memory_space<hbm>>
      tpu.enqueue_indirect_dma source(%dma_start3A_580 : memref<10000x128xi32, #tpu.memory_space<hbm>>) target(%arg10 : memref<400x128xi32, #tpu.memory_space<vmem>>) offsets(%dma_start3A_577 : memref<400xi32, #tpu.memory_space<vmem>>) semaphore(%arg18 : memref<!tpu.dma_semaphore, #tpu.memory_space<semaphore_mem>>)
      %dma_wait3A_581 = arith.constant 0 : i32
      %dma_wait3A_582 = arith.constant 0 : i32
      %dma_wait3A_583 = tpu.memref_slice %arg3[%dma_wait3A_581, %dma_wait3A_582] : memref<10000x128xi32, #tpu.memory_space<hbm>> -> memref<400x128xi32, #tpu.memory_space<hbm>>
      %dma_wait3A_584 = arith.constant 0 : i32
      %dma_wait3A_585 = arith.constant 0 : i32
      %dma_wait3A_586 = tpu.memref_slice %arg3[%dma_wait3A_584, %dma_wait3A_585] : memref<10000x128xi32, #tpu.memory_space<hbm>> -> memref<400x128xi32, #tpu.memory_space<hbm>>
      tpu.wait_dma2 semaphore(%arg17 : memref<!tpu.dma_semaphore, #tpu.memory_space<semaphore_mem>>) src(%dma_wait3A_586 : memref<400x128xi32, #tpu.memory_space<hbm>>) dst(%arg9 : memref<400x128xi32, #tpu.memory_space<vmem>>)
      %add3A_587 = arith.constant 0 : i32
      %add3A_588 = vector.broadcast %add3A_587 : i32 to vector<16xi32>
      %add3A_589 = arith.addi %iota3A, %add3A_588 : vector<16xi32>
      %gather3A_590 = tpu.vector_load_idx %arg9[%add3A_589, %add3A_8] : memref<400x128xi32, #tpu.memory_space<vmem>>[vector<16xi32>, vector<16xi32>], vector<16xi32>,
      %add3A_591 = arith.constant 1 : i32
      %add3A_592 = vector.broadcast %add3A_591 : i32 to vector<16xi32>
      %add3A_593 = arith.addi %add3A_8, %add3A_592 : vector<16xi32>
      %gather3A_594 = tpu.vector_load_idx %arg9[%add3A_589, %add3A_593] : memref<400x128xi32, #tpu.memory_space<vmem>>[vector<16xi32>, vector<16xi32>], vector<16xi32>,
      %add3A_595 = arith.constant 2 : i32
      %add3A_596 = vector.broadcast %add3A_595 : i32 to vector<16xi32>
      %add3A_597 = arith.addi %add3A_8, %add3A_596 : vector<16xi32>
      %gather3A_598 = tpu.vector_load_idx %arg9[%add3A_589, %add3A_597] : memref<400x128xi32, #tpu.memory_space<vmem>>[vector<16xi32>, vector<16xi32>], vector<16xi32>,
      %bitcast3A_599 = vector.bitcast %gather3A_590 : vector<16xi32> to vector<16xf32>
      %swap3A_600 = arith.constant 0 : index
      %swap3A_601 = tpu.vector_load %arg11[%swap3A_600] {strides = array<i32>} : memref<400xf32, #tpu.memory_space<vmem>>, vector<16xf32>,
      tpu.vector_store %arg11[%swap3A_600], %bitcast3A_599 {strides = array<i32>} : memref<400xf32, #tpu.memory_space<vmem>>, vector<16xf32>,
      %bitcast3A_602 = vector.bitcast %gather3A_594 : vector<16xi32> to vector<16xf32>
      %swap3A_603 = arith.constant 0 : index
      %swap3A_604 = tpu.vector_load %arg12[%swap3A_603] {strides = array<i32>} : memref<400xf32, #tpu.memory_space<vmem>>, vector<16xf32>,
      tpu.vector_store %arg12[%swap3A_603], %bitcast3A_602 {strides = array<i32>} : memref<400xf32, #tpu.memory_space<vmem>>, vector<16xf32>,
      %bitcast3A_605 = vector.bitcast %gather3A_598 : vector<16xi32> to vector<16xf32>
      %swap3A_606 = arith.constant 0 : index
      %swap3A_607 = tpu.vector_load %arg13[%swap3A_606] {strides = array<i32>} : memref<400xf32, #tpu.memory_space<vmem>>, vector<16xf32>,
      tpu.vector_store %arg13[%swap3A_606], %bitcast3A_605 {strides = array<i32>} : memref<400xf32, #tpu.memory_space<vmem>>, vector<16xf32>,
      %add3A_608 = arith.constant 16 : i32
      %add3A_609 = vector.broadcast %add3A_608 : i32 to vector<16xi32>
      %add3A_610 = arith.addi %iota3A, %add3A_609 : vector<16xi32>
      %gather3A_611 = tpu.vector_load_idx %arg9[%add3A_610, %add3A_8] : memref<400x128xi32, #tpu.memory_space<vmem>>[vector<16xi32>, vector<16xi32>], vector<16xi32>,
      %add3A_612 = arith.constant 1 : i32
      %add3A_613 = vector.broadcast %add3A_612 : i32 to vector<16xi32>
      %add3A_614 = arith.addi %add3A_8, %add3A_613 : vector<16xi32>
      %gather3A_615 = tpu.vector_load_idx %arg9[%add3A_610, %add3A_614] : memref<400x128xi32, #tpu.memory_space<vmem>>[vector<16xi32>, vector<16xi32>], vector<16xi32>,
      %add3A_616 = arith.constant 2 : i32
      %add3A_617 = vector.broadcast %add3A_616 : i32 to vector<16xi32>
      %add3A_618 = arith.addi %add3A_8, %add3A_617 : vector<16xi32>
      %gather3A_619 = tpu.vector_load_idx %arg9[%add3A_610, %add3A_618] : memref<400x128xi32, #tpu.memory_space<vmem>>[vector<16xi32>, vector<16xi32>], vector<16xi32>,
      %bitcast3A_620 = vector.bitcast %gather3A_611 : vector<16xi32> to vector<16xf32>
      %swap3A_621 = arith.constant 16 : index
      %swap3A_622 = tpu.vector_load %arg11[%swap3A_621] {strides = array<i32>} : memref<400xf32, #tpu.memory_space<vmem>>, vector<16xf32>,
      tpu.vector_store %arg11[%swap3A_621], %bitcast3A_620 {strides = array<i32>} : memref<400xf32, #tpu.memory_space<vmem>>, vector<16xf32>,
      %bitcast3A_623 = vector.bitcast %gather3A_615 : vector<16xi32> to vector<16xf32>
      %swap3A_624 = arith.constant 16 : index
      %swap3A_625 = tpu.vector_load %arg12[%swap3A_624] {strides = array<i32>} : memref<400xf32, #tpu.memory_space<vmem>>, vector<16xf32>,
      tpu.vector_store %arg12[%swap3A_624], %bitcast3A_623 {strides = array<i32>} : memref<400xf32, #tpu.memory_space<vmem>>, vector<16xf32>,
      %bitcast3A_626 = vector.bitcast %gather3A_619 : vector<16xi32> to vector<16xf32>
      %swap3A_627 = arith.constant 16 : index
      %swap3A_628 = tpu.vector_load %arg13[%swap3A_627] {strides = array<i32>} : memref<400xf32, #tpu.memory_space<vmem>>, vector<16xf32>,
      tpu.vector_store %arg13[%swap3A_627], %bitcast3A_626 {strides = array<i32>} : memref<400xf32, #tpu.memory_space<vmem>>, vector<16xf32>,
      %add3A_629 = arith.constant 32 : i32
      %add3A_630 = vector.broadcast %add3A_629 : i32 to vector<16xi32>
      %add3A_631 = arith.addi %iota3A, %add3A_630 : vector<16xi32>
      %gather3A_632 = tpu.vector_load_idx %arg9[%add3A_631, %add3A_8] : memref<400x128xi32, #tpu.memory_space<vmem>>[vector<16xi32>, vector<16xi32>], vector<16xi32>,
      %add3A_633 = arith.constant 1 : i32
      %add3A_634 = vector.broadcast %add3A_633 : i32 to vector<16xi32>
      %add3A_635 = arith.addi %add3A_8, %add3A_634 : vector<16xi32>
      %gather3A_636 = tpu.vector_load_idx %arg9[%add3A_631, %add3A_635] : memref<400x128xi32, #tpu.memory_space<vmem>>[vector<16xi32>, vector<16xi32>], vector<16xi32>,
      %add3A_637 = arith.constant 2 : i32
      %add3A_638 = vector.broadcast %add3A_637 : i32 to vector<16xi32>
      %add3A_639 = arith.addi %add3A_8, %add3A_638 : vector<16xi32>
      %gather3A_640 = tpu.vector_load_idx %arg9[%add3A_631, %add3A_639] : memref<400x128xi32, #tpu.memory_space<vmem>>[vector<16xi32>, vector<16xi32>], vector<16xi32>,
      %bitcast3A_641 = vector.bitcast %gather3A_632 : vector<16xi32> to vector<16xf32>
      %swap3A_642 = arith.constant 32 : index
      %swap3A_643 = tpu.vector_load %arg11[%swap3A_642] {strides = array<i32>} : memref<400xf32, #tpu.memory_space<vmem>>, vector<16xf32>,
      tpu.vector_store %arg11[%swap3A_642], %bitcast3A_641 {strides = array<i32>} : memref<400xf32, #tpu.memory_space<vmem>>, vector<16xf32>,
      %bitcast3A_644 = vector.bitcast %gather3A_636 : vector<16xi32> to vector<16xf32>
      %swap3A_645 = arith.constant 32 : index
      %swap3A_646 = tpu.vector_load %arg12[%swap3A_645] {strides = array<i32>} : memref<400xf32, #tpu.memory_space<vmem>>, vector<16xf32>,
      tpu.vector_store %arg12[%swap3A_645], %bitcast3A_644 {strides = array<i32>} : memref<400xf32, #tpu.memory_space<vmem>>, vector<16xf32>,
      %bitcast3A_647 = vector.bitcast %gather3A_640 : vector<16xi32> to vector<16xf32>
      %swap3A_648 = arith.constant 32 : index
      %swap3A_649 = tpu.vector_load %arg13[%swap3A_648] {strides = array<i32>} : memref<400xf32, #tpu.memory_space<vmem>>, vector<16xf32>,
      tpu.vector_store %arg13[%swap3A_648], %bitcast3A_647 {strides = array<i32>} : memref<400xf32, #tpu.memory_space<vmem>>, vector<16xf32>,
      %add3A_650 = arith.constant 48 : i32
      %add3A_651 = vector.broadcast %add3A_650 : i32 to vector<16xi32>
      %add3A_652 = arith.addi %iota3A, %add3A_651 : vector<16xi32>
      %gather3A_653 = tpu.vector_load_idx %arg9[%add3A_652, %add3A_8] : memref<400x128xi32, #tpu.memory_space<vmem>>[vector<16xi32>, vector<16xi32>], vector<16xi32>,
      %add3A_654 = arith.constant 1 : i32
      %add3A_655 = vector.broadcast %add3A_654 : i32 to vector<16xi32>
      %add3A_656 = arith.addi %add3A_8, %add3A_655 : vector<16xi32>
      %gather3A_657 = tpu.vector_load_idx %arg9[%add3A_652, %add3A_656] : memref<400x128xi32, #tpu.memory_space<vmem>>[vector<16xi32>, vector<16xi32>], vector<16xi32>,
      %add3A_658 = arith.constant 2 : i32
      %add3A_659 = vector.broadcast %add3A_658 : i32 to vector<16xi32>
      %add3A_660 = arith.addi %add3A_8, %add3A_659 : vector<16xi32>
      %gather3A_661 = tpu.vector_load_idx %arg9[%add3A_652, %add3A_660] : memref<400x128xi32, #tpu.memory_space<vmem>>[vector<16xi32>, vector<16xi32>], vector<16xi32>,
      %bitcast3A_662 = vector.bitcast %gather3A_653 : vector<16xi32> to vector<16xf32>
      %swap3A_663 = arith.constant 48 : index
      %swap3A_664 = tpu.vector_load %arg11[%swap3A_663] {strides = array<i32>} : memref<400xf32, #tpu.memory_space<vmem>>, vector<16xf32>,
      tpu.vector_store %arg11[%swap3A_663], %bitcast3A_662 {strides = array<i32>} : memref<400xf32, #tpu.memory_space<vmem>>, vector<16xf32>,
      %bitcast3A_665 = vector.bitcast %gather3A_657 : vector<16xi32> to vector<16xf32>
      %swap3A_666 = arith.constant 48 : index
      %swap3A_667 = tpu.vector_load %arg12[%swap3A_666] {strides = array<i32>} : memref<400xf32, #tpu.memory_space<vmem>>, vector<16xf32>,
      tpu.vector_store %arg12[%swap3A_666], %bitcast3A_665 {strides = array<i32>} : memref<400xf32, #tpu.memory_space<vmem>>, vector<16xf32>,
      %bitcast3A_668 = vector.bitcast %gather3A_661 : vector<16xi32> to vector<16xf32>
      %swap3A_669 = arith.constant 48 : index
      %swap3A_670 = tpu.vector_load %arg13[%swap3A_669] {strides = array<i32>} : memref<400xf32, #tpu.memory_space<vmem>>, vector<16xf32>,
      tpu.vector_store %arg13[%swap3A_669], %bitcast3A_668 {strides = array<i32>} : memref<400xf32, #tpu.memory_space<vmem>>, vector<16xf32>,
      %add3A_671 = arith.constant 64 : i32
      %add3A_672 = vector.broadcast %add3A_671 : i32 to vector<16xi32>
      %add3A_673 = arith.addi %iota3A, %add3A_672 : vector<16xi32>
      %gather3A_674 = tpu.vector_load_idx %arg9[%add3A_673, %add3A_8] : memref<400x128xi32, #tpu.memory_space<vmem>>[vector<16xi32>, vector<16xi32>], vector<16xi32>,
      %add3A_675 = arith.constant 1 : i32
      %add3A_676 = vector.broadcast %add3A_675 : i32 to vector<16xi32>
      %add3A_677 = arith.addi %add3A_8, %add3A_676 : vector<16xi32>
      %gather3A_678 = tpu.vector_load_idx %arg9[%add3A_673, %add3A_677] : memref<400x128xi32, #tpu.memory_space<vmem>>[vector<16xi32>, vector<16xi32>], vector<16xi32>,
      %add3A_679 = arith.constant 2 : i32
      %add3A_680 = vector.broadcast %add3A_679 : i32 to vector<16xi32>
      %add3A_681 = arith.addi %add3A_8, %add3A_680 : vector<16xi32>
      %gather3A_682 = tpu.vector_load_idx %arg9[%add3A_673, %add3A_681] : memref<400x128xi32, #tpu.memory_space<vmem>>[vector<16xi32>, vector<16xi32>], vector<16xi32>,
      %bitcast3A_683 = vector.bitcast %gather3A_674 : vector<16xi32> to vector<16xf32>
      %swap3A_684 = arith.constant 64 : index
      %swap3A_685 = tpu.vector_load %arg11[%swap3A_684] {strides = array<i32>} : memref<400xf32, #tpu.memory_space<vmem>>, vector<16xf32>,
      tpu.vector_store %arg11[%swap3A_684], %bitcast3A_683 {strides = array<i32>} : memref<400xf32, #tpu.memory_space<vmem>>, vector<16xf32>,
      %bitcast3A_686 = vector.bitcast %gather3A_678 : vector<16xi32> to vector<16xf32>
      %swap3A_687 = arith.constant 64 : index
      %swap3A_688 = tpu.vector_load %arg12[%swap3A_687] {strides = array<i32>} : memref<400xf32, #tpu.memory_space<vmem>>, vector<16xf32>,
      tpu.vector_store %arg12[%swap3A_687], %bitcast3A_686 {strides = array<i32>} : memref<400xf32, #tpu.memory_space<vmem>>, vector<16xf32>,
      %bitcast3A_689 = vector.bitcast %gather3A_682 : vector<16xi32> to vector<16xf32>
      %swap3A_690 = arith.constant 64 : index
      %swap3A_691 = tpu.vector_load %arg13[%swap3A_690] {strides = array<i32>} : memref<400xf32, #tpu.memory_space<vmem>>, vector<16xf32>,
      tpu.vector_store %arg13[%swap3A_690], %bitcast3A_689 {strides = array<i32>} : memref<400xf32, #tpu.memory_space<vmem>>, vector<16xf32>,
      %add3A_692 = arith.constant 80 : i32
      %add3A_693 = vector.broadcast %add3A_692 : i32 to vector<16xi32>
      %add3A_694 = arith.addi %iota3A, %add3A_693 : vector<16xi32>
      %gather3A_695 = tpu.vector_load_idx %arg9[%add3A_694, %add3A_8] : memref<400x128xi32, #tpu.memory_space<vmem>>[vector<16xi32>, vector<16xi32>], vector<16xi32>,
      %add3A_696 = arith.constant 1 : i32
      %add3A_697 = vector.broadcast %add3A_696 : i32 to vector<16xi32>
      %add3A_698 = arith.addi %add3A_8, %add3A_697 : vector<16xi32>
      %gather3A_699 = tpu.vector_load_idx %arg9[%add3A_694, %add3A_698] : memref<400x128xi32, #tpu.memory_space<vmem>>[vector<16xi32>, vector<16xi32>], vector<16xi32>,
      %add3A_700 = arith.constant 2 : i32
      %add3A_701 = vector.broadcast %add3A_700 : i32 to vector<16xi32>
      %add3A_702 = arith.addi %add3A_8, %add3A_701 : vector<16xi32>
      %gather3A_703 = tpu.vector_load_idx %arg9[%add3A_694, %add3A_702] : memref<400x128xi32, #tpu.memory_space<vmem>>[vector<16xi32>, vector<16xi32>], vector<16xi32>,
      %bitcast3A_704 = vector.bitcast %gather3A_695 : vector<16xi32> to vector<16xf32>
      %swap3A_705 = arith.constant 80 : index
      %swap3A_706 = tpu.vector_load %arg11[%swap3A_705] {strides = array<i32>} : memref<400xf32, #tpu.memory_space<vmem>>, vector<16xf32>,
      tpu.vector_store %arg11[%swap3A_705], %bitcast3A_704 {strides = array<i32>} : memref<400xf32, #tpu.memory_space<vmem>>, vector<16xf32>,
      %bitcast3A_707 = vector.bitcast %gather3A_699 : vector<16xi32> to vector<16xf32>
      %swap3A_708 = arith.constant 80 : index
      %swap3A_709 = tpu.vector_load %arg12[%swap3A_708] {strides = array<i32>} : memref<400xf32, #tpu.memory_space<vmem>>, vector<16xf32>,
      tpu.vector_store %arg12[%swap3A_708], %bitcast3A_707 {strides = array<i32>} : memref<400xf32, #tpu.memory_space<vmem>>, vector<16xf32>,
      %bitcast3A_710 = vector.bitcast %gather3A_703 : vector<16xi32> to vector<16xf32>
      %swap3A_711 = arith.constant 80 : index
      %swap3A_712 = tpu.vector_load %arg13[%swap3A_711] {strides = array<i32>} : memref<400xf32, #tpu.memory_space<vmem>>, vector<16xf32>,
      tpu.vector_store %arg13[%swap3A_711], %bitcast3A_710 {strides = array<i32>} : memref<400xf32, #tpu.memory_space<vmem>>, vector<16xf32>,
      %add3A_713 = arith.constant 96 : i32
      %add3A_714 = vector.broadcast %add3A_713 : i32 to vector<16xi32>
      %add3A_715 = arith.addi %iota3A, %add3A_714 : vector<16xi32>
      %gather3A_716 = tpu.vector_load_idx %arg9[%add3A_715, %add3A_8] : memref<400x128xi32, #tpu.memory_space<vmem>>[vector<16xi32>, vector<16xi32>], vector<16xi32>,
      %add3A_717 = arith.constant 1 : i32
      %add3A_718 = vector.broadcast %add3A_717 : i32 to vector<16xi32>
      %add3A_719 = arith.addi %add3A_8, %add3A_718 : vector<16xi32>
      %gather3A_720 = tpu.vector_load_idx %arg9[%add3A_715, %add3A_719] : memref<400x128xi32, #tpu.memory_space<vmem>>[vector<16xi32>, vector<16xi32>], vector<16xi32>,
      %add3A_721 = arith.constant 2 : i32
      %add3A_722 = vector.broadcast %add3A_721 : i32 to vector<16xi32>
      %add3A_723 = arith.addi %add3A_8, %add3A_722 : vector<16xi32>
      %gather3A_724 = tpu.vector_load_idx %arg9[%add3A_715, %add3A_723] : memref<400x128xi32, #tpu.memory_space<vmem>>[vector<16xi32>, vector<16xi32>], vector<16xi32>,
      %bitcast3A_725 = vector.bitcast %gather3A_716 : vector<16xi32> to vector<16xf32>
      %swap3A_726 = arith.constant 96 : index
      %swap3A_727 = tpu.vector_load %arg11[%swap3A_726] {strides = array<i32>} : memref<400xf32, #tpu.memory_space<vmem>>, vector<16xf32>,
      tpu.vector_store %arg11[%swap3A_726], %bitcast3A_725 {strides = array<i32>} : memref<400xf32, #tpu.memory_space<vmem>>, vector<16xf32>,
      %bitcast3A_728 = vector.bitcast %gather3A_720 : vector<16xi32> to vector<16xf32>
      %swap3A_729 = arith.constant 96 : index
      %swap3A_730 = tpu.vector_load %arg12[%swap3A_729] {strides = array<i32>} : memref<400xf32, #tpu.memory_space<vmem>>, vector<16xf32>,
      tpu.vector_store %arg12[%swap3A_729], %bitcast3A_728 {strides = array<i32>} : memref<400xf32, #tpu.memory_space<vmem>>, vector<16xf32>,
      %bitcast3A_731 = vector.bitcast %gather3A_724 : vector<16xi32> to vector<16xf32>
      %swap3A_732 = arith.constant 96 : index
      %swap3A_733 = tpu.vector_load %arg13[%swap3A_732] {strides = array<i32>} : memref<400xf32, #tpu.memory_space<vmem>>, vector<16xf32>,
      tpu.vector_store %arg13[%swap3A_732], %bitcast3A_731 {strides = array<i32>} : memref<400xf32, #tpu.memory_space<vmem>>, vector<16xf32>,
      %add3A_734 = arith.constant 112 : i32
      %add3A_735 = vector.broadcast %add3A_734 : i32 to vector<16xi32>
      %add3A_736 = arith.addi %iota3A, %add3A_735 : vector<16xi32>
      %gather3A_737 = tpu.vector_load_idx %arg9[%add3A_736, %add3A_8] : memref<400x128xi32, #tpu.memory_space<vmem>>[vector<16xi32>, vector<16xi32>], vector<16xi32>,
      %add3A_738 = arith.constant 1 : i32
      %add3A_739 = vector.broadcast %add3A_738 : i32 to vector<16xi32>
      %add3A_740 = arith.addi %add3A_8, %add3A_739 : vector<16xi32>
      %gather3A_741 = tpu.vector_load_idx %arg9[%add3A_736, %add3A_740] : memref<400x128xi32, #tpu.memory_space<vmem>>[vector<16xi32>, vector<16xi32>], vector<16xi32>,
      %add3A_742 = arith.constant 2 : i32
      %add3A_743 = vector.broadcast %add3A_742 : i32 to vector<16xi32>
      %add3A_744 = arith.addi %add3A_8, %add3A_743 : vector<16xi32>
      %gather3A_745 = tpu.vector_load_idx %arg9[%add3A_736, %add3A_744] : memref<400x128xi32, #tpu.memory_space<vmem>>[vector<16xi32>, vector<16xi32>], vector<16xi32>,
      %bitcast3A_746 = vector.bitcast %gather3A_737 : vector<16xi32> to vector<16xf32>
      %swap3A_747 = arith.constant 112 : index
      %swap3A_748 = tpu.vector_load %arg11[%swap3A_747] {strides = array<i32>} : memref<400xf32, #tpu.memory_space<vmem>>, vector<16xf32>,
      tpu.vector_store %arg11[%swap3A_747], %bitcast3A_746 {strides = array<i32>} : memref<400xf32, #tpu.memory_space<vmem>>, vector<16xf32>,
      %bitcast3A_749 = vector.bitcast %gather3A_741 : vector<16xi32> to vector<16xf32>
      %swap3A_750 = arith.constant 112 : index
      %swap3A_751 = tpu.vector_load %arg12[%swap3A_750] {strides = array<i32>} : memref<400xf32, #tpu.memory_space<vmem>>, vector<16xf32>,
      tpu.vector_store %arg12[%swap3A_750], %bitcast3A_749 {strides = array<i32>} : memref<400xf32, #tpu.memory_space<vmem>>, vector<16xf32>,
      %bitcast3A_752 = vector.bitcast %gather3A_745 : vector<16xi32> to vector<16xf32>
      %swap3A_753 = arith.constant 112 : index
      %swap3A_754 = tpu.vector_load %arg13[%swap3A_753] {strides = array<i32>} : memref<400xf32, #tpu.memory_space<vmem>>, vector<16xf32>,
      tpu.vector_store %arg13[%swap3A_753], %bitcast3A_752 {strides = array<i32>} : memref<400xf32, #tpu.memory_space<vmem>>, vector<16xf32>,
      %add3A_755 = arith.constant 128 : i32
      %add3A_756 = vector.broadcast %add3A_755 : i32 to vector<16xi32>
      %add3A_757 = arith.addi %iota3A, %add3A_756 : vector<16xi32>
      %gather3A_758 = tpu.vector_load_idx %arg9[%add3A_757, %add3A_8] : memref<400x128xi32, #tpu.memory_space<vmem>>[vector<16xi32>, vector<16xi32>], vector<16xi32>,
      %add3A_759 = arith.constant 1 : i32
      %add3A_760 = vector.broadcast %add3A_759 : i32 to vector<16xi32>
      %add3A_761 = arith.addi %add3A_8, %add3A_760 : vector<16xi32>
      %gather3A_762 = tpu.vector_load_idx %arg9[%add3A_757, %add3A_761] : memref<400x128xi32, #tpu.memory_space<vmem>>[vector<16xi32>, vector<16xi32>], vector<16xi32>,
      %add3A_763 = arith.constant 2 : i32
      %add3A_764 = vector.broadcast %add3A_763 : i32 to vector<16xi32>
      %add3A_765 = arith.addi %add3A_8, %add3A_764 : vector<16xi32>
      %gather3A_766 = tpu.vector_load_idx %arg9[%add3A_757, %add3A_765] : memref<400x128xi32, #tpu.memory_space<vmem>>[vector<16xi32>, vector<16xi32>], vector<16xi32>,
      %bitcast3A_767 = vector.bitcast %gather3A_758 : vector<16xi32> to vector<16xf32>
      %swap3A_768 = arith.constant 128 : index
      %swap3A_769 = tpu.vector_load %arg11[%swap3A_768] {strides = array<i32>} : memref<400xf32, #tpu.memory_space<vmem>>, vector<16xf32>,
      tpu.vector_store %arg11[%swap3A_768], %bitcast3A_767 {strides = array<i32>} : memref<400xf32, #tpu.memory_space<vmem>>, vector<16xf32>,
      %bitcast3A_770 = vector.bitcast %gather3A_762 : vector<16xi32> to vector<16xf32>
      %swap3A_771 = arith.constant 128 : index
      %swap3A_772 = tpu.vector_load %arg12[%swap3A_771] {strides = array<i32>} : memref<400xf32, #tpu.memory_space<vmem>>, vector<16xf32>,
      tpu.vector_store %arg12[%swap3A_771], %bitcast3A_770 {strides = array<i32>} : memref<400xf32, #tpu.memory_space<vmem>>, vector<16xf32>,
      %bitcast3A_773 = vector.bitcast %gather3A_766 : vector<16xi32> to vector<16xf32>
      %swap3A_774 = arith.constant 128 : index
      %swap3A_775 = tpu.vector_load %arg13[%swap3A_774] {strides = array<i32>} : memref<400xf32, #tpu.memory_space<vmem>>, vector<16xf32>,
      tpu.vector_store %arg13[%swap3A_774], %bitcast3A_773 {strides = array<i32>} : memref<400xf32, #tpu.memory_space<vmem>>, vector<16xf32>,
      %add3A_776 = arith.constant 144 : i32
      %add3A_777 = vector.broadcast %add3A_776 : i32 to vector<16xi32>
      %add3A_778 = arith.addi %iota3A, %add3A_777 : vector<16xi32>
      %gather3A_779 = tpu.vector_load_idx %arg9[%add3A_778, %add3A_8] : memref<400x128xi32, #tpu.memory_space<vmem>>[vector<16xi32>, vector<16xi32>], vector<16xi32>,
      %add3A_780 = arith.constant 1 : i32
      %add3A_781 = vector.broadcast %add3A_780 : i32 to vector<16xi32>
      %add3A_782 = arith.addi %add3A_8, %add3A_781 : vector<16xi32>
      %gather3A_783 = tpu.vector_load_idx %arg9[%add3A_778, %add3A_782] : memref<400x128xi32, #tpu.memory_space<vmem>>[vector<16xi32>, vector<16xi32>], vector<16xi32>,
      %add3A_784 = arith.constant 2 : i32
      %add3A_785 = vector.broadcast %add3A_784 : i32 to vector<16xi32>
      %add3A_786 = arith.addi %add3A_8, %add3A_785 : vector<16xi32>
      %gather3A_787 = tpu.vector_load_idx %arg9[%add3A_778, %add3A_786] : memref<400x128xi32, #tpu.memory_space<vmem>>[vector<16xi32>, vector<16xi32>], vector<16xi32>,
      %bitcast3A_788 = vector.bitcast %gather3A_779 : vector<16xi32> to vector<16xf32>
      %swap3A_789 = arith.constant 144 : index
      %swap3A_790 = tpu.vector_load %arg11[%swap3A_789] {strides = array<i32>} : memref<400xf32, #tpu.memory_space<vmem>>, vector<16xf32>,
      tpu.vector_store %arg11[%swap3A_789], %bitcast3A_788 {strides = array<i32>} : memref<400xf32, #tpu.memory_space<vmem>>, vector<16xf32>,
      %bitcast3A_791 = vector.bitcast %gather3A_783 : vector<16xi32> to vector<16xf32>
      %swap3A_792 = arith.constant 144 : index
      %swap3A_793 = tpu.vector_load %arg12[%swap3A_792] {strides = array<i32>} : memref<400xf32, #tpu.memory_space<vmem>>, vector<16xf32>,
      tpu.vector_store %arg12[%swap3A_792], %bitcast3A_791 {strides = array<i32>} : memref<400xf32, #tpu.memory_space<vmem>>, vector<16xf32>,
      %bitcast3A_794 = vector.bitcast %gather3A_787 : vector<16xi32> to vector<16xf32>
      %swap3A_795 = arith.constant 144 : index
      %swap3A_796 = tpu.vector_load %arg13[%swap3A_795] {strides = array<i32>} : memref<400xf32, #tpu.memory_space<vmem>>, vector<16xf32>,
      tpu.vector_store %arg13[%swap3A_795], %bitcast3A_794 {strides = array<i32>} : memref<400xf32, #tpu.memory_space<vmem>>, vector<16xf32>,
      %add3A_797 = arith.constant 160 : i32
      %add3A_798 = vector.broadcast %add3A_797 : i32 to vector<16xi32>
      %add3A_799 = arith.addi %iota3A, %add3A_798 : vector<16xi32>
      %gather3A_800 = tpu.vector_load_idx %arg9[%add3A_799, %add3A_8] : memref<400x128xi32, #tpu.memory_space<vmem>>[vector<16xi32>, vector<16xi32>], vector<16xi32>,
      %add3A_801 = arith.constant 1 : i32
      %add3A_802 = vector.broadcast %add3A_801 : i32 to vector<16xi32>
      %add3A_803 = arith.addi %add3A_8, %add3A_802 : vector<16xi32>
      %gather3A_804 = tpu.vector_load_idx %arg9[%add3A_799, %add3A_803] : memref<400x128xi32, #tpu.memory_space<vmem>>[vector<16xi32>, vector<16xi32>], vector<16xi32>,
      %add3A_805 = arith.constant 2 : i32
      %add3A_806 = vector.broadcast %add3A_805 : i32 to vector<16xi32>
      %add3A_807 = arith.addi %add3A_8, %add3A_806 : vector<16xi32>
      %gather3A_808 = tpu.vector_load_idx %arg9[%add3A_799, %add3A_807] : memref<400x128xi32, #tpu.memory_space<vmem>>[vector<16xi32>, vector<16xi32>], vector<16xi32>,
      %bitcast3A_809 = vector.bitcast %gather3A_800 : vector<16xi32> to vector<16xf32>
      %swap3A_810 = arith.constant 160 : index
      %swap3A_811 = tpu.vector_load %arg11[%swap3A_810] {strides = array<i32>} : memref<400xf32, #tpu.memory_space<vmem>>, vector<16xf32>,
      tpu.vector_store %arg11[%swap3A_810], %bitcast3A_809 {strides = array<i32>} : memref<400xf32, #tpu.memory_space<vmem>>, vector<16xf32>,
      %bitcast3A_812 = vector.bitcast %gather3A_804 : vector<16xi32> to vector<16xf32>
      %swap3A_813 = arith.constant 160 : index
      %swap3A_814 = tpu.vector_load %arg12[%swap3A_813] {strides = array<i32>} : memref<400xf32, #tpu.memory_space<vmem>>, vector<16xf32>,
      tpu.vector_store %arg12[%swap3A_813], %bitcast3A_812 {strides = array<i32>} : memref<400xf32, #tpu.memory_space<vmem>>, vector<16xf32>,
      %bitcast3A_815 = vector.bitcast %gather3A_808 : vector<16xi32> to vector<16xf32>
      %swap3A_816 = arith.constant 160 : index
      %swap3A_817 = tpu.vector_load %arg13[%swap3A_816] {strides = array<i32>} : memref<400xf32, #tpu.memory_space<vmem>>, vector<16xf32>,
      tpu.vector_store %arg13[%swap3A_816], %bitcast3A_815 {strides = array<i32>} : memref<400xf32, #tpu.memory_space<vmem>>, vector<16xf32>,
      %add3A_818 = arith.constant 176 : i32
      %add3A_819 = vector.broadcast %add3A_818 : i32 to vector<16xi32>
      %add3A_820 = arith.addi %iota3A, %add3A_819 : vector<16xi32>
      %gather3A_821 = tpu.vector_load_idx %arg9[%add3A_820, %add3A_8] : memref<400x128xi32, #tpu.memory_space<vmem>>[vector<16xi32>, vector<16xi32>], vector<16xi32>,
      %add3A_822 = arith.constant 1 : i32
      %add3A_823 = vector.broadcast %add3A_822 : i32 to vector<16xi32>
      %add3A_824 = arith.addi %add3A_8, %add3A_823 : vector<16xi32>
      %gather3A_825 = tpu.vector_load_idx %arg9[%add3A_820, %add3A_824] : memref<400x128xi32, #tpu.memory_space<vmem>>[vector<16xi32>, vector<16xi32>], vector<16xi32>,
      %add3A_826 = arith.constant 2 : i32
      %add3A_827 = vector.broadcast %add3A_826 : i32 to vector<16xi32>
      %add3A_828 = arith.addi %add3A_8, %add3A_827 : vector<16xi32>
      %gather3A_829 = tpu.vector_load_idx %arg9[%add3A_820, %add3A_828] : memref<400x128xi32, #tpu.memory_space<vmem>>[vector<16xi32>, vector<16xi32>], vector<16xi32>,
      %bitcast3A_830 = vector.bitcast %gather3A_821 : vector<16xi32> to vector<16xf32>
      %swap3A_831 = arith.constant 176 : index
      %swap3A_832 = tpu.vector_load %arg11[%swap3A_831] {strides = array<i32>} : memref<400xf32, #tpu.memory_space<vmem>>, vector<16xf32>,
      tpu.vector_store %arg11[%swap3A_831], %bitcast3A_830 {strides = array<i32>} : memref<400xf32, #tpu.memory_space<vmem>>, vector<16xf32>,
      %bitcast3A_833 = vector.bitcast %gather3A_825 : vector<16xi32> to vector<16xf32>
      %swap3A_834 = arith.constant 176 : index
      %swap3A_835 = tpu.vector_load %arg12[%swap3A_834] {strides = array<i32>} : memref<400xf32, #tpu.memory_space<vmem>>, vector<16xf32>,
      tpu.vector_store %arg12[%swap3A_834], %bitcast3A_833 {strides = array<i32>} : memref<400xf32, #tpu.memory_space<vmem>>, vector<16xf32>,
      %bitcast3A_836 = vector.bitcast %gather3A_829 : vector<16xi32> to vector<16xf32>
      %swap3A_837 = arith.constant 176 : index
      %swap3A_838 = tpu.vector_load %arg13[%swap3A_837] {strides = array<i32>} : memref<400xf32, #tpu.memory_space<vmem>>, vector<16xf32>,
      tpu.vector_store %arg13[%swap3A_837], %bitcast3A_836 {strides = array<i32>} : memref<400xf32, #tpu.memory_space<vmem>>, vector<16xf32>,
      %add3A_839 = arith.constant 192 : i32
      %add3A_840 = vector.broadcast %add3A_839 : i32 to vector<16xi32>
      %add3A_841 = arith.addi %iota3A, %add3A_840 : vector<16xi32>
      %gather3A_842 = tpu.vector_load_idx %arg9[%add3A_841, %add3A_8] : memref<400x128xi32, #tpu.memory_space<vmem>>[vector<16xi32>, vector<16xi32>], vector<16xi32>,
      %add3A_843 = arith.constant 1 : i32
      %add3A_844 = vector.broadcast %add3A_843 : i32 to vector<16xi32>
      %add3A_845 = arith.addi %add3A_8, %add3A_844 : vector<16xi32>
      %gather3A_846 = tpu.vector_load_idx %arg9[%add3A_841, %add3A_845] : memref<400x128xi32, #tpu.memory_space<vmem>>[vector<16xi32>, vector<16xi32>], vector<16xi32>,
      %add3A_847 = arith.constant 2 : i32
      %add3A_848 = vector.broadcast %add3A_847 : i32 to vector<16xi32>
      %add3A_849 = arith.addi %add3A_8, %add3A_848 : vector<16xi32>
      %gather3A_850 = tpu.vector_load_idx %arg9[%add3A_841, %add3A_849] : memref<400x128xi32, #tpu.memory_space<vmem>>[vector<16xi32>, vector<16xi32>], vector<16xi32>,
      %bitcast3A_851 = vector.bitcast %gather3A_842 : vector<16xi32> to vector<16xf32>
      %swap3A_852 = arith.constant 192 : index
      %swap3A_853 = tpu.vector_load %arg11[%swap3A_852] {strides = array<i32>} : memref<400xf32, #tpu.memory_space<vmem>>, vector<16xf32>,
      tpu.vector_store %arg11[%swap3A_852], %bitcast3A_851 {strides = array<i32>} : memref<400xf32, #tpu.memory_space<vmem>>, vector<16xf32>,
      %bitcast3A_854 = vector.bitcast %gather3A_846 : vector<16xi32> to vector<16xf32>
      %swap3A_855 = arith.constant 192 : index
      %swap3A_856 = tpu.vector_load %arg12[%swap3A_855] {strides = array<i32>} : memref<400xf32, #tpu.memory_space<vmem>>, vector<16xf32>,
      tpu.vector_store %arg12[%swap3A_855], %bitcast3A_854 {strides = array<i32>} : memref<400xf32, #tpu.memory_space<vmem>>, vector<16xf32>,
      %bitcast3A_857 = vector.bitcast %gather3A_850 : vector<16xi32> to vector<16xf32>
      %swap3A_858 = arith.constant 192 : index
      %swap3A_859 = tpu.vector_load %arg13[%swap3A_858] {strides = array<i32>} : memref<400xf32, #tpu.memory_space<vmem>>, vector<16xf32>,
      tpu.vector_store %arg13[%swap3A_858], %bitcast3A_857 {strides = array<i32>} : memref<400xf32, #tpu.memory_space<vmem>>, vector<16xf32>,
      %add3A_860 = arith.constant 208 : i32
      %add3A_861 = vector.broadcast %add3A_860 : i32 to vector<16xi32>
      %add3A_862 = arith.addi %iota3A, %add3A_861 : vector<16xi32>
      %gather3A_863 = tpu.vector_load_idx %arg9[%add3A_862, %add3A_8] : memref<400x128xi32, #tpu.memory_space<vmem>>[vector<16xi32>, vector<16xi32>], vector<16xi32>,
      %add3A_864 = arith.constant 1 : i32
      %add3A_865 = vector.broadcast %add3A_864 : i32 to vector<16xi32>
      %add3A_866 = arith.addi %add3A_8, %add3A_865 : vector<16xi32>
      %gather3A_867 = tpu.vector_load_idx %arg9[%add3A_862, %add3A_866] : memref<400x128xi32, #tpu.memory_space<vmem>>[vector<16xi32>, vector<16xi32>], vector<16xi32>,
      %add3A_868 = arith.constant 2 : i32
      %add3A_869 = vector.broadcast %add3A_868 : i32 to vector<16xi32>
      %add3A_870 = arith.addi %add3A_8, %add3A_869 : vector<16xi32>
      %gather3A_871 = tpu.vector_load_idx %arg9[%add3A_862, %add3A_870] : memref<400x128xi32, #tpu.memory_space<vmem>>[vector<16xi32>, vector<16xi32>], vector<16xi32>,
      %bitcast3A_872 = vector.bitcast %gather3A_863 : vector<16xi32> to vector<16xf32>
      %swap3A_873 = arith.constant 208 : index
      %swap3A_874 = tpu.vector_load %arg11[%swap3A_873] {strides = array<i32>} : memref<400xf32, #tpu.memory_space<vmem>>, vector<16xf32>,
      tpu.vector_store %arg11[%swap3A_873], %bitcast3A_872 {strides = array<i32>} : memref<400xf32, #tpu.memory_space<vmem>>, vector<16xf32>,
      %bitcast3A_875 = vector.bitcast %gather3A_867 : vector<16xi32> to vector<16xf32>
      %swap3A_876 = arith.constant 208 : index
      %swap3A_877 = tpu.vector_load %arg12[%swap3A_876] {strides = array<i32>} : memref<400xf32, #tpu.memory_space<vmem>>, vector<16xf32>,
      tpu.vector_store %arg12[%swap3A_876], %bitcast3A_875 {strides = array<i32>} : memref<400xf32, #tpu.memory_space<vmem>>, vector<16xf32>,
      %bitcast3A_878 = vector.bitcast %gather3A_871 : vector<16xi32> to vector<16xf32>
      %swap3A_879 = arith.constant 208 : index
      %swap3A_880 = tpu.vector_load %arg13[%swap3A_879] {strides = array<i32>} : memref<400xf32, #tpu.memory_space<vmem>>, vector<16xf32>,
      tpu.vector_store %arg13[%swap3A_879], %bitcast3A_878 {strides = array<i32>} : memref<400xf32, #tpu.memory_space<vmem>>, vector<16xf32>,
      %add3A_881 = arith.constant 224 : i32
      %add3A_882 = vector.broadcast %add3A_881 : i32 to vector<16xi32>
      %add3A_883 = arith.addi %iota3A, %add3A_882 : vector<16xi32>
      %gather3A_884 = tpu.vector_load_idx %arg9[%add3A_883, %add3A_8] : memref<400x128xi32, #tpu.memory_space<vmem>>[vector<16xi32>, vector<16xi32>], vector<16xi32>,
      %add3A_885 = arith.constant 1 : i32
      %add3A_886 = vector.broadcast %add3A_885 : i32 to vector<16xi32>
      %add3A_887 = arith.addi %add3A_8, %add3A_886 : vector<16xi32>
      %gather3A_888 = tpu.vector_load_idx %arg9[%add3A_883, %add3A_887] : memref<400x128xi32, #tpu.memory_space<vmem>>[vector<16xi32>, vector<16xi32>], vector<16xi32>,
      %add3A_889 = arith.constant 2 : i32
      %add3A_890 = vector.broadcast %add3A_889 : i32 to vector<16xi32>
      %add3A_891 = arith.addi %add3A_8, %add3A_890 : vector<16xi32>
      %gather3A_892 = tpu.vector_load_idx %arg9[%add3A_883, %add3A_891] : memref<400x128xi32, #tpu.memory_space<vmem>>[vector<16xi32>, vector<16xi32>], vector<16xi32>,
      %bitcast3A_893 = vector.bitcast %gather3A_884 : vector<16xi32> to vector<16xf32>
      %swap3A_894 = arith.constant 224 : index
      %swap3A_895 = tpu.vector_load %arg11[%swap3A_894] {strides = array<i32>} : memref<400xf32, #tpu.memory_space<vmem>>, vector<16xf32>,
      tpu.vector_store %arg11[%swap3A_894], %bitcast3A_893 {strides = array<i32>} : memref<400xf32, #tpu.memory_space<vmem>>, vector<16xf32>,
      %bitcast3A_896 = vector.bitcast %gather3A_888 : vector<16xi32> to vector<16xf32>
      %swap3A_897 = arith.constant 224 : index
      %swap3A_898 = tpu.vector_load %arg12[%swap3A_897] {strides = array<i32>} : memref<400xf32, #tpu.memory_space<vmem>>, vector<16xf32>,
      tpu.vector_store %arg12[%swap3A_897], %bitcast3A_896 {strides = array<i32>} : memref<400xf32, #tpu.memory_space<vmem>>, vector<16xf32>,
      %bitcast3A_899 = vector.bitcast %gather3A_892 : vector<16xi32> to vector<16xf32>
      %swap3A_900 = arith.constant 224 : index
      %swap3A_901 = tpu.vector_load %arg13[%swap3A_900] {strides = array<i32>} : memref<400xf32, #tpu.memory_space<vmem>>, vector<16xf32>,
      tpu.vector_store %arg13[%swap3A_900], %bitcast3A_899 {strides = array<i32>} : memref<400xf32, #tpu.memory_space<vmem>>, vector<16xf32>,
      %add3A_902 = arith.constant 240 : i32
      %add3A_903 = vector.broadcast %add3A_902 : i32 to vector<16xi32>
      %add3A_904 = arith.addi %iota3A, %add3A_903 : vector<16xi32>
      %gather3A_905 = tpu.vector_load_idx %arg9[%add3A_904, %add3A_8] : memref<400x128xi32, #tpu.memory_space<vmem>>[vector<16xi32>, vector<16xi32>], vector<16xi32>,
      %add3A_906 = arith.constant 1 : i32
      %add3A_907 = vector.broadcast %add3A_906 : i32 to vector<16xi32>
      %add3A_908 = arith.addi %add3A_8, %add3A_907 : vector<16xi32>
      %gather3A_909 = tpu.vector_load_idx %arg9[%add3A_904, %add3A_908] : memref<400x128xi32, #tpu.memory_space<vmem>>[vector<16xi32>, vector<16xi32>], vector<16xi32>,
      %add3A_910 = arith.constant 2 : i32
      %add3A_911 = vector.broadcast %add3A_910 : i32 to vector<16xi32>
      %add3A_912 = arith.addi %add3A_8, %add3A_911 : vector<16xi32>
      %gather3A_913 = tpu.vector_load_idx %arg9[%add3A_904, %add3A_912] : memref<400x128xi32, #tpu.memory_space<vmem>>[vector<16xi32>, vector<16xi32>], vector<16xi32>,
      %bitcast3A_914 = vector.bitcast %gather3A_905 : vector<16xi32> to vector<16xf32>
      %swap3A_915 = arith.constant 240 : index
      %swap3A_916 = tpu.vector_load %arg11[%swap3A_915] {strides = array<i32>} : memref<400xf32, #tpu.memory_space<vmem>>, vector<16xf32>,
      tpu.vector_store %arg11[%swap3A_915], %bitcast3A_914 {strides = array<i32>} : memref<400xf32, #tpu.memory_space<vmem>>, vector<16xf32>,
      %bitcast3A_917 = vector.bitcast %gather3A_909 : vector<16xi32> to vector<16xf32>
      %swap3A_918 = arith.constant 240 : index
      %swap3A_919 = tpu.vector_load %arg12[%swap3A_918] {strides = array<i32>} : memref<400xf32, #tpu.memory_space<vmem>>, vector<16xf32>,
      tpu.vector_store %arg12[%swap3A_918], %bitcast3A_917 {strides = array<i32>} : memref<400xf32, #tpu.memory_space<vmem>>, vector<16xf32>,
      %bitcast3A_920 = vector.bitcast %gather3A_913 : vector<16xi32> to vector<16xf32>
      %swap3A_921 = arith.constant 240 : index
      %swap3A_922 = tpu.vector_load %arg13[%swap3A_921] {strides = array<i32>} : memref<400xf32, #tpu.memory_space<vmem>>, vector<16xf32>,
      tpu.vector_store %arg13[%swap3A_921], %bitcast3A_920 {strides = array<i32>} : memref<400xf32, #tpu.memory_space<vmem>>, vector<16xf32>,
      %add3A_923 = arith.constant 256 : i32
      %add3A_924 = vector.broadcast %add3A_923 : i32 to vector<16xi32>
      %add3A_925 = arith.addi %iota3A, %add3A_924 : vector<16xi32>
      %gather3A_926 = tpu.vector_load_idx %arg9[%add3A_925, %add3A_8] : memref<400x128xi32, #tpu.memory_space<vmem>>[vector<16xi32>, vector<16xi32>], vector<16xi32>,
      %add3A_927 = arith.constant 1 : i32
      %add3A_928 = vector.broadcast %add3A_927 : i32 to vector<16xi32>
      %add3A_929 = arith.addi %add3A_8, %add3A_928 : vector<16xi32>
      %gather3A_930 = tpu.vector_load_idx %arg9[%add3A_925, %add3A_929] : memref<400x128xi32, #tpu.memory_space<vmem>>[vector<16xi32>, vector<16xi32>], vector<16xi32>,
      %add3A_931 = arith.constant 2 : i32
      %add3A_932 = vector.broadcast %add3A_931 : i32 to vector<16xi32>
      %add3A_933 = arith.addi %add3A_8, %add3A_932 : vector<16xi32>
      %gather3A_934 = tpu.vector_load_idx %arg9[%add3A_925, %add3A_933] : memref<400x128xi32, #tpu.memory_space<vmem>>[vector<16xi32>, vector<16xi32>], vector<16xi32>,
      %bitcast3A_935 = vector.bitcast %gather3A_926 : vector<16xi32> to vector<16xf32>
      %swap3A_936 = arith.constant 256 : index
      %swap3A_937 = tpu.vector_load %arg11[%swap3A_936] {strides = array<i32>} : memref<400xf32, #tpu.memory_space<vmem>>, vector<16xf32>,
      tpu.vector_store %arg11[%swap3A_936], %bitcast3A_935 {strides = array<i32>} : memref<400xf32, #tpu.memory_space<vmem>>, vector<16xf32>,
      %bitcast3A_938 = vector.bitcast %gather3A_930 : vector<16xi32> to vector<16xf32>
      %swap3A_939 = arith.constant 256 : index
      %swap3A_940 = tpu.vector_load %arg12[%swap3A_939] {strides = array<i32>} : memref<400xf32, #tpu.memory_space<vmem>>, vector<16xf32>,
      tpu.vector_store %arg12[%swap3A_939], %bitcast3A_938 {strides = array<i32>} : memref<400xf32, #tpu.memory_space<vmem>>, vector<16xf32>,
      %bitcast3A_941 = vector.bitcast %gather3A_934 : vector<16xi32> to vector<16xf32>
      %swap3A_942 = arith.constant 256 : index
      %swap3A_943 = tpu.vector_load %arg13[%swap3A_942] {strides = array<i32>} : memref<400xf32, #tpu.memory_space<vmem>>, vector<16xf32>,
      tpu.vector_store %arg13[%swap3A_942], %bitcast3A_941 {strides = array<i32>} : memref<400xf32, #tpu.memory_space<vmem>>, vector<16xf32>,
      %add3A_944 = arith.constant 272 : i32
      %add3A_945 = vector.broadcast %add3A_944 : i32 to vector<16xi32>
      %add3A_946 = arith.addi %iota3A, %add3A_945 : vector<16xi32>
      %gather3A_947 = tpu.vector_load_idx %arg9[%add3A_946, %add3A_8] : memref<400x128xi32, #tpu.memory_space<vmem>>[vector<16xi32>, vector<16xi32>], vector<16xi32>,
      %add3A_948 = arith.constant 1 : i32
      %add3A_949 = vector.broadcast %add3A_948 : i32 to vector<16xi32>
      %add3A_950 = arith.addi %add3A_8, %add3A_949 : vector<16xi32>
      %gather3A_951 = tpu.vector_load_idx %arg9[%add3A_946, %add3A_950] : memref<400x128xi32, #tpu.memory_space<vmem>>[vector<16xi32>, vector<16xi32>], vector<16xi32>,
      %add3A_952 = arith.constant 2 : i32
      %add3A_953 = vector.broadcast %add3A_952 : i32 to vector<16xi32>
      %add3A_954 = arith.addi %add3A_8, %add3A_953 : vector<16xi32>
      %gather3A_955 = tpu.vector_load_idx %arg9[%add3A_946, %add3A_954] : memref<400x128xi32, #tpu.memory_space<vmem>>[vector<16xi32>, vector<16xi32>], vector<16xi32>,
      %bitcast3A_956 = vector.bitcast %gather3A_947 : vector<16xi32> to vector<16xf32>
      %swap3A_957 = arith.constant 272 : index
      %swap3A_958 = tpu.vector_load %arg11[%swap3A_957] {strides = array<i32>} : memref<400xf32, #tpu.memory_space<vmem>>, vector<16xf32>,
      tpu.vector_store %arg11[%swap3A_957], %bitcast3A_956 {strides = array<i32>} : memref<400xf32, #tpu.memory_space<vmem>>, vector<16xf32>,
      %bitcast3A_959 = vector.bitcast %gather3A_951 : vector<16xi32> to vector<16xf32>
      %swap3A_960 = arith.constant 272 : index
      %swap3A_961 = tpu.vector_load %arg12[%swap3A_960] {strides = array<i32>} : memref<400xf32, #tpu.memory_space<vmem>>, vector<16xf32>,
      tpu.vector_store %arg12[%swap3A_960], %bitcast3A_959 {strides = array<i32>} : memref<400xf32, #tpu.memory_space<vmem>>, vector<16xf32>,
      %bitcast3A_962 = vector.bitcast %gather3A_955 : vector<16xi32> to vector<16xf32>
      %swap3A_963 = arith.constant 272 : index
      %swap3A_964 = tpu.vector_load %arg13[%swap3A_963] {strides = array<i32>} : memref<400xf32, #tpu.memory_space<vmem>>, vector<16xf32>,
      tpu.vector_store %arg13[%swap3A_963], %bitcast3A_962 {strides = array<i32>} : memref<400xf32, #tpu.memory_space<vmem>>, vector<16xf32>,
      %add3A_965 = arith.constant 288 : i32
      %add3A_966 = vector.broadcast %add3A_965 : i32 to vector<16xi32>
      %add3A_967 = arith.addi %iota3A, %add3A_966 : vector<16xi32>
      %gather3A_968 = tpu.vector_load_idx %arg9[%add3A_967, %add3A_8] : memref<400x128xi32, #tpu.memory_space<vmem>>[vector<16xi32>, vector<16xi32>], vector<16xi32>,
      %add3A_969 = arith.constant 1 : i32
      %add3A_970 = vector.broadcast %add3A_969 : i32 to vector<16xi32>
      %add3A_971 = arith.addi %add3A_8, %add3A_970 : vector<16xi32>
      %gather3A_972 = tpu.vector_load_idx %arg9[%add3A_967, %add3A_971] : memref<400x128xi32, #tpu.memory_space<vmem>>[vector<16xi32>, vector<16xi32>], vector<16xi32>,
      %add3A_973 = arith.constant 2 : i32
      %add3A_974 = vector.broadcast %add3A_973 : i32 to vector<16xi32>
      %add3A_975 = arith.addi %add3A_8, %add3A_974 : vector<16xi32>
      %gather3A_976 = tpu.vector_load_idx %arg9[%add3A_967, %add3A_975] : memref<400x128xi32, #tpu.memory_space<vmem>>[vector<16xi32>, vector<16xi32>], vector<16xi32>,
      %bitcast3A_977 = vector.bitcast %gather3A_968 : vector<16xi32> to vector<16xf32>
      %swap3A_978 = arith.constant 288 : index
      %swap3A_979 = tpu.vector_load %arg11[%swap3A_978] {strides = array<i32>} : memref<400xf32, #tpu.memory_space<vmem>>, vector<16xf32>,
      tpu.vector_store %arg11[%swap3A_978], %bitcast3A_977 {strides = array<i32>} : memref<400xf32, #tpu.memory_space<vmem>>, vector<16xf32>,
      %bitcast3A_980 = vector.bitcast %gather3A_972 : vector<16xi32> to vector<16xf32>
      %swap3A_981 = arith.constant 288 : index
      %swap3A_982 = tpu.vector_load %arg12[%swap3A_981] {strides = array<i32>} : memref<400xf32, #tpu.memory_space<vmem>>, vector<16xf32>,
      tpu.vector_store %arg12[%swap3A_981], %bitcast3A_980 {strides = array<i32>} : memref<400xf32, #tpu.memory_space<vmem>>, vector<16xf32>,
      %bitcast3A_983 = vector.bitcast %gather3A_976 : vector<16xi32> to vector<16xf32>
      %swap3A_984 = arith.constant 288 : index
      %swap3A_985 = tpu.vector_load %arg13[%swap3A_984] {strides = array<i32>} : memref<400xf32, #tpu.memory_space<vmem>>, vector<16xf32>,
      tpu.vector_store %arg13[%swap3A_984], %bitcast3A_983 {strides = array<i32>} : memref<400xf32, #tpu.memory_space<vmem>>, vector<16xf32>,
      %add3A_986 = arith.constant 304 : i32
      %add3A_987 = vector.broadcast %add3A_986 : i32 to vector<16xi32>
      %add3A_988 = arith.addi %iota3A, %add3A_987 : vector<16xi32>
      %gather3A_989 = tpu.vector_load_idx %arg9[%add3A_988, %add3A_8] : memref<400x128xi32, #tpu.memory_space<vmem>>[vector<16xi32>, vector<16xi32>], vector<16xi32>,
      %add3A_990 = arith.constant 1 : i32
      %add3A_991 = vector.broadcast %add3A_990 : i32 to vector<16xi32>
      %add3A_992 = arith.addi %add3A_8, %add3A_991 : vector<16xi32>
      %gather3A_993 = tpu.vector_load_idx %arg9[%add3A_988, %add3A_992] : memref<400x128xi32, #tpu.memory_space<vmem>>[vector<16xi32>, vector<16xi32>], vector<16xi32>,
      %add3A_994 = arith.constant 2 : i32
      %add3A_995 = vector.broadcast %add3A_994 : i32 to vector<16xi32>
      %add3A_996 = arith.addi %add3A_8, %add3A_995 : vector<16xi32>
      %gather3A_997 = tpu.vector_load_idx %arg9[%add3A_988, %add3A_996] : memref<400x128xi32, #tpu.memory_space<vmem>>[vector<16xi32>, vector<16xi32>], vector<16xi32>,
      %bitcast3A_998 = vector.bitcast %gather3A_989 : vector<16xi32> to vector<16xf32>
      %swap3A_999 = arith.constant 304 : index
      %swap3A_1000 = tpu.vector_load %arg11[%swap3A_999] {strides = array<i32>} : memref<400xf32, #tpu.memory_space<vmem>>, vector<16xf32>,
      tpu.vector_store %arg11[%swap3A_999], %bitcast3A_998 {strides = array<i32>} : memref<400xf32, #tpu.memory_space<vmem>>, vector<16xf32>,
      %bitcast3A_1001 = vector.bitcast %gather3A_993 : vector<16xi32> to vector<16xf32>
      %swap3A_1002 = arith.constant 304 : index
      %swap3A_1003 = tpu.vector_load %arg12[%swap3A_1002] {strides = array<i32>} : memref<400xf32, #tpu.memory_space<vmem>>, vector<16xf32>,
      tpu.vector_store %arg12[%swap3A_1002], %bitcast3A_1001 {strides = array<i32>} : memref<400xf32, #tpu.memory_space<vmem>>, vector<16xf32>,
      %bitcast3A_1004 = vector.bitcast %gather3A_997 : vector<16xi32> to vector<16xf32>
      %swap3A_1005 = arith.constant 304 : index
      %swap3A_1006 = tpu.vector_load %arg13[%swap3A_1005] {strides = array<i32>} : memref<400xf32, #tpu.memory_space<vmem>>, vector<16xf32>,
      tpu.vector_store %arg13[%swap3A_1005], %bitcast3A_1004 {strides = array<i32>} : memref<400xf32, #tpu.memory_space<vmem>>, vector<16xf32>,
      %add3A_1007 = arith.constant 320 : i32
      %add3A_1008 = vector.broadcast %add3A_1007 : i32 to vector<16xi32>
      %add3A_1009 = arith.addi %iota3A, %add3A_1008 : vector<16xi32>
      %gather3A_1010 = tpu.vector_load_idx %arg9[%add3A_1009, %add3A_8] : memref<400x128xi32, #tpu.memory_space<vmem>>[vector<16xi32>, vector<16xi32>], vector<16xi32>,
      %add3A_1011 = arith.constant 1 : i32
      %add3A_1012 = vector.broadcast %add3A_1011 : i32 to vector<16xi32>
      %add3A_1013 = arith.addi %add3A_8, %add3A_1012 : vector<16xi32>
      %gather3A_1014 = tpu.vector_load_idx %arg9[%add3A_1009, %add3A_1013] : memref<400x128xi32, #tpu.memory_space<vmem>>[vector<16xi32>, vector<16xi32>], vector<16xi32>,
      %add3A_1015 = arith.constant 2 : i32
      %add3A_1016 = vector.broadcast %add3A_1015 : i32 to vector<16xi32>
      %add3A_1017 = arith.addi %add3A_8, %add3A_1016 : vector<16xi32>
      %gather3A_1018 = tpu.vector_load_idx %arg9[%add3A_1009, %add3A_1017] : memref<400x128xi32, #tpu.memory_space<vmem>>[vector<16xi32>, vector<16xi32>], vector<16xi32>,
      %bitcast3A_1019 = vector.bitcast %gather3A_1010 : vector<16xi32> to vector<16xf32>
      %swap3A_1020 = arith.constant 320 : index
      %swap3A_1021 = tpu.vector_load %arg11[%swap3A_1020] {strides = array<i32>} : memref<400xf32, #tpu.memory_space<vmem>>, vector<16xf32>,
      tpu.vector_store %arg11[%swap3A_1020], %bitcast3A_1019 {strides = array<i32>} : memref<400xf32, #tpu.memory_space<vmem>>, vector<16xf32>,
      %bitcast3A_1022 = vector.bitcast %gather3A_1014 : vector<16xi32> to vector<16xf32>
      %swap3A_1023 = arith.constant 320 : index
      %swap3A_1024 = tpu.vector_load %arg12[%swap3A_1023] {strides = array<i32>} : memref<400xf32, #tpu.memory_space<vmem>>, vector<16xf32>,
      tpu.vector_store %arg12[%swap3A_1023], %bitcast3A_1022 {strides = array<i32>} : memref<400xf32, #tpu.memory_space<vmem>>, vector<16xf32>,
      %bitcast3A_1025 = vector.bitcast %gather3A_1018 : vector<16xi32> to vector<16xf32>
      %swap3A_1026 = arith.constant 320 : index
      %swap3A_1027 = tpu.vector_load %arg13[%swap3A_1026] {strides = array<i32>} : memref<400xf32, #tpu.memory_space<vmem>>, vector<16xf32>,
      tpu.vector_store %arg13[%swap3A_1026], %bitcast3A_1025 {strides = array<i32>} : memref<400xf32, #tpu.memory_space<vmem>>, vector<16xf32>,
      %add3A_1028 = arith.constant 336 : i32
      %add3A_1029 = vector.broadcast %add3A_1028 : i32 to vector<16xi32>
      %add3A_1030 = arith.addi %iota3A, %add3A_1029 : vector<16xi32>
      %gather3A_1031 = tpu.vector_load_idx %arg9[%add3A_1030, %add3A_8] : memref<400x128xi32, #tpu.memory_space<vmem>>[vector<16xi32>, vector<16xi32>], vector<16xi32>,
      %add3A_1032 = arith.constant 1 : i32
      %add3A_1033 = vector.broadcast %add3A_1032 : i32 to vector<16xi32>
      %add3A_1034 = arith.addi %add3A_8, %add3A_1033 : vector<16xi32>
      %gather3A_1035 = tpu.vector_load_idx %arg9[%add3A_1030, %add3A_1034] : memref<400x128xi32, #tpu.memory_space<vmem>>[vector<16xi32>, vector<16xi32>], vector<16xi32>,
      %add3A_1036 = arith.constant 2 : i32
      %add3A_1037 = vector.broadcast %add3A_1036 : i32 to vector<16xi32>
      %add3A_1038 = arith.addi %add3A_8, %add3A_1037 : vector<16xi32>
      %gather3A_1039 = tpu.vector_load_idx %arg9[%add3A_1030, %add3A_1038] : memref<400x128xi32, #tpu.memory_space<vmem>>[vector<16xi32>, vector<16xi32>], vector<16xi32>,
      %bitcast3A_1040 = vector.bitcast %gather3A_1031 : vector<16xi32> to vector<16xf32>
      %swap3A_1041 = arith.constant 336 : index
      %swap3A_1042 = tpu.vector_load %arg11[%swap3A_1041] {strides = array<i32>} : memref<400xf32, #tpu.memory_space<vmem>>, vector<16xf32>,
      tpu.vector_store %arg11[%swap3A_1041], %bitcast3A_1040 {strides = array<i32>} : memref<400xf32, #tpu.memory_space<vmem>>, vector<16xf32>,
      %bitcast3A_1043 = vector.bitcast %gather3A_1035 : vector<16xi32> to vector<16xf32>
      %swap3A_1044 = arith.constant 336 : index
      %swap3A_1045 = tpu.vector_load %arg12[%swap3A_1044] {strides = array<i32>} : memref<400xf32, #tpu.memory_space<vmem>>, vector<16xf32>,
      tpu.vector_store %arg12[%swap3A_1044], %bitcast3A_1043 {strides = array<i32>} : memref<400xf32, #tpu.memory_space<vmem>>, vector<16xf32>,
      %bitcast3A_1046 = vector.bitcast %gather3A_1039 : vector<16xi32> to vector<16xf32>
      %swap3A_1047 = arith.constant 336 : index
      %swap3A_1048 = tpu.vector_load %arg13[%swap3A_1047] {strides = array<i32>} : memref<400xf32, #tpu.memory_space<vmem>>, vector<16xf32>,
      tpu.vector_store %arg13[%swap3A_1047], %bitcast3A_1046 {strides = array<i32>} : memref<400xf32, #tpu.memory_space<vmem>>, vector<16xf32>,
      %add3A_1049 = arith.constant 352 : i32
      %add3A_1050 = vector.broadcast %add3A_1049 : i32 to vector<16xi32>
      %add3A_1051 = arith.addi %iota3A, %add3A_1050 : vector<16xi32>
      %gather3A_1052 = tpu.vector_load_idx %arg9[%add3A_1051, %add3A_8] : memref<400x128xi32, #tpu.memory_space<vmem>>[vector<16xi32>, vector<16xi32>], vector<16xi32>,
      %add3A_1053 = arith.constant 1 : i32
      %add3A_1054 = vector.broadcast %add3A_1053 : i32 to vector<16xi32>
      %add3A_1055 = arith.addi %add3A_8, %add3A_1054 : vector<16xi32>
      %gather3A_1056 = tpu.vector_load_idx %arg9[%add3A_1051, %add3A_1055] : memref<400x128xi32, #tpu.memory_space<vmem>>[vector<16xi32>, vector<16xi32>], vector<16xi32>,
      %add3A_1057 = arith.constant 2 : i32
      %add3A_1058 = vector.broadcast %add3A_1057 : i32 to vector<16xi32>
      %add3A_1059 = arith.addi %add3A_8, %add3A_1058 : vector<16xi32>
      %gather3A_1060 = tpu.vector_load_idx %arg9[%add3A_1051, %add3A_1059] : memref<400x128xi32, #tpu.memory_space<vmem>>[vector<16xi32>, vector<16xi32>], vector<16xi32>,
      %bitcast3A_1061 = vector.bitcast %gather3A_1052 : vector<16xi32> to vector<16xf32>
      %swap3A_1062 = arith.constant 352 : index
      %swap3A_1063 = tpu.vector_load %arg11[%swap3A_1062] {strides = array<i32>} : memref<400xf32, #tpu.memory_space<vmem>>, vector<16xf32>,
      tpu.vector_store %arg11[%swap3A_1062], %bitcast3A_1061 {strides = array<i32>} : memref<400xf32, #tpu.memory_space<vmem>>, vector<16xf32>,
      %bitcast3A_1064 = vector.bitcast %gather3A_1056 : vector<16xi32> to vector<16xf32>
      %swap3A_1065 = arith.constant 352 : index
      %swap3A_1066 = tpu.vector_load %arg12[%swap3A_1065] {strides = array<i32>} : memref<400xf32, #tpu.memory_space<vmem>>, vector<16xf32>,
      tpu.vector_store %arg12[%swap3A_1065], %bitcast3A_1064 {strides = array<i32>} : memref<400xf32, #tpu.memory_space<vmem>>, vector<16xf32>,
      %bitcast3A_1067 = vector.bitcast %gather3A_1060 : vector<16xi32> to vector<16xf32>
      %swap3A_1068 = arith.constant 352 : index
      %swap3A_1069 = tpu.vector_load %arg13[%swap3A_1068] {strides = array<i32>} : memref<400xf32, #tpu.memory_space<vmem>>, vector<16xf32>,
      tpu.vector_store %arg13[%swap3A_1068], %bitcast3A_1067 {strides = array<i32>} : memref<400xf32, #tpu.memory_space<vmem>>, vector<16xf32>,
      %add3A_1070 = arith.constant 368 : i32
      %add3A_1071 = vector.broadcast %add3A_1070 : i32 to vector<16xi32>
      %add3A_1072 = arith.addi %iota3A, %add3A_1071 : vector<16xi32>
      %gather3A_1073 = tpu.vector_load_idx %arg9[%add3A_1072, %add3A_8] : memref<400x128xi32, #tpu.memory_space<vmem>>[vector<16xi32>, vector<16xi32>], vector<16xi32>,
      %add3A_1074 = arith.constant 1 : i32
      %add3A_1075 = vector.broadcast %add3A_1074 : i32 to vector<16xi32>
      %add3A_1076 = arith.addi %add3A_8, %add3A_1075 : vector<16xi32>
      %gather3A_1077 = tpu.vector_load_idx %arg9[%add3A_1072, %add3A_1076] : memref<400x128xi32, #tpu.memory_space<vmem>>[vector<16xi32>, vector<16xi32>], vector<16xi32>,
      %add3A_1078 = arith.constant 2 : i32
      %add3A_1079 = vector.broadcast %add3A_1078 : i32 to vector<16xi32>
      %add3A_1080 = arith.addi %add3A_8, %add3A_1079 : vector<16xi32>
      %gather3A_1081 = tpu.vector_load_idx %arg9[%add3A_1072, %add3A_1080] : memref<400x128xi32, #tpu.memory_space<vmem>>[vector<16xi32>, vector<16xi32>], vector<16xi32>,
      %bitcast3A_1082 = vector.bitcast %gather3A_1073 : vector<16xi32> to vector<16xf32>
      %swap3A_1083 = arith.constant 368 : index
      %swap3A_1084 = tpu.vector_load %arg11[%swap3A_1083] {strides = array<i32>} : memref<400xf32, #tpu.memory_space<vmem>>, vector<16xf32>,
      tpu.vector_store %arg11[%swap3A_1083], %bitcast3A_1082 {strides = array<i32>} : memref<400xf32, #tpu.memory_space<vmem>>, vector<16xf32>,
      %bitcast3A_1085 = vector.bitcast %gather3A_1077 : vector<16xi32> to vector<16xf32>
      %swap3A_1086 = arith.constant 368 : index
      %swap3A_1087 = tpu.vector_load %arg12[%swap3A_1086] {strides = array<i32>} : memref<400xf32, #tpu.memory_space<vmem>>, vector<16xf32>,
      tpu.vector_store %arg12[%swap3A_1086], %bitcast3A_1085 {strides = array<i32>} : memref<400xf32, #tpu.memory_space<vmem>>, vector<16xf32>,
      %bitcast3A_1088 = vector.bitcast %gather3A_1081 : vector<16xi32> to vector<16xf32>
      %swap3A_1089 = arith.constant 368 : index
      %swap3A_1090 = tpu.vector_load %arg13[%swap3A_1089] {strides = array<i32>} : memref<400xf32, #tpu.memory_space<vmem>>, vector<16xf32>,
      tpu.vector_store %arg13[%swap3A_1089], %bitcast3A_1088 {strides = array<i32>} : memref<400xf32, #tpu.memory_space<vmem>>, vector<16xf32>,
      %add3A_1091 = arith.constant 384 : i32
      %add3A_1092 = vector.broadcast %add3A_1091 : i32 to vector<16xi32>
      %add3A_1093 = arith.addi %iota3A, %add3A_1092 : vector<16xi32>
      %gather3A_1094 = tpu.vector_load_idx %arg9[%add3A_1093, %add3A_8] : memref<400x128xi32, #tpu.memory_space<vmem>>[vector<16xi32>, vector<16xi32>], vector<16xi32>,
      %add3A_1095 = arith.constant 1 : i32
      %add3A_1096 = vector.broadcast %add3A_1095 : i32 to vector<16xi32>
      %add3A_1097 = arith.addi %add3A_8, %add3A_1096 : vector<16xi32>
      %gather3A_1098 = tpu.vector_load_idx %arg9[%add3A_1093, %add3A_1097] : memref<400x128xi32, #tpu.memory_space<vmem>>[vector<16xi32>, vector<16xi32>], vector<16xi32>,
      %add3A_1099 = arith.constant 2 : i32
      %add3A_1100 = vector.broadcast %add3A_1099 : i32 to vector<16xi32>
      %add3A_1101 = arith.addi %add3A_8, %add3A_1100 : vector<16xi32>
      %gather3A_1102 = tpu.vector_load_idx %arg9[%add3A_1093, %add3A_1101] : memref<400x128xi32, #tpu.memory_space<vmem>>[vector<16xi32>, vector<16xi32>], vector<16xi32>,
      %bitcast3A_1103 = vector.bitcast %gather3A_1094 : vector<16xi32> to vector<16xf32>
      %swap3A_1104 = arith.constant 384 : index
      %swap3A_1105 = tpu.vector_load %arg11[%swap3A_1104] {strides = array<i32>} : memref<400xf32, #tpu.memory_space<vmem>>, vector<16xf32>,
      tpu.vector_store %arg11[%swap3A_1104], %bitcast3A_1103 {strides = array<i32>} : memref<400xf32, #tpu.memory_space<vmem>>, vector<16xf32>,
      %bitcast3A_1106 = vector.bitcast %gather3A_1098 : vector<16xi32> to vector<16xf32>
      %swap3A_1107 = arith.constant 384 : index
      %swap3A_1108 = tpu.vector_load %arg12[%swap3A_1107] {strides = array<i32>} : memref<400xf32, #tpu.memory_space<vmem>>, vector<16xf32>,
      tpu.vector_store %arg12[%swap3A_1107], %bitcast3A_1106 {strides = array<i32>} : memref<400xf32, #tpu.memory_space<vmem>>, vector<16xf32>,
      %bitcast3A_1109 = vector.bitcast %gather3A_1102 : vector<16xi32> to vector<16xf32>
      %swap3A_1110 = arith.constant 384 : index
      %swap3A_1111 = tpu.vector_load %arg13[%swap3A_1110] {strides = array<i32>} : memref<400xf32, #tpu.memory_space<vmem>>, vector<16xf32>,
      tpu.vector_store %arg13[%swap3A_1110], %bitcast3A_1109 {strides = array<i32>} : memref<400xf32, #tpu.memory_space<vmem>>, vector<16xf32>,
      %mul3A_1112 = arith.constant 400 : i32
      %mul3A_1113 = arith.muli %mul3A_571, %mul3A_1112 : i32
      %add3A_1114 = arith.addi %multiple_of3A, %mul3A_1113 : i32
      %multiple_of3A_1115 = tpu.assume_multiple %add3A_1114, 8 : i32
      %dma_start3A_1116 = arith.constant 0 : i32
      %dma_start3A_1117 = tpu.memref_slice %arg4[%multiple_of3A_1115, %dma_start3A_1116] : memref<320000x128xi32, #tpu.memory_space<hbm>> -> memref<400x128xi32, #tpu.memory_space<hbm>>
      %dma_start3A_1118 = arith.constant 0 : i32
      %dma_start3A_1119 = tpu.memref_slice %arg4[%multiple_of3A_1115, %dma_start3A_1118] : memref<320000x128xi32, #tpu.memory_space<hbm>> -> memref<400x128xi32, #tpu.memory_space<hbm>>
      tpu.enqueue_dma source(%arg9 : memref<400x128xi32, #tpu.memory_space<vmem>>) target(%dma_start3A_1119 : memref<400x128xi32, #tpu.memory_space<hbm>>) target_semaphore(%arg19 : memref<!tpu.dma_semaphore, #tpu.memory_space<semaphore_mem>>)
      %dma_start3A_1120 = tpu.memref_slice %arg5[%multiple_of3A_1115] : memref<320000xf32, #tpu.memory_space<hbm>> -> memref<400xf32, #tpu.memory_space<hbm>>
      %dma_start3A_1121 = tpu.memref_slice %arg5[%multiple_of3A_1115] : memref<320000xf32, #tpu.memory_space<hbm>> -> memref<400xf32, #tpu.memory_space<hbm>>
      tpu.enqueue_dma source(%arg11 : memref<400xf32, #tpu.memory_space<vmem>>) target(%dma_start3A_1121 : memref<400xf32, #tpu.memory_space<hbm>>) target_semaphore(%arg19 : memref<!tpu.dma_semaphore, #tpu.memory_space<semaphore_mem>>)
      %dma_start3A_1122 = tpu.memref_slice %arg6[%multiple_of3A_1115] : memref<320000xf32, #tpu.memory_space<hbm>> -> memref<400xf32, #tpu.memory_space<hbm>>
      %dma_start3A_1123 = tpu.memref_slice %arg6[%multiple_of3A_1115] : memref<320000xf32, #tpu.memory_space<hbm>> -> memref<400xf32, #tpu.memory_space<hbm>>
      tpu.enqueue_dma source(%arg12 : memref<400xf32, #tpu.memory_space<vmem>>) target(%dma_start3A_1123 : memref<400xf32, #tpu.memory_space<hbm>>) target_semaphore(%arg19 : memref<!tpu.dma_semaphore, #tpu.memory_space<semaphore_mem>>)
      %dma_start3A_1124 = tpu.memref_slice %arg7[%multiple_of3A_1115] : memref<320000xf32, #tpu.memory_space<hbm>> -> memref<400xf32, #tpu.memory_space<hbm>>
      %dma_start3A_1125 = tpu.memref_slice %arg7[%multiple_of3A_1115] : memref<320000xf32, #tpu.memory_space<hbm>> -> memref<400xf32, #tpu.memory_space<hbm>>
      tpu.enqueue_dma source(%arg13 : memref<400xf32, #tpu.memory_space<vmem>>) target(%dma_start3A_1125 : memref<400xf32, #tpu.memory_space<hbm>>) target_semaphore(%arg19 : memref<!tpu.dma_semaphore, #tpu.memory_space<semaphore_mem>>)
      %dma_wait3A_1126 = arith.constant 0 : i32
      %dma_wait3A_1127 = tpu.memref_slice %arg4[%multiple_of3A_1115, %dma_wait3A_1126] : memref<320000x128xi32, #tpu.memory_space<hbm>> -> memref<400x128xi32, #tpu.memory_space<hbm>>
      %dma_wait3A_1128 = arith.constant 0 : i32
      %dma_wait3A_1129 = tpu.memref_slice %arg4[%multiple_of3A_1115, %dma_wait3A_1128] : memref<320000x128xi32, #tpu.memory_space<hbm>> -> memref<400x128xi32, #tpu.memory_space<hbm>>
      tpu.wait_dma2 semaphore(%arg19 : memref<!tpu.dma_semaphore, #tpu.memory_space<semaphore_mem>>) src(%arg9 : memref<400x128xi32, #tpu.memory_space<vmem>>) dst(%dma_wait3A_1129 : memref<400x128xi32, #tpu.memory_space<hbm>>)
      %dma_wait3A_1130 = tpu.memref_slice %arg5[%multiple_of3A_1115] : memref<320000xf32, #tpu.memory_space<hbm>> -> memref<400xf32, #tpu.memory_space<hbm>>
      %dma_wait3A_1131 = tpu.memref_slice %arg5[%multiple_of3A_1115] : memref<320000xf32, #tpu.memory_space<hbm>> -> memref<400xf32, #tpu.memory_space<hbm>>
      tpu.wait_dma2 semaphore(%arg19 : memref<!tpu.dma_semaphore, #tpu.memory_space<semaphore_mem>>) src(%arg11 : memref<400xf32, #tpu.memory_space<vmem>>) dst(%dma_wait3A_1131 : memref<400xf32, #tpu.memory_space<hbm>>)
      %dma_wait3A_1132 = tpu.memref_slice %arg6[%multiple_of3A_1115] : memref<320000xf32, #tpu.memory_space<hbm>> -> memref<400xf32, #tpu.memory_space<hbm>>
      %dma_wait3A_1133 = tpu.memref_slice %arg6[%multiple_of3A_1115] : memref<320000xf32, #tpu.memory_space<hbm>> -> memref<400xf32, #tpu.memory_space<hbm>>
      tpu.wait_dma2 semaphore(%arg19 : memref<!tpu.dma_semaphore, #tpu.memory_space<semaphore_mem>>) src(%arg12 : memref<400xf32, #tpu.memory_space<vmem>>) dst(%dma_wait3A_1133 : memref<400xf32, #tpu.memory_space<hbm>>)
      %dma_wait3A_1134 = tpu.memref_slice %arg7[%multiple_of3A_1115] : memref<320000xf32, #tpu.memory_space<hbm>> -> memref<400xf32, #tpu.memory_space<hbm>>
      %dma_wait3A_1135 = tpu.memref_slice %arg7[%multiple_of3A_1115] : memref<320000xf32, #tpu.memory_space<hbm>> -> memref<400xf32, #tpu.memory_space<hbm>>
      tpu.wait_dma2 semaphore(%arg19 : memref<!tpu.dma_semaphore, #tpu.memory_space<semaphore_mem>>) src(%arg13 : memref<400xf32, #tpu.memory_space<vmem>>) dst(%dma_wait3A_1135 : memref<400xf32, #tpu.memory_space<hbm>>)
      %add3A_1136 = arith.constant 2 : i32
      %add3A_1137 = arith.addi %mul3A_571, %add3A_1136 : i32
      %mul3A_1138 = arith.constant 400 : i32
      %mul3A_1139 = arith.muli %add3A_1137, %mul3A_1138 : i32
      %multiple_of3A_1140 = tpu.assume_multiple %mul3A_1139, 8 : i32
      %dma_start3A_1141 = tpu.memref_slice %arg8[%multiple_of3A_1140] : memref<10000xi32, #tpu.memory_space<vmem>> -> memref<400xi32, #tpu.memory_space<vmem>>
      %dma_start3A_1142 = arith.constant 0 : i32
      %dma_start3A_1143 = arith.constant 0 : i32
      %dma_start3A_1144 = tpu.memref_slice %arg3[%dma_start3A_1142, %dma_start3A_1143] : memref<10000x128xi32, #tpu.memory_space<hbm>> -> memref<10000x128xi32, #tpu.memory_space<hbm>>
      tpu.enqueue_indirect_dma source(%dma_start3A_1144 : memref<10000x128xi32, #tpu.memory_space<hbm>>) target(%arg9 : memref<400x128xi32, #tpu.memory_space<vmem>>) offsets(%dma_start3A_1141 : memref<400xi32, #tpu.memory_space<vmem>>) semaphore(%arg17 : memref<!tpu.dma_semaphore, #tpu.memory_space<semaphore_mem>>)
      %add3A_1145 = arith.constant 1 : i32
      %add3A_1146 = arith.addi %mul3A_571, %add3A_1145 : i32
      %dma_wait3A_1147 = arith.constant 0 : i32
      %dma_wait3A_1148 = arith.constant 0 : i32
      %dma_wait3A_1149 = tpu.memref_slice %arg3[%dma_wait3A_1147, %dma_wait3A_1148] : memref<10000x128xi32, #tpu.memory_space<hbm>> -> memref<400x128xi32, #tpu.memory_space<hbm>>
      %dma_wait3A_1150 = arith.constant 0 : i32
      %dma_wait3A_1151 = arith.constant 0 : i32
      %dma_wait3A_1152 = tpu.memref_slice %arg3[%dma_wait3A_1150, %dma_wait3A_1151] : memref<10000x128xi32, #tpu.memory_space<hbm>> -> memref<400x128xi32, #tpu.memory_space<hbm>>
      tpu.wait_dma2 semaphore(%arg18 : memref<!tpu.dma_semaphore, #tpu.memory_space<semaphore_mem>>) src(%dma_wait3A_1152 : memref<400x128xi32, #tpu.memory_space<hbm>>) dst(%arg10 : memref<400x128xi32, #tpu.memory_space<vmem>>)
      %add3A_1153 = arith.constant 0 : i32
      %add3A_1154 = vector.broadcast %add3A_1153 : i32 to vector<16xi32>
      %add3A_1155 = arith.addi %iota3A, %add3A_1154 : vector<16xi32>
      %gather3A_1156 = tpu.vector_load_idx %arg10[%add3A_1155, %add3A_8] : memref<400x128xi32, #tpu.memory_space<vmem>>[vector<16xi32>, vector<16xi32>], vector<16xi32>,
      %add3A_1157 = arith.constant 1 : i32
      %add3A_1158 = vector.broadcast %add3A_1157 : i32 to vector<16xi32>
      %add3A_1159 = arith.addi %add3A_8, %add3A_1158 : vector<16xi32>
      %gather3A_1160 = tpu.vector_load_idx %arg10[%add3A_1155, %add3A_1159] : memref<400x128xi32, #tpu.memory_space<vmem>>[vector<16xi32>, vector<16xi32>], vector<16xi32>,
      %add3A_1161 = arith.constant 2 : i32
      %add3A_1162 = vector.broadcast %add3A_1161 : i32 to vector<16xi32>
      %add3A_1163 = arith.addi %add3A_8, %add3A_1162 : vector<16xi32>
      %gather3A_1164 = tpu.vector_load_idx %arg10[%add3A_1155, %add3A_1163] : memref<400x128xi32, #tpu.memory_space<vmem>>[vector<16xi32>, vector<16xi32>], vector<16xi32>,
      %bitcast3A_1165 = vector.bitcast %gather3A_1156 : vector<16xi32> to vector<16xf32>
      %swap3A_1166 = arith.constant 0 : index
      %swap3A_1167 = tpu.vector_load %arg14[%swap3A_1166] {strides = array<i32>} : memref<400xf32, #tpu.memory_space<vmem>>, vector<16xf32>,
      tpu.vector_store %arg14[%swap3A_1166], %bitcast3A_1165 {strides = array<i32>} : memref<400xf32, #tpu.memory_space<vmem>>, vector<16xf32>,
      %bitcast3A_1168 = vector.bitcast %gather3A_1160 : vector<16xi32> to vector<16xf32>
      %swap3A_1169 = arith.constant 0 : index
      %swap3A_1170 = tpu.vector_load %arg15[%swap3A_1169] {strides = array<i32>} : memref<400xf32, #tpu.memory_space<vmem>>, vector<16xf32>,
      tpu.vector_store %arg15[%swap3A_1169], %bitcast3A_1168 {strides = array<i32>} : memref<400xf32, #tpu.memory_space<vmem>>, vector<16xf32>,
      %bitcast3A_1171 = vector.bitcast %gather3A_1164 : vector<16xi32> to vector<16xf32>
      %swap3A_1172 = arith.constant 0 : index
      %swap3A_1173 = tpu.vector_load %arg16[%swap3A_1172] {strides = array<i32>} : memref<400xf32, #tpu.memory_space<vmem>>, vector<16xf32>,
      tpu.vector_store %arg16[%swap3A_1172], %bitcast3A_1171 {strides = array<i32>} : memref<400xf32, #tpu.memory_space<vmem>>, vector<16xf32>,
      %add3A_1174 = arith.constant 16 : i32
      %add3A_1175 = vector.broadcast %add3A_1174 : i32 to vector<16xi32>
      %add3A_1176 = arith.addi %iota3A, %add3A_1175 : vector<16xi32>
      %gather3A_1177 = tpu.vector_load_idx %arg10[%add3A_1176, %add3A_8] : memref<400x128xi32, #tpu.memory_space<vmem>>[vector<16xi32>, vector<16xi32>], vector<16xi32>,
      %add3A_1178 = arith.constant 1 : i32
      %add3A_1179 = vector.broadcast %add3A_1178 : i32 to vector<16xi32>
      %add3A_1180 = arith.addi %add3A_8, %add3A_1179 : vector<16xi32>
      %gather3A_1181 = tpu.vector_load_idx %arg10[%add3A_1176, %add3A_1180] : memref<400x128xi32, #tpu.memory_space<vmem>>[vector<16xi32>, vector<16xi32>], vector<16xi32>,
      %add3A_1182 = arith.constant 2 : i32
      %add3A_1183 = vector.broadcast %add3A_1182 : i32 to vector<16xi32>
      %add3A_1184 = arith.addi %add3A_8, %add3A_1183 : vector<16xi32>
      %gather3A_1185 = tpu.vector_load_idx %arg10[%add3A_1176, %add3A_1184] : memref<400x128xi32, #tpu.memory_space<vmem>>[vector<16xi32>, vector<16xi32>], vector<16xi32>,
      %bitcast3A_1186 = vector.bitcast %gather3A_1177 : vector<16xi32> to vector<16xf32>
      %swap3A_1187 = arith.constant 16 : index
      %swap3A_1188 = tpu.vector_load %arg14[%swap3A_1187] {strides = array<i32>} : memref<400xf32, #tpu.memory_space<vmem>>, vector<16xf32>,
      tpu.vector_store %arg14[%swap3A_1187], %bitcast3A_1186 {strides = array<i32>} : memref<400xf32, #tpu.memory_space<vmem>>, vector<16xf32>,
      %bitcast3A_1189 = vector.bitcast %gather3A_1181 : vector<16xi32> to vector<16xf32>
      %swap3A_1190 = arith.constant 16 : index
      %swap3A_1191 = tpu.vector_load %arg15[%swap3A_1190] {strides = array<i32>} : memref<400xf32, #tpu.memory_space<vmem>>, vector<16xf32>,
      tpu.vector_store %arg15[%swap3A_1190], %bitcast3A_1189 {strides = array<i32>} : memref<400xf32, #tpu.memory_space<vmem>>, vector<16xf32>,
      %bitcast3A_1192 = vector.bitcast %gather3A_1185 : vector<16xi32> to vector<16xf32>
      %swap3A_1193 = arith.constant 16 : index
      %swap3A_1194 = tpu.vector_load %arg16[%swap3A_1193] {strides = array<i32>} : memref<400xf32, #tpu.memory_space<vmem>>, vector<16xf32>,
      tpu.vector_store %arg16[%swap3A_1193], %bitcast3A_1192 {strides = array<i32>} : memref<400xf32, #tpu.memory_space<vmem>>, vector<16xf32>,
      %add3A_1195 = arith.constant 32 : i32
      %add3A_1196 = vector.broadcast %add3A_1195 : i32 to vector<16xi32>
      %add3A_1197 = arith.addi %iota3A, %add3A_1196 : vector<16xi32>
      %gather3A_1198 = tpu.vector_load_idx %arg10[%add3A_1197, %add3A_8] : memref<400x128xi32, #tpu.memory_space<vmem>>[vector<16xi32>, vector<16xi32>], vector<16xi32>,
      %add3A_1199 = arith.constant 1 : i32
      %add3A_1200 = vector.broadcast %add3A_1199 : i32 to vector<16xi32>
      %add3A_1201 = arith.addi %add3A_8, %add3A_1200 : vector<16xi32>
      %gather3A_1202 = tpu.vector_load_idx %arg10[%add3A_1197, %add3A_1201] : memref<400x128xi32, #tpu.memory_space<vmem>>[vector<16xi32>, vector<16xi32>], vector<16xi32>,
      %add3A_1203 = arith.constant 2 : i32
      %add3A_1204 = vector.broadcast %add3A_1203 : i32 to vector<16xi32>
      %add3A_1205 = arith.addi %add3A_8, %add3A_1204 : vector<16xi32>
      %gather3A_1206 = tpu.vector_load_idx %arg10[%add3A_1197, %add3A_1205] : memref<400x128xi32, #tpu.memory_space<vmem>>[vector<16xi32>, vector<16xi32>], vector<16xi32>,
      %bitcast3A_1207 = vector.bitcast %gather3A_1198 : vector<16xi32> to vector<16xf32>
      %swap3A_1208 = arith.constant 32 : index
      %swap3A_1209 = tpu.vector_load %arg14[%swap3A_1208] {strides = array<i32>} : memref<400xf32, #tpu.memory_space<vmem>>, vector<16xf32>,
      tpu.vector_store %arg14[%swap3A_1208], %bitcast3A_1207 {strides = array<i32>} : memref<400xf32, #tpu.memory_space<vmem>>, vector<16xf32>,
      %bitcast3A_1210 = vector.bitcast %gather3A_1202 : vector<16xi32> to vector<16xf32>
      %swap3A_1211 = arith.constant 32 : index
      %swap3A_1212 = tpu.vector_load %arg15[%swap3A_1211] {strides = array<i32>} : memref<400xf32, #tpu.memory_space<vmem>>, vector<16xf32>,
      tpu.vector_store %arg15[%swap3A_1211], %bitcast3A_1210 {strides = array<i32>} : memref<400xf32, #tpu.memory_space<vmem>>, vector<16xf32>,
      %bitcast3A_1213 = vector.bitcast %gather3A_1206 : vector<16xi32> to vector<16xf32>
      %swap3A_1214 = arith.constant 32 : index
      %swap3A_1215 = tpu.vector_load %arg16[%swap3A_1214] {strides = array<i32>} : memref<400xf32, #tpu.memory_space<vmem>>, vector<16xf32>,
      tpu.vector_store %arg16[%swap3A_1214], %bitcast3A_1213 {strides = array<i32>} : memref<400xf32, #tpu.memory_space<vmem>>, vector<16xf32>,
      %add3A_1216 = arith.constant 48 : i32
      %add3A_1217 = vector.broadcast %add3A_1216 : i32 to vector<16xi32>
      %add3A_1218 = arith.addi %iota3A, %add3A_1217 : vector<16xi32>
      %gather3A_1219 = tpu.vector_load_idx %arg10[%add3A_1218, %add3A_8] : memref<400x128xi32, #tpu.memory_space<vmem>>[vector<16xi32>, vector<16xi32>], vector<16xi32>,
      %add3A_1220 = arith.constant 1 : i32
      %add3A_1221 = vector.broadcast %add3A_1220 : i32 to vector<16xi32>
      %add3A_1222 = arith.addi %add3A_8, %add3A_1221 : vector<16xi32>
      %gather3A_1223 = tpu.vector_load_idx %arg10[%add3A_1218, %add3A_1222] : memref<400x128xi32, #tpu.memory_space<vmem>>[vector<16xi32>, vector<16xi32>], vector<16xi32>,
      %add3A_1224 = arith.constant 2 : i32
      %add3A_1225 = vector.broadcast %add3A_1224 : i32 to vector<16xi32>
      %add3A_1226 = arith.addi %add3A_8, %add3A_1225 : vector<16xi32>
      %gather3A_1227 = tpu.vector_load_idx %arg10[%add3A_1218, %add3A_1226] : memref<400x128xi32, #tpu.memory_space<vmem>>[vector<16xi32>, vector<16xi32>], vector<16xi32>,
      %bitcast3A_1228 = vector.bitcast %gather3A_1219 : vector<16xi32> to vector<16xf32>
      %swap3A_1229 = arith.constant 48 : index
      %swap3A_1230 = tpu.vector_load %arg14[%swap3A_1229] {strides = array<i32>} : memref<400xf32, #tpu.memory_space<vmem>>, vector<16xf32>,
      tpu.vector_store %arg14[%swap3A_1229], %bitcast3A_1228 {strides = array<i32>} : memref<400xf32, #tpu.memory_space<vmem>>, vector<16xf32>,
      %bitcast3A_1231 = vector.bitcast %gather3A_1223 : vector<16xi32> to vector<16xf32>
      %swap3A_1232 = arith.constant 48 : index
      %swap3A_1233 = tpu.vector_load %arg15[%swap3A_1232] {strides = array<i32>} : memref<400xf32, #tpu.memory_space<vmem>>, vector<16xf32>,
      tpu.vector_store %arg15[%swap3A_1232], %bitcast3A_1231 {strides = array<i32>} : memref<400xf32, #tpu.memory_space<vmem>>, vector<16xf32>,
      %bitcast3A_1234 = vector.bitcast %gather3A_1227 : vector<16xi32> to vector<16xf32>
      %swap3A_1235 = arith.constant 48 : index
      %swap3A_1236 = tpu.vector_load %arg16[%swap3A_1235] {strides = array<i32>} : memref<400xf32, #tpu.memory_space<vmem>>, vector<16xf32>,
      tpu.vector_store %arg16[%swap3A_1235], %bitcast3A_1234 {strides = array<i32>} : memref<400xf32, #tpu.memory_space<vmem>>, vector<16xf32>,
      %add3A_1237 = arith.constant 64 : i32
      %add3A_1238 = vector.broadcast %add3A_1237 : i32 to vector<16xi32>
      %add3A_1239 = arith.addi %iota3A, %add3A_1238 : vector<16xi32>
      %gather3A_1240 = tpu.vector_load_idx %arg10[%add3A_1239, %add3A_8] : memref<400x128xi32, #tpu.memory_space<vmem>>[vector<16xi32>, vector<16xi32>], vector<16xi32>,
      %add3A_1241 = arith.constant 1 : i32
      %add3A_1242 = vector.broadcast %add3A_1241 : i32 to vector<16xi32>
      %add3A_1243 = arith.addi %add3A_8, %add3A_1242 : vector<16xi32>
      %gather3A_1244 = tpu.vector_load_idx %arg10[%add3A_1239, %add3A_1243] : memref<400x128xi32, #tpu.memory_space<vmem>>[vector<16xi32>, vector<16xi32>], vector<16xi32>,
      %add3A_1245 = arith.constant 2 : i32
      %add3A_1246 = vector.broadcast %add3A_1245 : i32 to vector<16xi32>
      %add3A_1247 = arith.addi %add3A_8, %add3A_1246 : vector<16xi32>
      %gather3A_1248 = tpu.vector_load_idx %arg10[%add3A_1239, %add3A_1247] : memref<400x128xi32, #tpu.memory_space<vmem>>[vector<16xi32>, vector<16xi32>], vector<16xi32>,
      %bitcast3A_1249 = vector.bitcast %gather3A_1240 : vector<16xi32> to vector<16xf32>
      %swap3A_1250 = arith.constant 64 : index
      %swap3A_1251 = tpu.vector_load %arg14[%swap3A_1250] {strides = array<i32>} : memref<400xf32, #tpu.memory_space<vmem>>, vector<16xf32>,
      tpu.vector_store %arg14[%swap3A_1250], %bitcast3A_1249 {strides = array<i32>} : memref<400xf32, #tpu.memory_space<vmem>>, vector<16xf32>,
      %bitcast3A_1252 = vector.bitcast %gather3A_1244 : vector<16xi32> to vector<16xf32>
      %swap3A_1253 = arith.constant 64 : index
      %swap3A_1254 = tpu.vector_load %arg15[%swap3A_1253] {strides = array<i32>} : memref<400xf32, #tpu.memory_space<vmem>>, vector<16xf32>,
      tpu.vector_store %arg15[%swap3A_1253], %bitcast3A_1252 {strides = array<i32>} : memref<400xf32, #tpu.memory_space<vmem>>, vector<16xf32>,
      %bitcast3A_1255 = vector.bitcast %gather3A_1248 : vector<16xi32> to vector<16xf32>
      %swap3A_1256 = arith.constant 64 : index
      %swap3A_1257 = tpu.vector_load %arg16[%swap3A_1256] {strides = array<i32>} : memref<400xf32, #tpu.memory_space<vmem>>, vector<16xf32>,
      tpu.vector_store %arg16[%swap3A_1256], %bitcast3A_1255 {strides = array<i32>} : memref<400xf32, #tpu.memory_space<vmem>>, vector<16xf32>,
      %add3A_1258 = arith.constant 80 : i32
      %add3A_1259 = vector.broadcast %add3A_1258 : i32 to vector<16xi32>
      %add3A_1260 = arith.addi %iota3A, %add3A_1259 : vector<16xi32>
      %gather3A_1261 = tpu.vector_load_idx %arg10[%add3A_1260, %add3A_8] : memref<400x128xi32, #tpu.memory_space<vmem>>[vector<16xi32>, vector<16xi32>], vector<16xi32>,
      %add3A_1262 = arith.constant 1 : i32
      %add3A_1263 = vector.broadcast %add3A_1262 : i32 to vector<16xi32>
      %add3A_1264 = arith.addi %add3A_8, %add3A_1263 : vector<16xi32>
      %gather3A_1265 = tpu.vector_load_idx %arg10[%add3A_1260, %add3A_1264] : memref<400x128xi32, #tpu.memory_space<vmem>>[vector<16xi32>, vector<16xi32>], vector<16xi32>,
      %add3A_1266 = arith.constant 2 : i32
      %add3A_1267 = vector.broadcast %add3A_1266 : i32 to vector<16xi32>
      %add3A_1268 = arith.addi %add3A_8, %add3A_1267 : vector<16xi32>
      %gather3A_1269 = tpu.vector_load_idx %arg10[%add3A_1260, %add3A_1268] : memref<400x128xi32, #tpu.memory_space<vmem>>[vector<16xi32>, vector<16xi32>], vector<16xi32>,
      %bitcast3A_1270 = vector.bitcast %gather3A_1261 : vector<16xi32> to vector<16xf32>
      %swap3A_1271 = arith.constant 80 : index
      %swap3A_1272 = tpu.vector_load %arg14[%swap3A_1271] {strides = array<i32>} : memref<400xf32, #tpu.memory_space<vmem>>, vector<16xf32>,
      tpu.vector_store %arg14[%swap3A_1271], %bitcast3A_1270 {strides = array<i32>} : memref<400xf32, #tpu.memory_space<vmem>>, vector<16xf32>,
      %bitcast3A_1273 = vector.bitcast %gather3A_1265 : vector<16xi32> to vector<16xf32>
      %swap3A_1274 = arith.constant 80 : index
      %swap3A_1275 = tpu.vector_load %arg15[%swap3A_1274] {strides = array<i32>} : memref<400xf32, #tpu.memory_space<vmem>>, vector<16xf32>,
      tpu.vector_store %arg15[%swap3A_1274], %bitcast3A_1273 {strides = array<i32>} : memref<400xf32, #tpu.memory_space<vmem>>, vector<16xf32>,
      %bitcast3A_1276 = vector.bitcast %gather3A_1269 : vector<16xi32> to vector<16xf32>
      %swap3A_1277 = arith.constant 80 : index
      %swap3A_1278 = tpu.vector_load %arg16[%swap3A_1277] {strides = array<i32>} : memref<400xf32, #tpu.memory_space<vmem>>, vector<16xf32>,
      tpu.vector_store %arg16[%swap3A_1277], %bitcast3A_1276 {strides = array<i32>} : memref<400xf32, #tpu.memory_space<vmem>>, vector<16xf32>,
      %add3A_1279 = arith.constant 96 : i32
      %add3A_1280 = vector.broadcast %add3A_1279 : i32 to vector<16xi32>
      %add3A_1281 = arith.addi %iota3A, %add3A_1280 : vector<16xi32>
      %gather3A_1282 = tpu.vector_load_idx %arg10[%add3A_1281, %add3A_8] : memref<400x128xi32, #tpu.memory_space<vmem>>[vector<16xi32>, vector<16xi32>], vector<16xi32>,
      %add3A_1283 = arith.constant 1 : i32
      %add3A_1284 = vector.broadcast %add3A_1283 : i32 to vector<16xi32>
      %add3A_1285 = arith.addi %add3A_8, %add3A_1284 : vector<16xi32>
      %gather3A_1286 = tpu.vector_load_idx %arg10[%add3A_1281, %add3A_1285] : memref<400x128xi32, #tpu.memory_space<vmem>>[vector<16xi32>, vector<16xi32>], vector<16xi32>,
      %add3A_1287 = arith.constant 2 : i32
      %add3A_1288 = vector.broadcast %add3A_1287 : i32 to vector<16xi32>
      %add3A_1289 = arith.addi %add3A_8, %add3A_1288 : vector<16xi32>
      %gather3A_1290 = tpu.vector_load_idx %arg10[%add3A_1281, %add3A_1289] : memref<400x128xi32, #tpu.memory_space<vmem>>[vector<16xi32>, vector<16xi32>], vector<16xi32>,
      %bitcast3A_1291 = vector.bitcast %gather3A_1282 : vector<16xi32> to vector<16xf32>
      %swap3A_1292 = arith.constant 96 : index
      %swap3A_1293 = tpu.vector_load %arg14[%swap3A_1292] {strides = array<i32>} : memref<400xf32, #tpu.memory_space<vmem>>, vector<16xf32>,
      tpu.vector_store %arg14[%swap3A_1292], %bitcast3A_1291 {strides = array<i32>} : memref<400xf32, #tpu.memory_space<vmem>>, vector<16xf32>,
      %bitcast3A_1294 = vector.bitcast %gather3A_1286 : vector<16xi32> to vector<16xf32>
      %swap3A_1295 = arith.constant 96 : index
      %swap3A_1296 = tpu.vector_load %arg15[%swap3A_1295] {strides = array<i32>} : memref<400xf32, #tpu.memory_space<vmem>>, vector<16xf32>,
      tpu.vector_store %arg15[%swap3A_1295], %bitcast3A_1294 {strides = array<i32>} : memref<400xf32, #tpu.memory_space<vmem>>, vector<16xf32>,
      %bitcast3A_1297 = vector.bitcast %gather3A_1290 : vector<16xi32> to vector<16xf32>
      %swap3A_1298 = arith.constant 96 : index
      %swap3A_1299 = tpu.vector_load %arg16[%swap3A_1298] {strides = array<i32>} : memref<400xf32, #tpu.memory_space<vmem>>, vector<16xf32>,
      tpu.vector_store %arg16[%swap3A_1298], %bitcast3A_1297 {strides = array<i32>} : memref<400xf32, #tpu.memory_space<vmem>>, vector<16xf32>,
      %add3A_1300 = arith.constant 112 : i32
      %add3A_1301 = vector.broadcast %add3A_1300 : i32 to vector<16xi32>
      %add3A_1302 = arith.addi %iota3A, %add3A_1301 : vector<16xi32>
      %gather3A_1303 = tpu.vector_load_idx %arg10[%add3A_1302, %add3A_8] : memref<400x128xi32, #tpu.memory_space<vmem>>[vector<16xi32>, vector<16xi32>], vector<16xi32>,
      %add3A_1304 = arith.constant 1 : i32
      %add3A_1305 = vector.broadcast %add3A_1304 : i32 to vector<16xi32>
      %add3A_1306 = arith.addi %add3A_8, %add3A_1305 : vector<16xi32>
      %gather3A_1307 = tpu.vector_load_idx %arg10[%add3A_1302, %add3A_1306] : memref<400x128xi32, #tpu.memory_space<vmem>>[vector<16xi32>, vector<16xi32>], vector<16xi32>,
      %add3A_1308 = arith.constant 2 : i32
      %add3A_1309 = vector.broadcast %add3A_1308 : i32 to vector<16xi32>
      %add3A_1310 = arith.addi %add3A_8, %add3A_1309 : vector<16xi32>
      %gather3A_1311 = tpu.vector_load_idx %arg10[%add3A_1302, %add3A_1310] : memref<400x128xi32, #tpu.memory_space<vmem>>[vector<16xi32>, vector<16xi32>], vector<16xi32>,
      %bitcast3A_1312 = vector.bitcast %gather3A_1303 : vector<16xi32> to vector<16xf32>
      %swap3A_1313 = arith.constant 112 : index
      %swap3A_1314 = tpu.vector_load %arg14[%swap3A_1313] {strides = array<i32>} : memref<400xf32, #tpu.memory_space<vmem>>, vector<16xf32>,
      tpu.vector_store %arg14[%swap3A_1313], %bitcast3A_1312 {strides = array<i32>} : memref<400xf32, #tpu.memory_space<vmem>>, vector<16xf32>,
      %bitcast3A_1315 = vector.bitcast %gather3A_1307 : vector<16xi32> to vector<16xf32>
      %swap3A_1316 = arith.constant 112 : index
      %swap3A_1317 = tpu.vector_load %arg15[%swap3A_1316] {strides = array<i32>} : memref<400xf32, #tpu.memory_space<vmem>>, vector<16xf32>,
      tpu.vector_store %arg15[%swap3A_1316], %bitcast3A_1315 {strides = array<i32>} : memref<400xf32, #tpu.memory_space<vmem>>, vector<16xf32>,
      %bitcast3A_1318 = vector.bitcast %gather3A_1311 : vector<16xi32> to vector<16xf32>
      %swap3A_1319 = arith.constant 112 : index
      %swap3A_1320 = tpu.vector_load %arg16[%swap3A_1319] {strides = array<i32>} : memref<400xf32, #tpu.memory_space<vmem>>, vector<16xf32>,
      tpu.vector_store %arg16[%swap3A_1319], %bitcast3A_1318 {strides = array<i32>} : memref<400xf32, #tpu.memory_space<vmem>>, vector<16xf32>,
      %add3A_1321 = arith.constant 128 : i32
      %add3A_1322 = vector.broadcast %add3A_1321 : i32 to vector<16xi32>
      %add3A_1323 = arith.addi %iota3A, %add3A_1322 : vector<16xi32>
      %gather3A_1324 = tpu.vector_load_idx %arg10[%add3A_1323, %add3A_8] : memref<400x128xi32, #tpu.memory_space<vmem>>[vector<16xi32>, vector<16xi32>], vector<16xi32>,
      %add3A_1325 = arith.constant 1 : i32
      %add3A_1326 = vector.broadcast %add3A_1325 : i32 to vector<16xi32>
      %add3A_1327 = arith.addi %add3A_8, %add3A_1326 : vector<16xi32>
      %gather3A_1328 = tpu.vector_load_idx %arg10[%add3A_1323, %add3A_1327] : memref<400x128xi32, #tpu.memory_space<vmem>>[vector<16xi32>, vector<16xi32>], vector<16xi32>,
      %add3A_1329 = arith.constant 2 : i32
      %add3A_1330 = vector.broadcast %add3A_1329 : i32 to vector<16xi32>
      %add3A_1331 = arith.addi %add3A_8, %add3A_1330 : vector<16xi32>
      %gather3A_1332 = tpu.vector_load_idx %arg10[%add3A_1323, %add3A_1331] : memref<400x128xi32, #tpu.memory_space<vmem>>[vector<16xi32>, vector<16xi32>], vector<16xi32>,
      %bitcast3A_1333 = vector.bitcast %gather3A_1324 : vector<16xi32> to vector<16xf32>
      %swap3A_1334 = arith.constant 128 : index
      %swap3A_1335 = tpu.vector_load %arg14[%swap3A_1334] {strides = array<i32>} : memref<400xf32, #tpu.memory_space<vmem>>, vector<16xf32>,
      tpu.vector_store %arg14[%swap3A_1334], %bitcast3A_1333 {strides = array<i32>} : memref<400xf32, #tpu.memory_space<vmem>>, vector<16xf32>,
      %bitcast3A_1336 = vector.bitcast %gather3A_1328 : vector<16xi32> to vector<16xf32>
      %swap3A_1337 = arith.constant 128 : index
      %swap3A_1338 = tpu.vector_load %arg15[%swap3A_1337] {strides = array<i32>} : memref<400xf32, #tpu.memory_space<vmem>>, vector<16xf32>,
      tpu.vector_store %arg15[%swap3A_1337], %bitcast3A_1336 {strides = array<i32>} : memref<400xf32, #tpu.memory_space<vmem>>, vector<16xf32>,
      %bitcast3A_1339 = vector.bitcast %gather3A_1332 : vector<16xi32> to vector<16xf32>
      %swap3A_1340 = arith.constant 128 : index
      %swap3A_1341 = tpu.vector_load %arg16[%swap3A_1340] {strides = array<i32>} : memref<400xf32, #tpu.memory_space<vmem>>, vector<16xf32>,
      tpu.vector_store %arg16[%swap3A_1340], %bitcast3A_1339 {strides = array<i32>} : memref<400xf32, #tpu.memory_space<vmem>>, vector<16xf32>,
      %add3A_1342 = arith.constant 144 : i32
      %add3A_1343 = vector.broadcast %add3A_1342 : i32 to vector<16xi32>
      %add3A_1344 = arith.addi %iota3A, %add3A_1343 : vector<16xi32>
      %gather3A_1345 = tpu.vector_load_idx %arg10[%add3A_1344, %add3A_8] : memref<400x128xi32, #tpu.memory_space<vmem>>[vector<16xi32>, vector<16xi32>], vector<16xi32>,
      %add3A_1346 = arith.constant 1 : i32
      %add3A_1347 = vector.broadcast %add3A_1346 : i32 to vector<16xi32>
      %add3A_1348 = arith.addi %add3A_8, %add3A_1347 : vector<16xi32>
      %gather3A_1349 = tpu.vector_load_idx %arg10[%add3A_1344, %add3A_1348] : memref<400x128xi32, #tpu.memory_space<vmem>>[vector<16xi32>, vector<16xi32>], vector<16xi32>,
      %add3A_1350 = arith.constant 2 : i32
      %add3A_1351 = vector.broadcast %add3A_1350 : i32 to vector<16xi32>
      %add3A_1352 = arith.addi %add3A_8, %add3A_1351 : vector<16xi32>
      %gather3A_1353 = tpu.vector_load_idx %arg10[%add3A_1344, %add3A_1352] : memref<400x128xi32, #tpu.memory_space<vmem>>[vector<16xi32>, vector<16xi32>], vector<16xi32>,
      %bitcast3A_1354 = vector.bitcast %gather3A_1345 : vector<16xi32> to vector<16xf32>
      %swap3A_1355 = arith.constant 144 : index
      %swap3A_1356 = tpu.vector_load %arg14[%swap3A_1355] {strides = array<i32>} : memref<400xf32, #tpu.memory_space<vmem>>, vector<16xf32>,
      tpu.vector_store %arg14[%swap3A_1355], %bitcast3A_1354 {strides = array<i32>} : memref<400xf32, #tpu.memory_space<vmem>>, vector<16xf32>,
      %bitcast3A_1357 = vector.bitcast %gather3A_1349 : vector<16xi32> to vector<16xf32>
      %swap3A_1358 = arith.constant 144 : index
      %swap3A_1359 = tpu.vector_load %arg15[%swap3A_1358] {strides = array<i32>} : memref<400xf32, #tpu.memory_space<vmem>>, vector<16xf32>,
      tpu.vector_store %arg15[%swap3A_1358], %bitcast3A_1357 {strides = array<i32>} : memref<400xf32, #tpu.memory_space<vmem>>, vector<16xf32>,
      %bitcast3A_1360 = vector.bitcast %gather3A_1353 : vector<16xi32> to vector<16xf32>
      %swap3A_1361 = arith.constant 144 : index
      %swap3A_1362 = tpu.vector_load %arg16[%swap3A_1361] {strides = array<i32>} : memref<400xf32, #tpu.memory_space<vmem>>, vector<16xf32>,
      tpu.vector_store %arg16[%swap3A_1361], %bitcast3A_1360 {strides = array<i32>} : memref<400xf32, #tpu.memory_space<vmem>>, vector<16xf32>,
      %add3A_1363 = arith.constant 160 : i32
      %add3A_1364 = vector.broadcast %add3A_1363 : i32 to vector<16xi32>
      %add3A_1365 = arith.addi %iota3A, %add3A_1364 : vector<16xi32>
      %gather3A_1366 = tpu.vector_load_idx %arg10[%add3A_1365, %add3A_8] : memref<400x128xi32, #tpu.memory_space<vmem>>[vector<16xi32>, vector<16xi32>], vector<16xi32>,
      %add3A_1367 = arith.constant 1 : i32
      %add3A_1368 = vector.broadcast %add3A_1367 : i32 to vector<16xi32>
      %add3A_1369 = arith.addi %add3A_8, %add3A_1368 : vector<16xi32>
      %gather3A_1370 = tpu.vector_load_idx %arg10[%add3A_1365, %add3A_1369] : memref<400x128xi32, #tpu.memory_space<vmem>>[vector<16xi32>, vector<16xi32>], vector<16xi32>,
      %add3A_1371 = arith.constant 2 : i32
      %add3A_1372 = vector.broadcast %add3A_1371 : i32 to vector<16xi32>
      %add3A_1373 = arith.addi %add3A_8, %add3A_1372 : vector<16xi32>
      %gather3A_1374 = tpu.vector_load_idx %arg10[%add3A_1365, %add3A_1373] : memref<400x128xi32, #tpu.memory_space<vmem>>[vector<16xi32>, vector<16xi32>], vector<16xi32>,
      %bitcast3A_1375 = vector.bitcast %gather3A_1366 : vector<16xi32> to vector<16xf32>
      %swap3A_1376 = arith.constant 160 : index
      %swap3A_1377 = tpu.vector_load %arg14[%swap3A_1376] {strides = array<i32>} : memref<400xf32, #tpu.memory_space<vmem>>, vector<16xf32>,
      tpu.vector_store %arg14[%swap3A_1376], %bitcast3A_1375 {strides = array<i32>} : memref<400xf32, #tpu.memory_space<vmem>>, vector<16xf32>,
      %bitcast3A_1378 = vector.bitcast %gather3A_1370 : vector<16xi32> to vector<16xf32>
      %swap3A_1379 = arith.constant 160 : index
      %swap3A_1380 = tpu.vector_load %arg15[%swap3A_1379] {strides = array<i32>} : memref<400xf32, #tpu.memory_space<vmem>>, vector<16xf32>,
      tpu.vector_store %arg15[%swap3A_1379], %bitcast3A_1378 {strides = array<i32>} : memref<400xf32, #tpu.memory_space<vmem>>, vector<16xf32>,
      %bitcast3A_1381 = vector.bitcast %gather3A_1374 : vector<16xi32> to vector<16xf32>
      %swap3A_1382 = arith.constant 160 : index
      %swap3A_1383 = tpu.vector_load %arg16[%swap3A_1382] {strides = array<i32>} : memref<400xf32, #tpu.memory_space<vmem>>, vector<16xf32>,
      tpu.vector_store %arg16[%swap3A_1382], %bitcast3A_1381 {strides = array<i32>} : memref<400xf32, #tpu.memory_space<vmem>>, vector<16xf32>,
      %add3A_1384 = arith.constant 176 : i32
      %add3A_1385 = vector.broadcast %add3A_1384 : i32 to vector<16xi32>
      %add3A_1386 = arith.addi %iota3A, %add3A_1385 : vector<16xi32>
      %gather3A_1387 = tpu.vector_load_idx %arg10[%add3A_1386, %add3A_8] : memref<400x128xi32, #tpu.memory_space<vmem>>[vector<16xi32>, vector<16xi32>], vector<16xi32>,
      %add3A_1388 = arith.constant 1 : i32
      %add3A_1389 = vector.broadcast %add3A_1388 : i32 to vector<16xi32>
      %add3A_1390 = arith.addi %add3A_8, %add3A_1389 : vector<16xi32>
      %gather3A_1391 = tpu.vector_load_idx %arg10[%add3A_1386, %add3A_1390] : memref<400x128xi32, #tpu.memory_space<vmem>>[vector<16xi32>, vector<16xi32>], vector<16xi32>,
      %add3A_1392 = arith.constant 2 : i32
      %add3A_1393 = vector.broadcast %add3A_1392 : i32 to vector<16xi32>
      %add3A_1394 = arith.addi %add3A_8, %add3A_1393 : vector<16xi32>
      %gather3A_1395 = tpu.vector_load_idx %arg10[%add3A_1386, %add3A_1394] : memref<400x128xi32, #tpu.memory_space<vmem>>[vector<16xi32>, vector<16xi32>], vector<16xi32>,
      %bitcast3A_1396 = vector.bitcast %gather3A_1387 : vector<16xi32> to vector<16xf32>
      %swap3A_1397 = arith.constant 176 : index
      %swap3A_1398 = tpu.vector_load %arg14[%swap3A_1397] {strides = array<i32>} : memref<400xf32, #tpu.memory_space<vmem>>, vector<16xf32>,
      tpu.vector_store %arg14[%swap3A_1397], %bitcast3A_1396 {strides = array<i32>} : memref<400xf32, #tpu.memory_space<vmem>>, vector<16xf32>,
      %bitcast3A_1399 = vector.bitcast %gather3A_1391 : vector<16xi32> to vector<16xf32>
      %swap3A_1400 = arith.constant 176 : index
      %swap3A_1401 = tpu.vector_load %arg15[%swap3A_1400] {strides = array<i32>} : memref<400xf32, #tpu.memory_space<vmem>>, vector<16xf32>,
      tpu.vector_store %arg15[%swap3A_1400], %bitcast3A_1399 {strides = array<i32>} : memref<400xf32, #tpu.memory_space<vmem>>, vector<16xf32>,
      %bitcast3A_1402 = vector.bitcast %gather3A_1395 : vector<16xi32> to vector<16xf32>
      %swap3A_1403 = arith.constant 176 : index
      %swap3A_1404 = tpu.vector_load %arg16[%swap3A_1403] {strides = array<i32>} : memref<400xf32, #tpu.memory_space<vmem>>, vector<16xf32>,
      tpu.vector_store %arg16[%swap3A_1403], %bitcast3A_1402 {strides = array<i32>} : memref<400xf32, #tpu.memory_space<vmem>>, vector<16xf32>,
      %add3A_1405 = arith.constant 192 : i32
      %add3A_1406 = vector.broadcast %add3A_1405 : i32 to vector<16xi32>
      %add3A_1407 = arith.addi %iota3A, %add3A_1406 : vector<16xi32>
      %gather3A_1408 = tpu.vector_load_idx %arg10[%add3A_1407, %add3A_8] : memref<400x128xi32, #tpu.memory_space<vmem>>[vector<16xi32>, vector<16xi32>], vector<16xi32>,
      %add3A_1409 = arith.constant 1 : i32
      %add3A_1410 = vector.broadcast %add3A_1409 : i32 to vector<16xi32>
      %add3A_1411 = arith.addi %add3A_8, %add3A_1410 : vector<16xi32>
      %gather3A_1412 = tpu.vector_load_idx %arg10[%add3A_1407, %add3A_1411] : memref<400x128xi32, #tpu.memory_space<vmem>>[vector<16xi32>, vector<16xi32>], vector<16xi32>,
      %add3A_1413 = arith.constant 2 : i32
      %add3A_1414 = vector.broadcast %add3A_1413 : i32 to vector<16xi32>
      %add3A_1415 = arith.addi %add3A_8, %add3A_1414 : vector<16xi32>
      %gather3A_1416 = tpu.vector_load_idx %arg10[%add3A_1407, %add3A_1415] : memref<400x128xi32, #tpu.memory_space<vmem>>[vector<16xi32>, vector<16xi32>], vector<16xi32>,
      %bitcast3A_1417 = vector.bitcast %gather3A_1408 : vector<16xi32> to vector<16xf32>
      %swap3A_1418 = arith.constant 192 : index
      %swap3A_1419 = tpu.vector_load %arg14[%swap3A_1418] {strides = array<i32>} : memref<400xf32, #tpu.memory_space<vmem>>, vector<16xf32>,
      tpu.vector_store %arg14[%swap3A_1418], %bitcast3A_1417 {strides = array<i32>} : memref<400xf32, #tpu.memory_space<vmem>>, vector<16xf32>,
      %bitcast3A_1420 = vector.bitcast %gather3A_1412 : vector<16xi32> to vector<16xf32>
      %swap3A_1421 = arith.constant 192 : index
      %swap3A_1422 = tpu.vector_load %arg15[%swap3A_1421] {strides = array<i32>} : memref<400xf32, #tpu.memory_space<vmem>>, vector<16xf32>,
      tpu.vector_store %arg15[%swap3A_1421], %bitcast3A_1420 {strides = array<i32>} : memref<400xf32, #tpu.memory_space<vmem>>, vector<16xf32>,
      %bitcast3A_1423 = vector.bitcast %gather3A_1416 : vector<16xi32> to vector<16xf32>
      %swap3A_1424 = arith.constant 192 : index
      %swap3A_1425 = tpu.vector_load %arg16[%swap3A_1424] {strides = array<i32>} : memref<400xf32, #tpu.memory_space<vmem>>, vector<16xf32>,
      tpu.vector_store %arg16[%swap3A_1424], %bitcast3A_1423 {strides = array<i32>} : memref<400xf32, #tpu.memory_space<vmem>>, vector<16xf32>,
      %add3A_1426 = arith.constant 208 : i32
      %add3A_1427 = vector.broadcast %add3A_1426 : i32 to vector<16xi32>
      %add3A_1428 = arith.addi %iota3A, %add3A_1427 : vector<16xi32>
      %gather3A_1429 = tpu.vector_load_idx %arg10[%add3A_1428, %add3A_8] : memref<400x128xi32, #tpu.memory_space<vmem>>[vector<16xi32>, vector<16xi32>], vector<16xi32>,
      %add3A_1430 = arith.constant 1 : i32
      %add3A_1431 = vector.broadcast %add3A_1430 : i32 to vector<16xi32>
      %add3A_1432 = arith.addi %add3A_8, %add3A_1431 : vector<16xi32>
      %gather3A_1433 = tpu.vector_load_idx %arg10[%add3A_1428, %add3A_1432] : memref<400x128xi32, #tpu.memory_space<vmem>>[vector<16xi32>, vector<16xi32>], vector<16xi32>,
      %add3A_1434 = arith.constant 2 : i32
      %add3A_1435 = vector.broadcast %add3A_1434 : i32 to vector<16xi32>
      %add3A_1436 = arith.addi %add3A_8, %add3A_1435 : vector<16xi32>
      %gather3A_1437 = tpu.vector_load_idx %arg10[%add3A_1428, %add3A_1436] : memref<400x128xi32, #tpu.memory_space<vmem>>[vector<16xi32>, vector<16xi32>], vector<16xi32>,
      %bitcast3A_1438 = vector.bitcast %gather3A_1429 : vector<16xi32> to vector<16xf32>
      %swap3A_1439 = arith.constant 208 : index
      %swap3A_1440 = tpu.vector_load %arg14[%swap3A_1439] {strides = array<i32>} : memref<400xf32, #tpu.memory_space<vmem>>, vector<16xf32>,
      tpu.vector_store %arg14[%swap3A_1439], %bitcast3A_1438 {strides = array<i32>} : memref<400xf32, #tpu.memory_space<vmem>>, vector<16xf32>,
      %bitcast3A_1441 = vector.bitcast %gather3A_1433 : vector<16xi32> to vector<16xf32>
      %swap3A_1442 = arith.constant 208 : index
      %swap3A_1443 = tpu.vector_load %arg15[%swap3A_1442] {strides = array<i32>} : memref<400xf32, #tpu.memory_space<vmem>>, vector<16xf32>,
      tpu.vector_store %arg15[%swap3A_1442], %bitcast3A_1441 {strides = array<i32>} : memref<400xf32, #tpu.memory_space<vmem>>, vector<16xf32>,
      %bitcast3A_1444 = vector.bitcast %gather3A_1437 : vector<16xi32> to vector<16xf32>
      %swap3A_1445 = arith.constant 208 : index
      %swap3A_1446 = tpu.vector_load %arg16[%swap3A_1445] {strides = array<i32>} : memref<400xf32, #tpu.memory_space<vmem>>, vector<16xf32>,
      tpu.vector_store %arg16[%swap3A_1445], %bitcast3A_1444 {strides = array<i32>} : memref<400xf32, #tpu.memory_space<vmem>>, vector<16xf32>,
      %add3A_1447 = arith.constant 224 : i32
      %add3A_1448 = vector.broadcast %add3A_1447 : i32 to vector<16xi32>
      %add3A_1449 = arith.addi %iota3A, %add3A_1448 : vector<16xi32>
      %gather3A_1450 = tpu.vector_load_idx %arg10[%add3A_1449, %add3A_8] : memref<400x128xi32, #tpu.memory_space<vmem>>[vector<16xi32>, vector<16xi32>], vector<16xi32>,
      %add3A_1451 = arith.constant 1 : i32
      %add3A_1452 = vector.broadcast %add3A_1451 : i32 to vector<16xi32>
      %add3A_1453 = arith.addi %add3A_8, %add3A_1452 : vector<16xi32>
      %gather3A_1454 = tpu.vector_load_idx %arg10[%add3A_1449, %add3A_1453] : memref<400x128xi32, #tpu.memory_space<vmem>>[vector<16xi32>, vector<16xi32>], vector<16xi32>,
      %add3A_1455 = arith.constant 2 : i32
      %add3A_1456 = vector.broadcast %add3A_1455 : i32 to vector<16xi32>
      %add3A_1457 = arith.addi %add3A_8, %add3A_1456 : vector<16xi32>
      %gather3A_1458 = tpu.vector_load_idx %arg10[%add3A_1449, %add3A_1457] : memref<400x128xi32, #tpu.memory_space<vmem>>[vector<16xi32>, vector<16xi32>], vector<16xi32>,
      %bitcast3A_1459 = vector.bitcast %gather3A_1450 : vector<16xi32> to vector<16xf32>
      %swap3A_1460 = arith.constant 224 : index
      %swap3A_1461 = tpu.vector_load %arg14[%swap3A_1460] {strides = array<i32>} : memref<400xf32, #tpu.memory_space<vmem>>, vector<16xf32>,
      tpu.vector_store %arg14[%swap3A_1460], %bitcast3A_1459 {strides = array<i32>} : memref<400xf32, #tpu.memory_space<vmem>>, vector<16xf32>,
      %bitcast3A_1462 = vector.bitcast %gather3A_1454 : vector<16xi32> to vector<16xf32>
      %swap3A_1463 = arith.constant 224 : index
      %swap3A_1464 = tpu.vector_load %arg15[%swap3A_1463] {strides = array<i32>} : memref<400xf32, #tpu.memory_space<vmem>>, vector<16xf32>,
      tpu.vector_store %arg15[%swap3A_1463], %bitcast3A_1462 {strides = array<i32>} : memref<400xf32, #tpu.memory_space<vmem>>, vector<16xf32>,
      %bitcast3A_1465 = vector.bitcast %gather3A_1458 : vector<16xi32> to vector<16xf32>
      %swap3A_1466 = arith.constant 224 : index
      %swap3A_1467 = tpu.vector_load %arg16[%swap3A_1466] {strides = array<i32>} : memref<400xf32, #tpu.memory_space<vmem>>, vector<16xf32>,
      tpu.vector_store %arg16[%swap3A_1466], %bitcast3A_1465 {strides = array<i32>} : memref<400xf32, #tpu.memory_space<vmem>>, vector<16xf32>,
      %add3A_1468 = arith.constant 240 : i32
      %add3A_1469 = vector.broadcast %add3A_1468 : i32 to vector<16xi32>
      %add3A_1470 = arith.addi %iota3A, %add3A_1469 : vector<16xi32>
      %gather3A_1471 = tpu.vector_load_idx %arg10[%add3A_1470, %add3A_8] : memref<400x128xi32, #tpu.memory_space<vmem>>[vector<16xi32>, vector<16xi32>], vector<16xi32>,
      %add3A_1472 = arith.constant 1 : i32
      %add3A_1473 = vector.broadcast %add3A_1472 : i32 to vector<16xi32>
      %add3A_1474 = arith.addi %add3A_8, %add3A_1473 : vector<16xi32>
      %gather3A_1475 = tpu.vector_load_idx %arg10[%add3A_1470, %add3A_1474] : memref<400x128xi32, #tpu.memory_space<vmem>>[vector<16xi32>, vector<16xi32>], vector<16xi32>,
      %add3A_1476 = arith.constant 2 : i32
      %add3A_1477 = vector.broadcast %add3A_1476 : i32 to vector<16xi32>
      %add3A_1478 = arith.addi %add3A_8, %add3A_1477 : vector<16xi32>
      %gather3A_1479 = tpu.vector_load_idx %arg10[%add3A_1470, %add3A_1478] : memref<400x128xi32, #tpu.memory_space<vmem>>[vector<16xi32>, vector<16xi32>], vector<16xi32>,
      %bitcast3A_1480 = vector.bitcast %gather3A_1471 : vector<16xi32> to vector<16xf32>
      %swap3A_1481 = arith.constant 240 : index
      %swap3A_1482 = tpu.vector_load %arg14[%swap3A_1481] {strides = array<i32>} : memref<400xf32, #tpu.memory_space<vmem>>, vector<16xf32>,
      tpu.vector_store %arg14[%swap3A_1481], %bitcast3A_1480 {strides = array<i32>} : memref<400xf32, #tpu.memory_space<vmem>>, vector<16xf32>,
      %bitcast3A_1483 = vector.bitcast %gather3A_1475 : vector<16xi32> to vector<16xf32>
      %swap3A_1484 = arith.constant 240 : index
      %swap3A_1485 = tpu.vector_load %arg15[%swap3A_1484] {strides = array<i32>} : memref<400xf32, #tpu.memory_space<vmem>>, vector<16xf32>,
      tpu.vector_store %arg15[%swap3A_1484], %bitcast3A_1483 {strides = array<i32>} : memref<400xf32, #tpu.memory_space<vmem>>, vector<16xf32>,
      %bitcast3A_1486 = vector.bitcast %gather3A_1479 : vector<16xi32> to vector<16xf32>
      %swap3A_1487 = arith.constant 240 : index
      %swap3A_1488 = tpu.vector_load %arg16[%swap3A_1487] {strides = array<i32>} : memref<400xf32, #tpu.memory_space<vmem>>, vector<16xf32>,
      tpu.vector_store %arg16[%swap3A_1487], %bitcast3A_1486 {strides = array<i32>} : memref<400xf32, #tpu.memory_space<vmem>>, vector<16xf32>,
      %add3A_1489 = arith.constant 256 : i32
      %add3A_1490 = vector.broadcast %add3A_1489 : i32 to vector<16xi32>
      %add3A_1491 = arith.addi %iota3A, %add3A_1490 : vector<16xi32>
      %gather3A_1492 = tpu.vector_load_idx %arg10[%add3A_1491, %add3A_8] : memref<400x128xi32, #tpu.memory_space<vmem>>[vector<16xi32>, vector<16xi32>], vector<16xi32>,
      %add3A_1493 = arith.constant 1 : i32
      %add3A_1494 = vector.broadcast %add3A_1493 : i32 to vector<16xi32>
      %add3A_1495 = arith.addi %add3A_8, %add3A_1494 : vector<16xi32>
      %gather3A_1496 = tpu.vector_load_idx %arg10[%add3A_1491, %add3A_1495] : memref<400x128xi32, #tpu.memory_space<vmem>>[vector<16xi32>, vector<16xi32>], vector<16xi32>,
      %add3A_1497 = arith.constant 2 : i32
      %add3A_1498 = vector.broadcast %add3A_1497 : i32 to vector<16xi32>
      %add3A_1499 = arith.addi %add3A_8, %add3A_1498 : vector<16xi32>
      %gather3A_1500 = tpu.vector_load_idx %arg10[%add3A_1491, %add3A_1499] : memref<400x128xi32, #tpu.memory_space<vmem>>[vector<16xi32>, vector<16xi32>], vector<16xi32>,
      %bitcast3A_1501 = vector.bitcast %gather3A_1492 : vector<16xi32> to vector<16xf32>
      %swap3A_1502 = arith.constant 256 : index
      %swap3A_1503 = tpu.vector_load %arg14[%swap3A_1502] {strides = array<i32>} : memref<400xf32, #tpu.memory_space<vmem>>, vector<16xf32>,
      tpu.vector_store %arg14[%swap3A_1502], %bitcast3A_1501 {strides = array<i32>} : memref<400xf32, #tpu.memory_space<vmem>>, vector<16xf32>,
      %bitcast3A_1504 = vector.bitcast %gather3A_1496 : vector<16xi32> to vector<16xf32>
      %swap3A_1505 = arith.constant 256 : index
      %swap3A_1506 = tpu.vector_load %arg15[%swap3A_1505] {strides = array<i32>} : memref<400xf32, #tpu.memory_space<vmem>>, vector<16xf32>,
      tpu.vector_store %arg15[%swap3A_1505], %bitcast3A_1504 {strides = array<i32>} : memref<400xf32, #tpu.memory_space<vmem>>, vector<16xf32>,
      %bitcast3A_1507 = vector.bitcast %gather3A_1500 : vector<16xi32> to vector<16xf32>
      %swap3A_1508 = arith.constant 256 : index
      %swap3A_1509 = tpu.vector_load %arg16[%swap3A_1508] {strides = array<i32>} : memref<400xf32, #tpu.memory_space<vmem>>, vector<16xf32>,
      tpu.vector_store %arg16[%swap3A_1508], %bitcast3A_1507 {strides = array<i32>} : memref<400xf32, #tpu.memory_space<vmem>>, vector<16xf32>,
      %add3A_1510 = arith.constant 272 : i32
      %add3A_1511 = vector.broadcast %add3A_1510 : i32 to vector<16xi32>
      %add3A_1512 = arith.addi %iota3A, %add3A_1511 : vector<16xi32>
      %gather3A_1513 = tpu.vector_load_idx %arg10[%add3A_1512, %add3A_8] : memref<400x128xi32, #tpu.memory_space<vmem>>[vector<16xi32>, vector<16xi32>], vector<16xi32>,
      %add3A_1514 = arith.constant 1 : i32
      %add3A_1515 = vector.broadcast %add3A_1514 : i32 to vector<16xi32>
      %add3A_1516 = arith.addi %add3A_8, %add3A_1515 : vector<16xi32>
      %gather3A_1517 = tpu.vector_load_idx %arg10[%add3A_1512, %add3A_1516] : memref<400x128xi32, #tpu.memory_space<vmem>>[vector<16xi32>, vector<16xi32>], vector<16xi32>,
      %add3A_1518 = arith.constant 2 : i32
      %add3A_1519 = vector.broadcast %add3A_1518 : i32 to vector<16xi32>
      %add3A_1520 = arith.addi %add3A_8, %add3A_1519 : vector<16xi32>
      %gather3A_1521 = tpu.vector_load_idx %arg10[%add3A_1512, %add3A_1520] : memref<400x128xi32, #tpu.memory_space<vmem>>[vector<16xi32>, vector<16xi32>], vector<16xi32>,
      %bitcast3A_1522 = vector.bitcast %gather3A_1513 : vector<16xi32> to vector<16xf32>
      %swap3A_1523 = arith.constant 272 : index
      %swap3A_1524 = tpu.vector_load %arg14[%swap3A_1523] {strides = array<i32>} : memref<400xf32, #tpu.memory_space<vmem>>, vector<16xf32>,
      tpu.vector_store %arg14[%swap3A_1523], %bitcast3A_1522 {strides = array<i32>} : memref<400xf32, #tpu.memory_space<vmem>>, vector<16xf32>,
      %bitcast3A_1525 = vector.bitcast %gather3A_1517 : vector<16xi32> to vector<16xf32>
      %swap3A_1526 = arith.constant 272 : index
      %swap3A_1527 = tpu.vector_load %arg15[%swap3A_1526] {strides = array<i32>} : memref<400xf32, #tpu.memory_space<vmem>>, vector<16xf32>,
      tpu.vector_store %arg15[%swap3A_1526], %bitcast3A_1525 {strides = array<i32>} : memref<400xf32, #tpu.memory_space<vmem>>, vector<16xf32>,
      %bitcast3A_1528 = vector.bitcast %gather3A_1521 : vector<16xi32> to vector<16xf32>
      %swap3A_1529 = arith.constant 272 : index
      %swap3A_1530 = tpu.vector_load %arg16[%swap3A_1529] {strides = array<i32>} : memref<400xf32, #tpu.memory_space<vmem>>, vector<16xf32>,
      tpu.vector_store %arg16[%swap3A_1529], %bitcast3A_1528 {strides = array<i32>} : memref<400xf32, #tpu.memory_space<vmem>>, vector<16xf32>,
      %add3A_1531 = arith.constant 288 : i32
      %add3A_1532 = vector.broadcast %add3A_1531 : i32 to vector<16xi32>
      %add3A_1533 = arith.addi %iota3A, %add3A_1532 : vector<16xi32>
      %gather3A_1534 = tpu.vector_load_idx %arg10[%add3A_1533, %add3A_8] : memref<400x128xi32, #tpu.memory_space<vmem>>[vector<16xi32>, vector<16xi32>], vector<16xi32>,
      %add3A_1535 = arith.constant 1 : i32
      %add3A_1536 = vector.broadcast %add3A_1535 : i32 to vector<16xi32>
      %add3A_1537 = arith.addi %add3A_8, %add3A_1536 : vector<16xi32>
      %gather3A_1538 = tpu.vector_load_idx %arg10[%add3A_1533, %add3A_1537] : memref<400x128xi32, #tpu.memory_space<vmem>>[vector<16xi32>, vector<16xi32>], vector<16xi32>,
      %add3A_1539 = arith.constant 2 : i32
      %add3A_1540 = vector.broadcast %add3A_1539 : i32 to vector<16xi32>
      %add3A_1541 = arith.addi %add3A_8, %add3A_1540 : vector<16xi32>
      %gather3A_1542 = tpu.vector_load_idx %arg10[%add3A_1533, %add3A_1541] : memref<400x128xi32, #tpu.memory_space<vmem>>[vector<16xi32>, vector<16xi32>], vector<16xi32>,
      %bitcast3A_1543 = vector.bitcast %gather3A_1534 : vector<16xi32> to vector<16xf32>
      %swap3A_1544 = arith.constant 288 : index
      %swap3A_1545 = tpu.vector_load %arg14[%swap3A_1544] {strides = array<i32>} : memref<400xf32, #tpu.memory_space<vmem>>, vector<16xf32>,
      tpu.vector_store %arg14[%swap3A_1544], %bitcast3A_1543 {strides = array<i32>} : memref<400xf32, #tpu.memory_space<vmem>>, vector<16xf32>,
      %bitcast3A_1546 = vector.bitcast %gather3A_1538 : vector<16xi32> to vector<16xf32>
      %swap3A_1547 = arith.constant 288 : index
      %swap3A_1548 = tpu.vector_load %arg15[%swap3A_1547] {strides = array<i32>} : memref<400xf32, #tpu.memory_space<vmem>>, vector<16xf32>,
      tpu.vector_store %arg15[%swap3A_1547], %bitcast3A_1546 {strides = array<i32>} : memref<400xf32, #tpu.memory_space<vmem>>, vector<16xf32>,
      %bitcast3A_1549 = vector.bitcast %gather3A_1542 : vector<16xi32> to vector<16xf32>
      %swap3A_1550 = arith.constant 288 : index
      %swap3A_1551 = tpu.vector_load %arg16[%swap3A_1550] {strides = array<i32>} : memref<400xf32, #tpu.memory_space<vmem>>, vector<16xf32>,
      tpu.vector_store %arg16[%swap3A_1550], %bitcast3A_1549 {strides = array<i32>} : memref<400xf32, #tpu.memory_space<vmem>>, vector<16xf32>,
      %add3A_1552 = arith.constant 304 : i32
      %add3A_1553 = vector.broadcast %add3A_1552 : i32 to vector<16xi32>
      %add3A_1554 = arith.addi %iota3A, %add3A_1553 : vector<16xi32>
      %gather3A_1555 = tpu.vector_load_idx %arg10[%add3A_1554, %add3A_8] : memref<400x128xi32, #tpu.memory_space<vmem>>[vector<16xi32>, vector<16xi32>], vector<16xi32>,
      %add3A_1556 = arith.constant 1 : i32
      %add3A_1557 = vector.broadcast %add3A_1556 : i32 to vector<16xi32>
      %add3A_1558 = arith.addi %add3A_8, %add3A_1557 : vector<16xi32>
      %gather3A_1559 = tpu.vector_load_idx %arg10[%add3A_1554, %add3A_1558] : memref<400x128xi32, #tpu.memory_space<vmem>>[vector<16xi32>, vector<16xi32>], vector<16xi32>,
      %add3A_1560 = arith.constant 2 : i32
      %add3A_1561 = vector.broadcast %add3A_1560 : i32 to vector<16xi32>
      %add3A_1562 = arith.addi %add3A_8, %add3A_1561 : vector<16xi32>
      %gather3A_1563 = tpu.vector_load_idx %arg10[%add3A_1554, %add3A_1562] : memref<400x128xi32, #tpu.memory_space<vmem>>[vector<16xi32>, vector<16xi32>], vector<16xi32>,
      %bitcast3A_1564 = vector.bitcast %gather3A_1555 : vector<16xi32> to vector<16xf32>
      %swap3A_1565 = arith.constant 304 : index
      %swap3A_1566 = tpu.vector_load %arg14[%swap3A_1565] {strides = array<i32>} : memref<400xf32, #tpu.memory_space<vmem>>, vector<16xf32>,
      tpu.vector_store %arg14[%swap3A_1565], %bitcast3A_1564 {strides = array<i32>} : memref<400xf32, #tpu.memory_space<vmem>>, vector<16xf32>,
      %bitcast3A_1567 = vector.bitcast %gather3A_1559 : vector<16xi32> to vector<16xf32>
      %swap3A_1568 = arith.constant 304 : index
      %swap3A_1569 = tpu.vector_load %arg15[%swap3A_1568] {strides = array<i32>} : memref<400xf32, #tpu.memory_space<vmem>>, vector<16xf32>,
      tpu.vector_store %arg15[%swap3A_1568], %bitcast3A_1567 {strides = array<i32>} : memref<400xf32, #tpu.memory_space<vmem>>, vector<16xf32>,
      %bitcast3A_1570 = vector.bitcast %gather3A_1563 : vector<16xi32> to vector<16xf32>
      %swap3A_1571 = arith.constant 304 : index
      %swap3A_1572 = tpu.vector_load %arg16[%swap3A_1571] {strides = array<i32>} : memref<400xf32, #tpu.memory_space<vmem>>, vector<16xf32>,
      tpu.vector_store %arg16[%swap3A_1571], %bitcast3A_1570 {strides = array<i32>} : memref<400xf32, #tpu.memory_space<vmem>>, vector<16xf32>,
      %add3A_1573 = arith.constant 320 : i32
      %add3A_1574 = vector.broadcast %add3A_1573 : i32 to vector<16xi32>
      %add3A_1575 = arith.addi %iota3A, %add3A_1574 : vector<16xi32>
      %gather3A_1576 = tpu.vector_load_idx %arg10[%add3A_1575, %add3A_8] : memref<400x128xi32, #tpu.memory_space<vmem>>[vector<16xi32>, vector<16xi32>], vector<16xi32>,
      %add3A_1577 = arith.constant 1 : i32
      %add3A_1578 = vector.broadcast %add3A_1577 : i32 to vector<16xi32>
      %add3A_1579 = arith.addi %add3A_8, %add3A_1578 : vector<16xi32>
      %gather3A_1580 = tpu.vector_load_idx %arg10[%add3A_1575, %add3A_1579] : memref<400x128xi32, #tpu.memory_space<vmem>>[vector<16xi32>, vector<16xi32>], vector<16xi32>,
      %add3A_1581 = arith.constant 2 : i32
      %add3A_1582 = vector.broadcast %add3A_1581 : i32 to vector<16xi32>
      %add3A_1583 = arith.addi %add3A_8, %add3A_1582 : vector<16xi32>
      %gather3A_1584 = tpu.vector_load_idx %arg10[%add3A_1575, %add3A_1583] : memref<400x128xi32, #tpu.memory_space<vmem>>[vector<16xi32>, vector<16xi32>], vector<16xi32>,
      %bitcast3A_1585 = vector.bitcast %gather3A_1576 : vector<16xi32> to vector<16xf32>
      %swap3A_1586 = arith.constant 320 : index
      %swap3A_1587 = tpu.vector_load %arg14[%swap3A_1586] {strides = array<i32>} : memref<400xf32, #tpu.memory_space<vmem>>, vector<16xf32>,
      tpu.vector_store %arg14[%swap3A_1586], %bitcast3A_1585 {strides = array<i32>} : memref<400xf32, #tpu.memory_space<vmem>>, vector<16xf32>,
      %bitcast3A_1588 = vector.bitcast %gather3A_1580 : vector<16xi32> to vector<16xf32>
      %swap3A_1589 = arith.constant 320 : index
      %swap3A_1590 = tpu.vector_load %arg15[%swap3A_1589] {strides = array<i32>} : memref<400xf32, #tpu.memory_space<vmem>>, vector<16xf32>,
      tpu.vector_store %arg15[%swap3A_1589], %bitcast3A_1588 {strides = array<i32>} : memref<400xf32, #tpu.memory_space<vmem>>, vector<16xf32>,
      %bitcast3A_1591 = vector.bitcast %gather3A_1584 : vector<16xi32> to vector<16xf32>
      %swap3A_1592 = arith.constant 320 : index
      %swap3A_1593 = tpu.vector_load %arg16[%swap3A_1592] {strides = array<i32>} : memref<400xf32, #tpu.memory_space<vmem>>, vector<16xf32>,
      tpu.vector_store %arg16[%swap3A_1592], %bitcast3A_1591 {strides = array<i32>} : memref<400xf32, #tpu.memory_space<vmem>>, vector<16xf32>,
      %add3A_1594 = arith.constant 336 : i32
      %add3A_1595 = vector.broadcast %add3A_1594 : i32 to vector<16xi32>
      %add3A_1596 = arith.addi %iota3A, %add3A_1595 : vector<16xi32>
      %gather3A_1597 = tpu.vector_load_idx %arg10[%add3A_1596, %add3A_8] : memref<400x128xi32, #tpu.memory_space<vmem>>[vector<16xi32>, vector<16xi32>], vector<16xi32>,
      %add3A_1598 = arith.constant 1 : i32
      %add3A_1599 = vector.broadcast %add3A_1598 : i32 to vector<16xi32>
      %add3A_1600 = arith.addi %add3A_8, %add3A_1599 : vector<16xi32>
      %gather3A_1601 = tpu.vector_load_idx %arg10[%add3A_1596, %add3A_1600] : memref<400x128xi32, #tpu.memory_space<vmem>>[vector<16xi32>, vector<16xi32>], vector<16xi32>,
      %add3A_1602 = arith.constant 2 : i32
      %add3A_1603 = vector.broadcast %add3A_1602 : i32 to vector<16xi32>
      %add3A_1604 = arith.addi %add3A_8, %add3A_1603 : vector<16xi32>
      %gather3A_1605 = tpu.vector_load_idx %arg10[%add3A_1596, %add3A_1604] : memref<400x128xi32, #tpu.memory_space<vmem>>[vector<16xi32>, vector<16xi32>], vector<16xi32>,
      %bitcast3A_1606 = vector.bitcast %gather3A_1597 : vector<16xi32> to vector<16xf32>
      %swap3A_1607 = arith.constant 336 : index
      %swap3A_1608 = tpu.vector_load %arg14[%swap3A_1607] {strides = array<i32>} : memref<400xf32, #tpu.memory_space<vmem>>, vector<16xf32>,
      tpu.vector_store %arg14[%swap3A_1607], %bitcast3A_1606 {strides = array<i32>} : memref<400xf32, #tpu.memory_space<vmem>>, vector<16xf32>,
      %bitcast3A_1609 = vector.bitcast %gather3A_1601 : vector<16xi32> to vector<16xf32>
      %swap3A_1610 = arith.constant 336 : index
      %swap3A_1611 = tpu.vector_load %arg15[%swap3A_1610] {strides = array<i32>} : memref<400xf32, #tpu.memory_space<vmem>>, vector<16xf32>,
      tpu.vector_store %arg15[%swap3A_1610], %bitcast3A_1609 {strides = array<i32>} : memref<400xf32, #tpu.memory_space<vmem>>, vector<16xf32>,
      %bitcast3A_1612 = vector.bitcast %gather3A_1605 : vector<16xi32> to vector<16xf32>
      %swap3A_1613 = arith.constant 336 : index
      %swap3A_1614 = tpu.vector_load %arg16[%swap3A_1613] {strides = array<i32>} : memref<400xf32, #tpu.memory_space<vmem>>, vector<16xf32>,
      tpu.vector_store %arg16[%swap3A_1613], %bitcast3A_1612 {strides = array<i32>} : memref<400xf32, #tpu.memory_space<vmem>>, vector<16xf32>,
      %add3A_1615 = arith.constant 352 : i32
      %add3A_1616 = vector.broadcast %add3A_1615 : i32 to vector<16xi32>
      %add3A_1617 = arith.addi %iota3A, %add3A_1616 : vector<16xi32>
      %gather3A_1618 = tpu.vector_load_idx %arg10[%add3A_1617, %add3A_8] : memref<400x128xi32, #tpu.memory_space<vmem>>[vector<16xi32>, vector<16xi32>], vector<16xi32>,
      %add3A_1619 = arith.constant 1 : i32
      %add3A_1620 = vector.broadcast %add3A_1619 : i32 to vector<16xi32>
      %add3A_1621 = arith.addi %add3A_8, %add3A_1620 : vector<16xi32>
      %gather3A_1622 = tpu.vector_load_idx %arg10[%add3A_1617, %add3A_1621] : memref<400x128xi32, #tpu.memory_space<vmem>>[vector<16xi32>, vector<16xi32>], vector<16xi32>,
      %add3A_1623 = arith.constant 2 : i32
      %add3A_1624 = vector.broadcast %add3A_1623 : i32 to vector<16xi32>
      %add3A_1625 = arith.addi %add3A_8, %add3A_1624 : vector<16xi32>
      %gather3A_1626 = tpu.vector_load_idx %arg10[%add3A_1617, %add3A_1625] : memref<400x128xi32, #tpu.memory_space<vmem>>[vector<16xi32>, vector<16xi32>], vector<16xi32>,
      %bitcast3A_1627 = vector.bitcast %gather3A_1618 : vector<16xi32> to vector<16xf32>
      %swap3A_1628 = arith.constant 352 : index
      %swap3A_1629 = tpu.vector_load %arg14[%swap3A_1628] {strides = array<i32>} : memref<400xf32, #tpu.memory_space<vmem>>, vector<16xf32>,
      tpu.vector_store %arg14[%swap3A_1628], %bitcast3A_1627 {strides = array<i32>} : memref<400xf32, #tpu.memory_space<vmem>>, vector<16xf32>,
      %bitcast3A_1630 = vector.bitcast %gather3A_1622 : vector<16xi32> to vector<16xf32>
      %swap3A_1631 = arith.constant 352 : index
      %swap3A_1632 = tpu.vector_load %arg15[%swap3A_1631] {strides = array<i32>} : memref<400xf32, #tpu.memory_space<vmem>>, vector<16xf32>,
      tpu.vector_store %arg15[%swap3A_1631], %bitcast3A_1630 {strides = array<i32>} : memref<400xf32, #tpu.memory_space<vmem>>, vector<16xf32>,
      %bitcast3A_1633 = vector.bitcast %gather3A_1626 : vector<16xi32> to vector<16xf32>
      %swap3A_1634 = arith.constant 352 : index
      %swap3A_1635 = tpu.vector_load %arg16[%swap3A_1634] {strides = array<i32>} : memref<400xf32, #tpu.memory_space<vmem>>, vector<16xf32>,
      tpu.vector_store %arg16[%swap3A_1634], %bitcast3A_1633 {strides = array<i32>} : memref<400xf32, #tpu.memory_space<vmem>>, vector<16xf32>,
      %add3A_1636 = arith.constant 368 : i32
      %add3A_1637 = vector.broadcast %add3A_1636 : i32 to vector<16xi32>
      %add3A_1638 = arith.addi %iota3A, %add3A_1637 : vector<16xi32>
      %gather3A_1639 = tpu.vector_load_idx %arg10[%add3A_1638, %add3A_8] : memref<400x128xi32, #tpu.memory_space<vmem>>[vector<16xi32>, vector<16xi32>], vector<16xi32>,
      %add3A_1640 = arith.constant 1 : i32
      %add3A_1641 = vector.broadcast %add3A_1640 : i32 to vector<16xi32>
      %add3A_1642 = arith.addi %add3A_8, %add3A_1641 : vector<16xi32>
      %gather3A_1643 = tpu.vector_load_idx %arg10[%add3A_1638, %add3A_1642] : memref<400x128xi32, #tpu.memory_space<vmem>>[vector<16xi32>, vector<16xi32>], vector<16xi32>,
      %add3A_1644 = arith.constant 2 : i32
      %add3A_1645 = vector.broadcast %add3A_1644 : i32 to vector<16xi32>
      %add3A_1646 = arith.addi %add3A_8, %add3A_1645 : vector<16xi32>
      %gather3A_1647 = tpu.vector_load_idx %arg10[%add3A_1638, %add3A_1646] : memref<400x128xi32, #tpu.memory_space<vmem>>[vector<16xi32>, vector<16xi32>], vector<16xi32>,
      %bitcast3A_1648 = vector.bitcast %gather3A_1639 : vector<16xi32> to vector<16xf32>
      %swap3A_1649 = arith.constant 368 : index
      %swap3A_1650 = tpu.vector_load %arg14[%swap3A_1649] {strides = array<i32>} : memref<400xf32, #tpu.memory_space<vmem>>, vector<16xf32>,
      tpu.vector_store %arg14[%swap3A_1649], %bitcast3A_1648 {strides = array<i32>} : memref<400xf32, #tpu.memory_space<vmem>>, vector<16xf32>,
      %bitcast3A_1651 = vector.bitcast %gather3A_1643 : vector<16xi32> to vector<16xf32>
      %swap3A_1652 = arith.constant 368 : index
      %swap3A_1653 = tpu.vector_load %arg15[%swap3A_1652] {strides = array<i32>} : memref<400xf32, #tpu.memory_space<vmem>>, vector<16xf32>,
      tpu.vector_store %arg15[%swap3A_1652], %bitcast3A_1651 {strides = array<i32>} : memref<400xf32, #tpu.memory_space<vmem>>, vector<16xf32>,
      %bitcast3A_1654 = vector.bitcast %gather3A_1647 : vector<16xi32> to vector<16xf32>
      %swap3A_1655 = arith.constant 368 : index
      %swap3A_1656 = tpu.vector_load %arg16[%swap3A_1655] {strides = array<i32>} : memref<400xf32, #tpu.memory_space<vmem>>, vector<16xf32>,
      tpu.vector_store %arg16[%swap3A_1655], %bitcast3A_1654 {strides = array<i32>} : memref<400xf32, #tpu.memory_space<vmem>>, vector<16xf32>,
      %add3A_1657 = arith.constant 384 : i32
      %add3A_1658 = vector.broadcast %add3A_1657 : i32 to vector<16xi32>
      %add3A_1659 = arith.addi %iota3A, %add3A_1658 : vector<16xi32>
      %gather3A_1660 = tpu.vector_load_idx %arg10[%add3A_1659, %add3A_8] : memref<400x128xi32, #tpu.memory_space<vmem>>[vector<16xi32>, vector<16xi32>], vector<16xi32>,
      %add3A_1661 = arith.constant 1 : i32
      %add3A_1662 = vector.broadcast %add3A_1661 : i32 to vector<16xi32>
      %add3A_1663 = arith.addi %add3A_8, %add3A_1662 : vector<16xi32>
      %gather3A_1664 = tpu.vector_load_idx %arg10[%add3A_1659, %add3A_1663] : memref<400x128xi32, #tpu.memory_space<vmem>>[vector<16xi32>, vector<16xi32>], vector<16xi32>,
      %add3A_1665 = arith.constant 2 : i32
      %add3A_1666 = vector.broadcast %add3A_1665 : i32 to vector<16xi32>
      %add3A_1667 = arith.addi %add3A_8, %add3A_1666 : vector<16xi32>
      %gather3A_1668 = tpu.vector_load_idx %arg10[%add3A_1659, %add3A_1667] : memref<400x128xi32, #tpu.memory_space<vmem>>[vector<16xi32>, vector<16xi32>], vector<16xi32>,
      %bitcast3A_1669 = vector.bitcast %gather3A_1660 : vector<16xi32> to vector<16xf32>
      %swap3A_1670 = arith.constant 384 : index
      %swap3A_1671 = tpu.vector_load %arg14[%swap3A_1670] {strides = array<i32>} : memref<400xf32, #tpu.memory_space<vmem>>, vector<16xf32>,
      tpu.vector_store %arg14[%swap3A_1670], %bitcast3A_1669 {strides = array<i32>} : memref<400xf32, #tpu.memory_space<vmem>>, vector<16xf32>,
      %bitcast3A_1672 = vector.bitcast %gather3A_1664 : vector<16xi32> to vector<16xf32>
      %swap3A_1673 = arith.constant 384 : index
      %swap3A_1674 = tpu.vector_load %arg15[%swap3A_1673] {strides = array<i32>} : memref<400xf32, #tpu.memory_space<vmem>>, vector<16xf32>,
      tpu.vector_store %arg15[%swap3A_1673], %bitcast3A_1672 {strides = array<i32>} : memref<400xf32, #tpu.memory_space<vmem>>, vector<16xf32>,
      %bitcast3A_1675 = vector.bitcast %gather3A_1668 : vector<16xi32> to vector<16xf32>
      %swap3A_1676 = arith.constant 384 : index
      %swap3A_1677 = tpu.vector_load %arg16[%swap3A_1676] {strides = array<i32>} : memref<400xf32, #tpu.memory_space<vmem>>, vector<16xf32>,
      tpu.vector_store %arg16[%swap3A_1676], %bitcast3A_1675 {strides = array<i32>} : memref<400xf32, #tpu.memory_space<vmem>>, vector<16xf32>,
      %mul3A_1678 = arith.constant 400 : i32
      %mul3A_1679 = arith.muli %add3A_1146, %mul3A_1678 : i32
      %add3A_1680 = arith.addi %multiple_of3A, %mul3A_1679 : i32
      %multiple_of3A_1681 = tpu.assume_multiple %add3A_1680, 8 : i32
      %dma_start3A_1682 = arith.constant 0 : i32
      %dma_start3A_1683 = tpu.memref_slice %arg4[%multiple_of3A_1681, %dma_start3A_1682] : memref<320000x128xi32, #tpu.memory_space<hbm>> -> memref<400x128xi32, #tpu.memory_space<hbm>>
      %dma_start3A_1684 = arith.constant 0 : i32
      %dma_start3A_1685 = tpu.memref_slice %arg4[%multiple_of3A_1681, %dma_start3A_1684] : memref<320000x128xi32, #tpu.memory_space<hbm>> -> memref<400x128xi32, #tpu.memory_space<hbm>>
      tpu.enqueue_dma source(%arg10 : memref<400x128xi32, #tpu.memory_space<vmem>>) target(%dma_start3A_1685 : memref<400x128xi32, #tpu.memory_space<hbm>>) target_semaphore(%arg19 : memref<!tpu.dma_semaphore, #tpu.memory_space<semaphore_mem>>)
      %dma_start3A_1686 = tpu.memref_slice %arg5[%multiple_of3A_1681] : memref<320000xf32, #tpu.memory_space<hbm>> -> memref<400xf32, #tpu.memory_space<hbm>>
      %dma_start3A_1687 = tpu.memref_slice %arg5[%multiple_of3A_1681] : memref<320000xf32, #tpu.memory_space<hbm>> -> memref<400xf32, #tpu.memory_space<hbm>>
      tpu.enqueue_dma source(%arg14 : memref<400xf32, #tpu.memory_space<vmem>>) target(%dma_start3A_1687 : memref<400xf32, #tpu.memory_space<hbm>>) target_semaphore(%arg19 : memref<!tpu.dma_semaphore, #tpu.memory_space<semaphore_mem>>)
      %dma_start3A_1688 = tpu.memref_slice %arg6[%multiple_of3A_1681] : memref<320000xf32, #tpu.memory_space<hbm>> -> memref<400xf32, #tpu.memory_space<hbm>>
      %dma_start3A_1689 = tpu.memref_slice %arg6[%multiple_of3A_1681] : memref<320000xf32, #tpu.memory_space<hbm>> -> memref<400xf32, #tpu.memory_space<hbm>>
      tpu.enqueue_dma source(%arg15 : memref<400xf32, #tpu.memory_space<vmem>>) target(%dma_start3A_1689 : memref<400xf32, #tpu.memory_space<hbm>>) target_semaphore(%arg19 : memref<!tpu.dma_semaphore, #tpu.memory_space<semaphore_mem>>)
      %dma_start3A_1690 = tpu.memref_slice %arg7[%multiple_of3A_1681] : memref<320000xf32, #tpu.memory_space<hbm>> -> memref<400xf32, #tpu.memory_space<hbm>>
      %dma_start3A_1691 = tpu.memref_slice %arg7[%multiple_of3A_1681] : memref<320000xf32, #tpu.memory_space<hbm>> -> memref<400xf32, #tpu.memory_space<hbm>>
      tpu.enqueue_dma source(%arg16 : memref<400xf32, #tpu.memory_space<vmem>>) target(%dma_start3A_1691 : memref<400xf32, #tpu.memory_space<hbm>>) target_semaphore(%arg19 : memref<!tpu.dma_semaphore, #tpu.memory_space<semaphore_mem>>)
      %dma_wait3A_1692 = arith.constant 0 : i32
      %dma_wait3A_1693 = tpu.memref_slice %arg4[%multiple_of3A_1681, %dma_wait3A_1692] : memref<320000x128xi32, #tpu.memory_space<hbm>> -> memref<400x128xi32, #tpu.memory_space<hbm>>
      %dma_wait3A_1694 = arith.constant 0 : i32
      %dma_wait3A_1695 = tpu.memref_slice %arg4[%multiple_of3A_1681, %dma_wait3A_1694] : memref<320000x128xi32, #tpu.memory_space<hbm>> -> memref<400x128xi32, #tpu.memory_space<hbm>>
      tpu.wait_dma2 semaphore(%arg19 : memref<!tpu.dma_semaphore, #tpu.memory_space<semaphore_mem>>) src(%arg10 : memref<400x128xi32, #tpu.memory_space<vmem>>) dst(%dma_wait3A_1695 : memref<400x128xi32, #tpu.memory_space<hbm>>)
      %dma_wait3A_1696 = tpu.memref_slice %arg5[%multiple_of3A_1681] : memref<320000xf32, #tpu.memory_space<hbm>> -> memref<400xf32, #tpu.memory_space<hbm>>
      %dma_wait3A_1697 = tpu.memref_slice %arg5[%multiple_of3A_1681] : memref<320000xf32, #tpu.memory_space<hbm>> -> memref<400xf32, #tpu.memory_space<hbm>>
      tpu.wait_dma2 semaphore(%arg19 : memref<!tpu.dma_semaphore, #tpu.memory_space<semaphore_mem>>) src(%arg14 : memref<400xf32, #tpu.memory_space<vmem>>) dst(%dma_wait3A_1697 : memref<400xf32, #tpu.memory_space<hbm>>)
      %dma_wait3A_1698 = tpu.memref_slice %arg6[%multiple_of3A_1681] : memref<320000xf32, #tpu.memory_space<hbm>> -> memref<400xf32, #tpu.memory_space<hbm>>
      %dma_wait3A_1699 = tpu.memref_slice %arg6[%multiple_of3A_1681] : memref<320000xf32, #tpu.memory_space<hbm>> -> memref<400xf32, #tpu.memory_space<hbm>>
      tpu.wait_dma2 semaphore(%arg19 : memref<!tpu.dma_semaphore, #tpu.memory_space<semaphore_mem>>) src(%arg15 : memref<400xf32, #tpu.memory_space<vmem>>) dst(%dma_wait3A_1699 : memref<400xf32, #tpu.memory_space<hbm>>)
      %dma_wait3A_1700 = tpu.memref_slice %arg7[%multiple_of3A_1681] : memref<320000xf32, #tpu.memory_space<hbm>> -> memref<400xf32, #tpu.memory_space<hbm>>
      %dma_wait3A_1701 = tpu.memref_slice %arg7[%multiple_of3A_1681] : memref<320000xf32, #tpu.memory_space<hbm>> -> memref<400xf32, #tpu.memory_space<hbm>>
      tpu.wait_dma2 semaphore(%arg19 : memref<!tpu.dma_semaphore, #tpu.memory_space<semaphore_mem>>) src(%arg16 : memref<400xf32, #tpu.memory_space<vmem>>) dst(%dma_wait3A_1701 : memref<400xf32, #tpu.memory_space<hbm>>)
    }
    %scan3A_18 = arith.constant 12 : i32
    %dma_wait3A = arith.constant 0 : i32
    %dma_wait3A_19 = arith.constant 0 : i32
    %dma_wait3A_20 = tpu.memref_slice %arg3[%dma_wait3A, %dma_wait3A_19] : memref<10000x128xi32, #tpu.memory_space<hbm>> -> memref<400x128xi32, #tpu.memory_space<hbm>>
    %dma_wait3A_21 = arith.constant 0 : i32
    %dma_wait3A_22 = arith.constant 0 : i32
    %dma_wait3A_23 = tpu.memref_slice %arg3[%dma_wait3A_21, %dma_wait3A_22] : memref<10000x128xi32, #tpu.memory_space<hbm>> -> memref<400x128xi32, #tpu.memory_space<hbm>>
    tpu.wait_dma2 semaphore(%arg17 : memref<!tpu.dma_semaphore, #tpu.memory_space<semaphore_mem>>) src(%dma_wait3A_23 : memref<400x128xi32, #tpu.memory_space<hbm>>) dst(%arg9 : memref<400x128xi32, #tpu.memory_space<vmem>>)
    %add3A_24 = arith.constant 0 : i32
    %add3A_25 = vector.broadcast %add3A_24 : i32 to vector<16xi32>
    %add3A_26 = arith.addi %iota3A, %add3A_25 : vector<16xi32>
    %gather3A = tpu.vector_load_idx %arg9[%add3A_26, %add3A_8] : memref<400x128xi32, #tpu.memory_space<vmem>>[vector<16xi32>, vector<16xi32>], vector<16xi32>,
    %add3A_27 = arith.constant 1 : i32
    %add3A_28 = vector.broadcast %add3A_27 : i32 to vector<16xi32>
    %add3A_29 = arith.addi %add3A_8, %add3A_28 : vector<16xi32>
    %gather3A_30 = tpu.vector_load_idx %arg9[%add3A_26, %add3A_29] : memref<400x128xi32, #tpu.memory_space<vmem>>[vector<16xi32>, vector<16xi32>], vector<16xi32>,
    %add3A_31 = arith.constant 2 : i32
    %add3A_32 = vector.broadcast %add3A_31 : i32 to vector<16xi32>
    %add3A_33 = arith.addi %add3A_8, %add3A_32 : vector<16xi32>
    %gather3A_34 = tpu.vector_load_idx %arg9[%add3A_26, %add3A_33] : memref<400x128xi32, #tpu.memory_space<vmem>>[vector<16xi32>, vector<16xi32>], vector<16xi32>,
    %bitcast3A = vector.bitcast %gather3A : vector<16xi32> to vector<16xf32>
    %swap3A = arith.constant 0 : index
    %swap3A_35 = tpu.vector_load %arg11[%swap3A] {strides = array<i32>} : memref<400xf32, #tpu.memory_space<vmem>>, vector<16xf32>,
    tpu.vector_store %arg11[%swap3A], %bitcast3A {strides = array<i32>} : memref<400xf32, #tpu.memory_space<vmem>>, vector<16xf32>,
    %bitcast3A_36 = vector.bitcast %gather3A_30 : vector<16xi32> to vector<16xf32>
    %swap3A_37 = arith.constant 0 : index
    %swap3A_38 = tpu.vector_load %arg12[%swap3A_37] {strides = array<i32>} : memref<400xf32, #tpu.memory_space<vmem>>, vector<16xf32>,
    tpu.vector_store %arg12[%swap3A_37], %bitcast3A_36 {strides = array<i32>} : memref<400xf32, #tpu.memory_space<vmem>>, vector<16xf32>,
    %bitcast3A_39 = vector.bitcast %gather3A_34 : vector<16xi32> to vector<16xf32>
    %swap3A_40 = arith.constant 0 : index
    %swap3A_41 = tpu.vector_load %arg13[%swap3A_40] {strides = array<i32>} : memref<400xf32, #tpu.memory_space<vmem>>, vector<16xf32>,
    tpu.vector_store %arg13[%swap3A_40], %bitcast3A_39 {strides = array<i32>} : memref<400xf32, #tpu.memory_space<vmem>>, vector<16xf32>,
    %add3A_42 = arith.constant 16 : i32
    %add3A_43 = vector.broadcast %add3A_42 : i32 to vector<16xi32>
    %add3A_44 = arith.addi %iota3A, %add3A_43 : vector<16xi32>
    %gather3A_45 = tpu.vector_load_idx %arg9[%add3A_44, %add3A_8] : memref<400x128xi32, #tpu.memory_space<vmem>>[vector<16xi32>, vector<16xi32>], vector<16xi32>,
    %add3A_46 = arith.constant 1 : i32
    %add3A_47 = vector.broadcast %add3A_46 : i32 to vector<16xi32>
    %add3A_48 = arith.addi %add3A_8, %add3A_47 : vector<16xi32>
    %gather3A_49 = tpu.vector_load_idx %arg9[%add3A_44, %add3A_48] : memref<400x128xi32, #tpu.memory_space<vmem>>[vector<16xi32>, vector<16xi32>], vector<16xi32>,
    %add3A_50 = arith.constant 2 : i32
    %add3A_51 = vector.broadcast %add3A_50 : i32 to vector<16xi32>
    %add3A_52 = arith.addi %add3A_8, %add3A_51 : vector<16xi32>
    %gather3A_53 = tpu.vector_load_idx %arg9[%add3A_44, %add3A_52] : memref<400x128xi32, #tpu.memory_space<vmem>>[vector<16xi32>, vector<16xi32>], vector<16xi32>,
    %bitcast3A_54 = vector.bitcast %gather3A_45 : vector<16xi32> to vector<16xf32>
    %swap3A_55 = arith.constant 16 : index
    %swap3A_56 = tpu.vector_load %arg11[%swap3A_55] {strides = array<i32>} : memref<400xf32, #tpu.memory_space<vmem>>, vector<16xf32>,
    tpu.vector_store %arg11[%swap3A_55], %bitcast3A_54 {strides = array<i32>} : memref<400xf32, #tpu.memory_space<vmem>>, vector<16xf32>,
    %bitcast3A_57 = vector.bitcast %gather3A_49 : vector<16xi32> to vector<16xf32>
    %swap3A_58 = arith.constant 16 : index
    %swap3A_59 = tpu.vector_load %arg12[%swap3A_58] {strides = array<i32>} : memref<400xf32, #tpu.memory_space<vmem>>, vector<16xf32>,
    tpu.vector_store %arg12[%swap3A_58], %bitcast3A_57 {strides = array<i32>} : memref<400xf32, #tpu.memory_space<vmem>>, vector<16xf32>,
    %bitcast3A_60 = vector.bitcast %gather3A_53 : vector<16xi32> to vector<16xf32>
    %swap3A_61 = arith.constant 16 : index
    %swap3A_62 = tpu.vector_load %arg13[%swap3A_61] {strides = array<i32>} : memref<400xf32, #tpu.memory_space<vmem>>, vector<16xf32>,
    tpu.vector_store %arg13[%swap3A_61], %bitcast3A_60 {strides = array<i32>} : memref<400xf32, #tpu.memory_space<vmem>>, vector<16xf32>,
    %add3A_63 = arith.constant 32 : i32
    %add3A_64 = vector.broadcast %add3A_63 : i32 to vector<16xi32>
    %add3A_65 = arith.addi %iota3A, %add3A_64 : vector<16xi32>
    %gather3A_66 = tpu.vector_load_idx %arg9[%add3A_65, %add3A_8] : memref<400x128xi32, #tpu.memory_space<vmem>>[vector<16xi32>, vector<16xi32>], vector<16xi32>,
    %add3A_67 = arith.constant 1 : i32
    %add3A_68 = vector.broadcast %add3A_67 : i32 to vector<16xi32>
    %add3A_69 = arith.addi %add3A_8, %add3A_68 : vector<16xi32>
    %gather3A_70 = tpu.vector_load_idx %arg9[%add3A_65, %add3A_69] : memref<400x128xi32, #tpu.memory_space<vmem>>[vector<16xi32>, vector<16xi32>], vector<16xi32>,
    %add3A_71 = arith.constant 2 : i32
    %add3A_72 = vector.broadcast %add3A_71 : i32 to vector<16xi32>
    %add3A_73 = arith.addi %add3A_8, %add3A_72 : vector<16xi32>
    %gather3A_74 = tpu.vector_load_idx %arg9[%add3A_65, %add3A_73] : memref<400x128xi32, #tpu.memory_space<vmem>>[vector<16xi32>, vector<16xi32>], vector<16xi32>,
    %bitcast3A_75 = vector.bitcast %gather3A_66 : vector<16xi32> to vector<16xf32>
    %swap3A_76 = arith.constant 32 : index
    %swap3A_77 = tpu.vector_load %arg11[%swap3A_76] {strides = array<i32>} : memref<400xf32, #tpu.memory_space<vmem>>, vector<16xf32>,
    tpu.vector_store %arg11[%swap3A_76], %bitcast3A_75 {strides = array<i32>} : memref<400xf32, #tpu.memory_space<vmem>>, vector<16xf32>,
    %bitcast3A_78 = vector.bitcast %gather3A_70 : vector<16xi32> to vector<16xf32>
    %swap3A_79 = arith.constant 32 : index
    %swap3A_80 = tpu.vector_load %arg12[%swap3A_79] {strides = array<i32>} : memref<400xf32, #tpu.memory_space<vmem>>, vector<16xf32>,
    tpu.vector_store %arg12[%swap3A_79], %bitcast3A_78 {strides = array<i32>} : memref<400xf32, #tpu.memory_space<vmem>>, vector<16xf32>,
    %bitcast3A_81 = vector.bitcast %gather3A_74 : vector<16xi32> to vector<16xf32>
    %swap3A_82 = arith.constant 32 : index
    %swap3A_83 = tpu.vector_load %arg13[%swap3A_82] {strides = array<i32>} : memref<400xf32, #tpu.memory_space<vmem>>, vector<16xf32>,
    tpu.vector_store %arg13[%swap3A_82], %bitcast3A_81 {strides = array<i32>} : memref<400xf32, #tpu.memory_space<vmem>>, vector<16xf32>,
    %add3A_84 = arith.constant 48 : i32
    %add3A_85 = vector.broadcast %add3A_84 : i32 to vector<16xi32>
    %add3A_86 = arith.addi %iota3A, %add3A_85 : vector<16xi32>
    %gather3A_87 = tpu.vector_load_idx %arg9[%add3A_86, %add3A_8] : memref<400x128xi32, #tpu.memory_space<vmem>>[vector<16xi32>, vector<16xi32>], vector<16xi32>,
    %add3A_88 = arith.constant 1 : i32
    %add3A_89 = vector.broadcast %add3A_88 : i32 to vector<16xi32>
    %add3A_90 = arith.addi %add3A_8, %add3A_89 : vector<16xi32>
    %gather3A_91 = tpu.vector_load_idx %arg9[%add3A_86, %add3A_90] : memref<400x128xi32, #tpu.memory_space<vmem>>[vector<16xi32>, vector<16xi32>], vector<16xi32>,
    %add3A_92 = arith.constant 2 : i32
    %add3A_93 = vector.broadcast %add3A_92 : i32 to vector<16xi32>
    %add3A_94 = arith.addi %add3A_8, %add3A_93 : vector<16xi32>
    %gather3A_95 = tpu.vector_load_idx %arg9[%add3A_86, %add3A_94] : memref<400x128xi32, #tpu.memory_space<vmem>>[vector<16xi32>, vector<16xi32>], vector<16xi32>,
    %bitcast3A_96 = vector.bitcast %gather3A_87 : vector<16xi32> to vector<16xf32>
    %swap3A_97 = arith.constant 48 : index
    %swap3A_98 = tpu.vector_load %arg11[%swap3A_97] {strides = array<i32>} : memref<400xf32, #tpu.memory_space<vmem>>, vector<16xf32>,
    tpu.vector_store %arg11[%swap3A_97], %bitcast3A_96 {strides = array<i32>} : memref<400xf32, #tpu.memory_space<vmem>>, vector<16xf32>,
    %bitcast3A_99 = vector.bitcast %gather3A_91 : vector<16xi32> to vector<16xf32>
    %swap3A_100 = arith.constant 48 : index
    %swap3A_101 = tpu.vector_load %arg12[%swap3A_100] {strides = array<i32>} : memref<400xf32, #tpu.memory_space<vmem>>, vector<16xf32>,
    tpu.vector_store %arg12[%swap3A_100], %bitcast3A_99 {strides = array<i32>} : memref<400xf32, #tpu.memory_space<vmem>>, vector<16xf32>,
    %bitcast3A_102 = vector.bitcast %gather3A_95 : vector<16xi32> to vector<16xf32>
    %swap3A_103 = arith.constant 48 : index
    %swap3A_104 = tpu.vector_load %arg13[%swap3A_103] {strides = array<i32>} : memref<400xf32, #tpu.memory_space<vmem>>, vector<16xf32>,
    tpu.vector_store %arg13[%swap3A_103], %bitcast3A_102 {strides = array<i32>} : memref<400xf32, #tpu.memory_space<vmem>>, vector<16xf32>,
    %add3A_105 = arith.constant 64 : i32
    %add3A_106 = vector.broadcast %add3A_105 : i32 to vector<16xi32>
    %add3A_107 = arith.addi %iota3A, %add3A_106 : vector<16xi32>
    %gather3A_108 = tpu.vector_load_idx %arg9[%add3A_107, %add3A_8] : memref<400x128xi32, #tpu.memory_space<vmem>>[vector<16xi32>, vector<16xi32>], vector<16xi32>,
    %add3A_109 = arith.constant 1 : i32
    %add3A_110 = vector.broadcast %add3A_109 : i32 to vector<16xi32>
    %add3A_111 = arith.addi %add3A_8, %add3A_110 : vector<16xi32>
    %gather3A_112 = tpu.vector_load_idx %arg9[%add3A_107, %add3A_111] : memref<400x128xi32, #tpu.memory_space<vmem>>[vector<16xi32>, vector<16xi32>], vector<16xi32>,
    %add3A_113 = arith.constant 2 : i32
    %add3A_114 = vector.broadcast %add3A_113 : i32 to vector<16xi32>
    %add3A_115 = arith.addi %add3A_8, %add3A_114 : vector<16xi32>
    %gather3A_116 = tpu.vector_load_idx %arg9[%add3A_107, %add3A_115] : memref<400x128xi32, #tpu.memory_space<vmem>>[vector<16xi32>, vector<16xi32>], vector<16xi32>,
    %bitcast3A_117 = vector.bitcast %gather3A_108 : vector<16xi32> to vector<16xf32>
    %swap3A_118 = arith.constant 64 : index
    %swap3A_119 = tpu.vector_load %arg11[%swap3A_118] {strides = array<i32>} : memref<400xf32, #tpu.memory_space<vmem>>, vector<16xf32>,
    tpu.vector_store %arg11[%swap3A_118], %bitcast3A_117 {strides = array<i32>} : memref<400xf32, #tpu.memory_space<vmem>>, vector<16xf32>,
    %bitcast3A_120 = vector.bitcast %gather3A_112 : vector<16xi32> to vector<16xf32>
    %swap3A_121 = arith.constant 64 : index
    %swap3A_122 = tpu.vector_load %arg12[%swap3A_121] {strides = array<i32>} : memref<400xf32, #tpu.memory_space<vmem>>, vector<16xf32>,
    tpu.vector_store %arg12[%swap3A_121], %bitcast3A_120 {strides = array<i32>} : memref<400xf32, #tpu.memory_space<vmem>>, vector<16xf32>,
    %bitcast3A_123 = vector.bitcast %gather3A_116 : vector<16xi32> to vector<16xf32>
    %swap3A_124 = arith.constant 64 : index
    %swap3A_125 = tpu.vector_load %arg13[%swap3A_124] {strides = array<i32>} : memref<400xf32, #tpu.memory_space<vmem>>, vector<16xf32>,
    tpu.vector_store %arg13[%swap3A_124], %bitcast3A_123 {strides = array<i32>} : memref<400xf32, #tpu.memory_space<vmem>>, vector<16xf32>,
    %add3A_126 = arith.constant 80 : i32
    %add3A_127 = vector.broadcast %add3A_126 : i32 to vector<16xi32>
    %add3A_128 = arith.addi %iota3A, %add3A_127 : vector<16xi32>
    %gather3A_129 = tpu.vector_load_idx %arg9[%add3A_128, %add3A_8] : memref<400x128xi32, #tpu.memory_space<vmem>>[vector<16xi32>, vector<16xi32>], vector<16xi32>,
    %add3A_130 = arith.constant 1 : i32
    %add3A_131 = vector.broadcast %add3A_130 : i32 to vector<16xi32>
    %add3A_132 = arith.addi %add3A_8, %add3A_131 : vector<16xi32>
    %gather3A_133 = tpu.vector_load_idx %arg9[%add3A_128, %add3A_132] : memref<400x128xi32, #tpu.memory_space<vmem>>[vector<16xi32>, vector<16xi32>], vector<16xi32>,
    %add3A_134 = arith.constant 2 : i32
    %add3A_135 = vector.broadcast %add3A_134 : i32 to vector<16xi32>
    %add3A_136 = arith.addi %add3A_8, %add3A_135 : vector<16xi32>
    %gather3A_137 = tpu.vector_load_idx %arg9[%add3A_128, %add3A_136] : memref<400x128xi32, #tpu.memory_space<vmem>>[vector<16xi32>, vector<16xi32>], vector<16xi32>,
    %bitcast3A_138 = vector.bitcast %gather3A_129 : vector<16xi32> to vector<16xf32>
    %swap3A_139 = arith.constant 80 : index
    %swap3A_140 = tpu.vector_load %arg11[%swap3A_139] {strides = array<i32>} : memref<400xf32, #tpu.memory_space<vmem>>, vector<16xf32>,
    tpu.vector_store %arg11[%swap3A_139], %bitcast3A_138 {strides = array<i32>} : memref<400xf32, #tpu.memory_space<vmem>>, vector<16xf32>,
    %bitcast3A_141 = vector.bitcast %gather3A_133 : vector<16xi32> to vector<16xf32>
    %swap3A_142 = arith.constant 80 : index
    %swap3A_143 = tpu.vector_load %arg12[%swap3A_142] {strides = array<i32>} : memref<400xf32, #tpu.memory_space<vmem>>, vector<16xf32>,
    tpu.vector_store %arg12[%swap3A_142], %bitcast3A_141 {strides = array<i32>} : memref<400xf32, #tpu.memory_space<vmem>>, vector<16xf32>,
    %bitcast3A_144 = vector.bitcast %gather3A_137 : vector<16xi32> to vector<16xf32>
    %swap3A_145 = arith.constant 80 : index
    %swap3A_146 = tpu.vector_load %arg13[%swap3A_145] {strides = array<i32>} : memref<400xf32, #tpu.memory_space<vmem>>, vector<16xf32>,
    tpu.vector_store %arg13[%swap3A_145], %bitcast3A_144 {strides = array<i32>} : memref<400xf32, #tpu.memory_space<vmem>>, vector<16xf32>,
    %add3A_147 = arith.constant 96 : i32
    %add3A_148 = vector.broadcast %add3A_147 : i32 to vector<16xi32>
    %add3A_149 = arith.addi %iota3A, %add3A_148 : vector<16xi32>
    %gather3A_150 = tpu.vector_load_idx %arg9[%add3A_149, %add3A_8] : memref<400x128xi32, #tpu.memory_space<vmem>>[vector<16xi32>, vector<16xi32>], vector<16xi32>,
    %add3A_151 = arith.constant 1 : i32
    %add3A_152 = vector.broadcast %add3A_151 : i32 to vector<16xi32>
    %add3A_153 = arith.addi %add3A_8, %add3A_152 : vector<16xi32>
    %gather3A_154 = tpu.vector_load_idx %arg9[%add3A_149, %add3A_153] : memref<400x128xi32, #tpu.memory_space<vmem>>[vector<16xi32>, vector<16xi32>], vector<16xi32>,
    %add3A_155 = arith.constant 2 : i32
    %add3A_156 = vector.broadcast %add3A_155 : i32 to vector<16xi32>
    %add3A_157 = arith.addi %add3A_8, %add3A_156 : vector<16xi32>
    %gather3A_158 = tpu.vector_load_idx %arg9[%add3A_149, %add3A_157] : memref<400x128xi32, #tpu.memory_space<vmem>>[vector<16xi32>, vector<16xi32>], vector<16xi32>,
    %bitcast3A_159 = vector.bitcast %gather3A_150 : vector<16xi32> to vector<16xf32>
    %swap3A_160 = arith.constant 96 : index
    %swap3A_161 = tpu.vector_load %arg11[%swap3A_160] {strides = array<i32>} : memref<400xf32, #tpu.memory_space<vmem>>, vector<16xf32>,
    tpu.vector_store %arg11[%swap3A_160], %bitcast3A_159 {strides = array<i32>} : memref<400xf32, #tpu.memory_space<vmem>>, vector<16xf32>,
    %bitcast3A_162 = vector.bitcast %gather3A_154 : vector<16xi32> to vector<16xf32>
    %swap3A_163 = arith.constant 96 : index
    %swap3A_164 = tpu.vector_load %arg12[%swap3A_163] {strides = array<i32>} : memref<400xf32, #tpu.memory_space<vmem>>, vector<16xf32>,
    tpu.vector_store %arg12[%swap3A_163], %bitcast3A_162 {strides = array<i32>} : memref<400xf32, #tpu.memory_space<vmem>>, vector<16xf32>,
    %bitcast3A_165 = vector.bitcast %gather3A_158 : vector<16xi32> to vector<16xf32>
    %swap3A_166 = arith.constant 96 : index
    %swap3A_167 = tpu.vector_load %arg13[%swap3A_166] {strides = array<i32>} : memref<400xf32, #tpu.memory_space<vmem>>, vector<16xf32>,
    tpu.vector_store %arg13[%swap3A_166], %bitcast3A_165 {strides = array<i32>} : memref<400xf32, #tpu.memory_space<vmem>>, vector<16xf32>,
    %add3A_168 = arith.constant 112 : i32
    %add3A_169 = vector.broadcast %add3A_168 : i32 to vector<16xi32>
    %add3A_170 = arith.addi %iota3A, %add3A_169 : vector<16xi32>
    %gather3A_171 = tpu.vector_load_idx %arg9[%add3A_170, %add3A_8] : memref<400x128xi32, #tpu.memory_space<vmem>>[vector<16xi32>, vector<16xi32>], vector<16xi32>,
    %add3A_172 = arith.constant 1 : i32
    %add3A_173 = vector.broadcast %add3A_172 : i32 to vector<16xi32>
    %add3A_174 = arith.addi %add3A_8, %add3A_173 : vector<16xi32>
    %gather3A_175 = tpu.vector_load_idx %arg9[%add3A_170, %add3A_174] : memref<400x128xi32, #tpu.memory_space<vmem>>[vector<16xi32>, vector<16xi32>], vector<16xi32>,
    %add3A_176 = arith.constant 2 : i32
    %add3A_177 = vector.broadcast %add3A_176 : i32 to vector<16xi32>
    %add3A_178 = arith.addi %add3A_8, %add3A_177 : vector<16xi32>
    %gather3A_179 = tpu.vector_load_idx %arg9[%add3A_170, %add3A_178] : memref<400x128xi32, #tpu.memory_space<vmem>>[vector<16xi32>, vector<16xi32>], vector<16xi32>,
    %bitcast3A_180 = vector.bitcast %gather3A_171 : vector<16xi32> to vector<16xf32>
    %swap3A_181 = arith.constant 112 : index
    %swap3A_182 = tpu.vector_load %arg11[%swap3A_181] {strides = array<i32>} : memref<400xf32, #tpu.memory_space<vmem>>, vector<16xf32>,
    tpu.vector_store %arg11[%swap3A_181], %bitcast3A_180 {strides = array<i32>} : memref<400xf32, #tpu.memory_space<vmem>>, vector<16xf32>,
    %bitcast3A_183 = vector.bitcast %gather3A_175 : vector<16xi32> to vector<16xf32>
    %swap3A_184 = arith.constant 112 : index
    %swap3A_185 = tpu.vector_load %arg12[%swap3A_184] {strides = array<i32>} : memref<400xf32, #tpu.memory_space<vmem>>, vector<16xf32>,
    tpu.vector_store %arg12[%swap3A_184], %bitcast3A_183 {strides = array<i32>} : memref<400xf32, #tpu.memory_space<vmem>>, vector<16xf32>,
    %bitcast3A_186 = vector.bitcast %gather3A_179 : vector<16xi32> to vector<16xf32>
    %swap3A_187 = arith.constant 112 : index
    %swap3A_188 = tpu.vector_load %arg13[%swap3A_187] {strides = array<i32>} : memref<400xf32, #tpu.memory_space<vmem>>, vector<16xf32>,
    tpu.vector_store %arg13[%swap3A_187], %bitcast3A_186 {strides = array<i32>} : memref<400xf32, #tpu.memory_space<vmem>>, vector<16xf32>,
    %add3A_189 = arith.constant 128 : i32
    %add3A_190 = vector.broadcast %add3A_189 : i32 to vector<16xi32>
    %add3A_191 = arith.addi %iota3A, %add3A_190 : vector<16xi32>
    %gather3A_192 = tpu.vector_load_idx %arg9[%add3A_191, %add3A_8] : memref<400x128xi32, #tpu.memory_space<vmem>>[vector<16xi32>, vector<16xi32>], vector<16xi32>,
    %add3A_193 = arith.constant 1 : i32
    %add3A_194 = vector.broadcast %add3A_193 : i32 to vector<16xi32>
    %add3A_195 = arith.addi %add3A_8, %add3A_194 : vector<16xi32>
    %gather3A_196 = tpu.vector_load_idx %arg9[%add3A_191, %add3A_195] : memref<400x128xi32, #tpu.memory_space<vmem>>[vector<16xi32>, vector<16xi32>], vector<16xi32>,
    %add3A_197 = arith.constant 2 : i32
    %add3A_198 = vector.broadcast %add3A_197 : i32 to vector<16xi32>
    %add3A_199 = arith.addi %add3A_8, %add3A_198 : vector<16xi32>
    %gather3A_200 = tpu.vector_load_idx %arg9[%add3A_191, %add3A_199] : memref<400x128xi32, #tpu.memory_space<vmem>>[vector<16xi32>, vector<16xi32>], vector<16xi32>,
    %bitcast3A_201 = vector.bitcast %gather3A_192 : vector<16xi32> to vector<16xf32>
    %swap3A_202 = arith.constant 128 : index
    %swap3A_203 = tpu.vector_load %arg11[%swap3A_202] {strides = array<i32>} : memref<400xf32, #tpu.memory_space<vmem>>, vector<16xf32>,
    tpu.vector_store %arg11[%swap3A_202], %bitcast3A_201 {strides = array<i32>} : memref<400xf32, #tpu.memory_space<vmem>>, vector<16xf32>,
    %bitcast3A_204 = vector.bitcast %gather3A_196 : vector<16xi32> to vector<16xf32>
    %swap3A_205 = arith.constant 128 : index
    %swap3A_206 = tpu.vector_load %arg12[%swap3A_205] {strides = array<i32>} : memref<400xf32, #tpu.memory_space<vmem>>, vector<16xf32>,
    tpu.vector_store %arg12[%swap3A_205], %bitcast3A_204 {strides = array<i32>} : memref<400xf32, #tpu.memory_space<vmem>>, vector<16xf32>,
    %bitcast3A_207 = vector.bitcast %gather3A_200 : vector<16xi32> to vector<16xf32>
    %swap3A_208 = arith.constant 128 : index
    %swap3A_209 = tpu.vector_load %arg13[%swap3A_208] {strides = array<i32>} : memref<400xf32, #tpu.memory_space<vmem>>, vector<16xf32>,
    tpu.vector_store %arg13[%swap3A_208], %bitcast3A_207 {strides = array<i32>} : memref<400xf32, #tpu.memory_space<vmem>>, vector<16xf32>,
    %add3A_210 = arith.constant 144 : i32
    %add3A_211 = vector.broadcast %add3A_210 : i32 to vector<16xi32>
    %add3A_212 = arith.addi %iota3A, %add3A_211 : vector<16xi32>
    %gather3A_213 = tpu.vector_load_idx %arg9[%add3A_212, %add3A_8] : memref<400x128xi32, #tpu.memory_space<vmem>>[vector<16xi32>, vector<16xi32>], vector<16xi32>,
    %add3A_214 = arith.constant 1 : i32
    %add3A_215 = vector.broadcast %add3A_214 : i32 to vector<16xi32>
    %add3A_216 = arith.addi %add3A_8, %add3A_215 : vector<16xi32>
    %gather3A_217 = tpu.vector_load_idx %arg9[%add3A_212, %add3A_216] : memref<400x128xi32, #tpu.memory_space<vmem>>[vector<16xi32>, vector<16xi32>], vector<16xi32>,
    %add3A_218 = arith.constant 2 : i32
    %add3A_219 = vector.broadcast %add3A_218 : i32 to vector<16xi32>
    %add3A_220 = arith.addi %add3A_8, %add3A_219 : vector<16xi32>
    %gather3A_221 = tpu.vector_load_idx %arg9[%add3A_212, %add3A_220] : memref<400x128xi32, #tpu.memory_space<vmem>>[vector<16xi32>, vector<16xi32>], vector<16xi32>,
    %bitcast3A_222 = vector.bitcast %gather3A_213 : vector<16xi32> to vector<16xf32>
    %swap3A_223 = arith.constant 144 : index
    %swap3A_224 = tpu.vector_load %arg11[%swap3A_223] {strides = array<i32>} : memref<400xf32, #tpu.memory_space<vmem>>, vector<16xf32>,
    tpu.vector_store %arg11[%swap3A_223], %bitcast3A_222 {strides = array<i32>} : memref<400xf32, #tpu.memory_space<vmem>>, vector<16xf32>,
    %bitcast3A_225 = vector.bitcast %gather3A_217 : vector<16xi32> to vector<16xf32>
    %swap3A_226 = arith.constant 144 : index
    %swap3A_227 = tpu.vector_load %arg12[%swap3A_226] {strides = array<i32>} : memref<400xf32, #tpu.memory_space<vmem>>, vector<16xf32>,
    tpu.vector_store %arg12[%swap3A_226], %bitcast3A_225 {strides = array<i32>} : memref<400xf32, #tpu.memory_space<vmem>>, vector<16xf32>,
    %bitcast3A_228 = vector.bitcast %gather3A_221 : vector<16xi32> to vector<16xf32>
    %swap3A_229 = arith.constant 144 : index
    %swap3A_230 = tpu.vector_load %arg13[%swap3A_229] {strides = array<i32>} : memref<400xf32, #tpu.memory_space<vmem>>, vector<16xf32>,
    tpu.vector_store %arg13[%swap3A_229], %bitcast3A_228 {strides = array<i32>} : memref<400xf32, #tpu.memory_space<vmem>>, vector<16xf32>,
    %add3A_231 = arith.constant 160 : i32
    %add3A_232 = vector.broadcast %add3A_231 : i32 to vector<16xi32>
    %add3A_233 = arith.addi %iota3A, %add3A_232 : vector<16xi32>
    %gather3A_234 = tpu.vector_load_idx %arg9[%add3A_233, %add3A_8] : memref<400x128xi32, #tpu.memory_space<vmem>>[vector<16xi32>, vector<16xi32>], vector<16xi32>,
    %add3A_235 = arith.constant 1 : i32
    %add3A_236 = vector.broadcast %add3A_235 : i32 to vector<16xi32>
    %add3A_237 = arith.addi %add3A_8, %add3A_236 : vector<16xi32>
    %gather3A_238 = tpu.vector_load_idx %arg9[%add3A_233, %add3A_237] : memref<400x128xi32, #tpu.memory_space<vmem>>[vector<16xi32>, vector<16xi32>], vector<16xi32>,
    %add3A_239 = arith.constant 2 : i32
    %add3A_240 = vector.broadcast %add3A_239 : i32 to vector<16xi32>
    %add3A_241 = arith.addi %add3A_8, %add3A_240 : vector<16xi32>
    %gather3A_242 = tpu.vector_load_idx %arg9[%add3A_233, %add3A_241] : memref<400x128xi32, #tpu.memory_space<vmem>>[vector<16xi32>, vector<16xi32>], vector<16xi32>,
    %bitcast3A_243 = vector.bitcast %gather3A_234 : vector<16xi32> to vector<16xf32>
    %swap3A_244 = arith.constant 160 : index
    %swap3A_245 = tpu.vector_load %arg11[%swap3A_244] {strides = array<i32>} : memref<400xf32, #tpu.memory_space<vmem>>, vector<16xf32>,
    tpu.vector_store %arg11[%swap3A_244], %bitcast3A_243 {strides = array<i32>} : memref<400xf32, #tpu.memory_space<vmem>>, vector<16xf32>,
    %bitcast3A_246 = vector.bitcast %gather3A_238 : vector<16xi32> to vector<16xf32>
    %swap3A_247 = arith.constant 160 : index
    %swap3A_248 = tpu.vector_load %arg12[%swap3A_247] {strides = array<i32>} : memref<400xf32, #tpu.memory_space<vmem>>, vector<16xf32>,
    tpu.vector_store %arg12[%swap3A_247], %bitcast3A_246 {strides = array<i32>} : memref<400xf32, #tpu.memory_space<vmem>>, vector<16xf32>,
    %bitcast3A_249 = vector.bitcast %gather3A_242 : vector<16xi32> to vector<16xf32>
    %swap3A_250 = arith.constant 160 : index
    %swap3A_251 = tpu.vector_load %arg13[%swap3A_250] {strides = array<i32>} : memref<400xf32, #tpu.memory_space<vmem>>, vector<16xf32>,
    tpu.vector_store %arg13[%swap3A_250], %bitcast3A_249 {strides = array<i32>} : memref<400xf32, #tpu.memory_space<vmem>>, vector<16xf32>,
    %add3A_252 = arith.constant 176 : i32
    %add3A_253 = vector.broadcast %add3A_252 : i32 to vector<16xi32>
    %add3A_254 = arith.addi %iota3A, %add3A_253 : vector<16xi32>
    %gather3A_255 = tpu.vector_load_idx %arg9[%add3A_254, %add3A_8] : memref<400x128xi32, #tpu.memory_space<vmem>>[vector<16xi32>, vector<16xi32>], vector<16xi32>,
    %add3A_256 = arith.constant 1 : i32
    %add3A_257 = vector.broadcast %add3A_256 : i32 to vector<16xi32>
    %add3A_258 = arith.addi %add3A_8, %add3A_257 : vector<16xi32>
    %gather3A_259 = tpu.vector_load_idx %arg9[%add3A_254, %add3A_258] : memref<400x128xi32, #tpu.memory_space<vmem>>[vector<16xi32>, vector<16xi32>], vector<16xi32>,
    %add3A_260 = arith.constant 2 : i32
    %add3A_261 = vector.broadcast %add3A_260 : i32 to vector<16xi32>
    %add3A_262 = arith.addi %add3A_8, %add3A_261 : vector<16xi32>
    %gather3A_263 = tpu.vector_load_idx %arg9[%add3A_254, %add3A_262] : memref<400x128xi32, #tpu.memory_space<vmem>>[vector<16xi32>, vector<16xi32>], vector<16xi32>,
    %bitcast3A_264 = vector.bitcast %gather3A_255 : vector<16xi32> to vector<16xf32>
    %swap3A_265 = arith.constant 176 : index
    %swap3A_266 = tpu.vector_load %arg11[%swap3A_265] {strides = array<i32>} : memref<400xf32, #tpu.memory_space<vmem>>, vector<16xf32>,
    tpu.vector_store %arg11[%swap3A_265], %bitcast3A_264 {strides = array<i32>} : memref<400xf32, #tpu.memory_space<vmem>>, vector<16xf32>,
    %bitcast3A_267 = vector.bitcast %gather3A_259 : vector<16xi32> to vector<16xf32>
    %swap3A_268 = arith.constant 176 : index
    %swap3A_269 = tpu.vector_load %arg12[%swap3A_268] {strides = array<i32>} : memref<400xf32, #tpu.memory_space<vmem>>, vector<16xf32>,
    tpu.vector_store %arg12[%swap3A_268], %bitcast3A_267 {strides = array<i32>} : memref<400xf32, #tpu.memory_space<vmem>>, vector<16xf32>,
    %bitcast3A_270 = vector.bitcast %gather3A_263 : vector<16xi32> to vector<16xf32>
    %swap3A_271 = arith.constant 176 : index
    %swap3A_272 = tpu.vector_load %arg13[%swap3A_271] {strides = array<i32>} : memref<400xf32, #tpu.memory_space<vmem>>, vector<16xf32>,
    tpu.vector_store %arg13[%swap3A_271], %bitcast3A_270 {strides = array<i32>} : memref<400xf32, #tpu.memory_space<vmem>>, vector<16xf32>,
    %add3A_273 = arith.constant 192 : i32
    %add3A_274 = vector.broadcast %add3A_273 : i32 to vector<16xi32>
    %add3A_275 = arith.addi %iota3A, %add3A_274 : vector<16xi32>
    %gather3A_276 = tpu.vector_load_idx %arg9[%add3A_275, %add3A_8] : memref<400x128xi32, #tpu.memory_space<vmem>>[vector<16xi32>, vector<16xi32>], vector<16xi32>,
    %add3A_277 = arith.constant 1 : i32
    %add3A_278 = vector.broadcast %add3A_277 : i32 to vector<16xi32>
    %add3A_279 = arith.addi %add3A_8, %add3A_278 : vector<16xi32>
    %gather3A_280 = tpu.vector_load_idx %arg9[%add3A_275, %add3A_279] : memref<400x128xi32, #tpu.memory_space<vmem>>[vector<16xi32>, vector<16xi32>], vector<16xi32>,
    %add3A_281 = arith.constant 2 : i32
    %add3A_282 = vector.broadcast %add3A_281 : i32 to vector<16xi32>
    %add3A_283 = arith.addi %add3A_8, %add3A_282 : vector<16xi32>
    %gather3A_284 = tpu.vector_load_idx %arg9[%add3A_275, %add3A_283] : memref<400x128xi32, #tpu.memory_space<vmem>>[vector<16xi32>, vector<16xi32>], vector<16xi32>,
    %bitcast3A_285 = vector.bitcast %gather3A_276 : vector<16xi32> to vector<16xf32>
    %swap3A_286 = arith.constant 192 : index
    %swap3A_287 = tpu.vector_load %arg11[%swap3A_286] {strides = array<i32>} : memref<400xf32, #tpu.memory_space<vmem>>, vector<16xf32>,
    tpu.vector_store %arg11[%swap3A_286], %bitcast3A_285 {strides = array<i32>} : memref<400xf32, #tpu.memory_space<vmem>>, vector<16xf32>,
    %bitcast3A_288 = vector.bitcast %gather3A_280 : vector<16xi32> to vector<16xf32>
    %swap3A_289 = arith.constant 192 : index
    %swap3A_290 = tpu.vector_load %arg12[%swap3A_289] {strides = array<i32>} : memref<400xf32, #tpu.memory_space<vmem>>, vector<16xf32>,
    tpu.vector_store %arg12[%swap3A_289], %bitcast3A_288 {strides = array<i32>} : memref<400xf32, #tpu.memory_space<vmem>>, vector<16xf32>,
    %bitcast3A_291 = vector.bitcast %gather3A_284 : vector<16xi32> to vector<16xf32>
    %swap3A_292 = arith.constant 192 : index
    %swap3A_293 = tpu.vector_load %arg13[%swap3A_292] {strides = array<i32>} : memref<400xf32, #tpu.memory_space<vmem>>, vector<16xf32>,
    tpu.vector_store %arg13[%swap3A_292], %bitcast3A_291 {strides = array<i32>} : memref<400xf32, #tpu.memory_space<vmem>>, vector<16xf32>,
    %add3A_294 = arith.constant 208 : i32
    %add3A_295 = vector.broadcast %add3A_294 : i32 to vector<16xi32>
    %add3A_296 = arith.addi %iota3A, %add3A_295 : vector<16xi32>
    %gather3A_297 = tpu.vector_load_idx %arg9[%add3A_296, %add3A_8] : memref<400x128xi32, #tpu.memory_space<vmem>>[vector<16xi32>, vector<16xi32>], vector<16xi32>,
    %add3A_298 = arith.constant 1 : i32
    %add3A_299 = vector.broadcast %add3A_298 : i32 to vector<16xi32>
    %add3A_300 = arith.addi %add3A_8, %add3A_299 : vector<16xi32>
    %gather3A_301 = tpu.vector_load_idx %arg9[%add3A_296, %add3A_300] : memref<400x128xi32, #tpu.memory_space<vmem>>[vector<16xi32>, vector<16xi32>], vector<16xi32>,
    %add3A_302 = arith.constant 2 : i32
    %add3A_303 = vector.broadcast %add3A_302 : i32 to vector<16xi32>
    %add3A_304 = arith.addi %add3A_8, %add3A_303 : vector<16xi32>
    %gather3A_305 = tpu.vector_load_idx %arg9[%add3A_296, %add3A_304] : memref<400x128xi32, #tpu.memory_space<vmem>>[vector<16xi32>, vector<16xi32>], vector<16xi32>,
    %bitcast3A_306 = vector.bitcast %gather3A_297 : vector<16xi32> to vector<16xf32>
    %swap3A_307 = arith.constant 208 : index
    %swap3A_308 = tpu.vector_load %arg11[%swap3A_307] {strides = array<i32>} : memref<400xf32, #tpu.memory_space<vmem>>, vector<16xf32>,
    tpu.vector_store %arg11[%swap3A_307], %bitcast3A_306 {strides = array<i32>} : memref<400xf32, #tpu.memory_space<vmem>>, vector<16xf32>,
    %bitcast3A_309 = vector.bitcast %gather3A_301 : vector<16xi32> to vector<16xf32>
    %swap3A_310 = arith.constant 208 : index
    %swap3A_311 = tpu.vector_load %arg12[%swap3A_310] {strides = array<i32>} : memref<400xf32, #tpu.memory_space<vmem>>, vector<16xf32>,
    tpu.vector_store %arg12[%swap3A_310], %bitcast3A_309 {strides = array<i32>} : memref<400xf32, #tpu.memory_space<vmem>>, vector<16xf32>,
    %bitcast3A_312 = vector.bitcast %gather3A_305 : vector<16xi32> to vector<16xf32>
    %swap3A_313 = arith.constant 208 : index
    %swap3A_314 = tpu.vector_load %arg13[%swap3A_313] {strides = array<i32>} : memref<400xf32, #tpu.memory_space<vmem>>, vector<16xf32>,
    tpu.vector_store %arg13[%swap3A_313], %bitcast3A_312 {strides = array<i32>} : memref<400xf32, #tpu.memory_space<vmem>>, vector<16xf32>,
    %add3A_315 = arith.constant 224 : i32
    %add3A_316 = vector.broadcast %add3A_315 : i32 to vector<16xi32>
    %add3A_317 = arith.addi %iota3A, %add3A_316 : vector<16xi32>
    %gather3A_318 = tpu.vector_load_idx %arg9[%add3A_317, %add3A_8] : memref<400x128xi32, #tpu.memory_space<vmem>>[vector<16xi32>, vector<16xi32>], vector<16xi32>,
    %add3A_319 = arith.constant 1 : i32
    %add3A_320 = vector.broadcast %add3A_319 : i32 to vector<16xi32>
    %add3A_321 = arith.addi %add3A_8, %add3A_320 : vector<16xi32>
    %gather3A_322 = tpu.vector_load_idx %arg9[%add3A_317, %add3A_321] : memref<400x128xi32, #tpu.memory_space<vmem>>[vector<16xi32>, vector<16xi32>], vector<16xi32>,
    %add3A_323 = arith.constant 2 : i32
    %add3A_324 = vector.broadcast %add3A_323 : i32 to vector<16xi32>
    %add3A_325 = arith.addi %add3A_8, %add3A_324 : vector<16xi32>
    %gather3A_326 = tpu.vector_load_idx %arg9[%add3A_317, %add3A_325] : memref<400x128xi32, #tpu.memory_space<vmem>>[vector<16xi32>, vector<16xi32>], vector<16xi32>,
    %bitcast3A_327 = vector.bitcast %gather3A_318 : vector<16xi32> to vector<16xf32>
    %swap3A_328 = arith.constant 224 : index
    %swap3A_329 = tpu.vector_load %arg11[%swap3A_328] {strides = array<i32>} : memref<400xf32, #tpu.memory_space<vmem>>, vector<16xf32>,
    tpu.vector_store %arg11[%swap3A_328], %bitcast3A_327 {strides = array<i32>} : memref<400xf32, #tpu.memory_space<vmem>>, vector<16xf32>,
    %bitcast3A_330 = vector.bitcast %gather3A_322 : vector<16xi32> to vector<16xf32>
    %swap3A_331 = arith.constant 224 : index
    %swap3A_332 = tpu.vector_load %arg12[%swap3A_331] {strides = array<i32>} : memref<400xf32, #tpu.memory_space<vmem>>, vector<16xf32>,
    tpu.vector_store %arg12[%swap3A_331], %bitcast3A_330 {strides = array<i32>} : memref<400xf32, #tpu.memory_space<vmem>>, vector<16xf32>,
    %bitcast3A_333 = vector.bitcast %gather3A_326 : vector<16xi32> to vector<16xf32>
    %swap3A_334 = arith.constant 224 : index
    %swap3A_335 = tpu.vector_load %arg13[%swap3A_334] {strides = array<i32>} : memref<400xf32, #tpu.memory_space<vmem>>, vector<16xf32>,
    tpu.vector_store %arg13[%swap3A_334], %bitcast3A_333 {strides = array<i32>} : memref<400xf32, #tpu.memory_space<vmem>>, vector<16xf32>,
    %add3A_336 = arith.constant 240 : i32
    %add3A_337 = vector.broadcast %add3A_336 : i32 to vector<16xi32>
    %add3A_338 = arith.addi %iota3A, %add3A_337 : vector<16xi32>
    %gather3A_339 = tpu.vector_load_idx %arg9[%add3A_338, %add3A_8] : memref<400x128xi32, #tpu.memory_space<vmem>>[vector<16xi32>, vector<16xi32>], vector<16xi32>,
    %add3A_340 = arith.constant 1 : i32
    %add3A_341 = vector.broadcast %add3A_340 : i32 to vector<16xi32>
    %add3A_342 = arith.addi %add3A_8, %add3A_341 : vector<16xi32>
    %gather3A_343 = tpu.vector_load_idx %arg9[%add3A_338, %add3A_342] : memref<400x128xi32, #tpu.memory_space<vmem>>[vector<16xi32>, vector<16xi32>], vector<16xi32>,
    %add3A_344 = arith.constant 2 : i32
    %add3A_345 = vector.broadcast %add3A_344 : i32 to vector<16xi32>
    %add3A_346 = arith.addi %add3A_8, %add3A_345 : vector<16xi32>
    %gather3A_347 = tpu.vector_load_idx %arg9[%add3A_338, %add3A_346] : memref<400x128xi32, #tpu.memory_space<vmem>>[vector<16xi32>, vector<16xi32>], vector<16xi32>,
    %bitcast3A_348 = vector.bitcast %gather3A_339 : vector<16xi32> to vector<16xf32>
    %swap3A_349 = arith.constant 240 : index
    %swap3A_350 = tpu.vector_load %arg11[%swap3A_349] {strides = array<i32>} : memref<400xf32, #tpu.memory_space<vmem>>, vector<16xf32>,
    tpu.vector_store %arg11[%swap3A_349], %bitcast3A_348 {strides = array<i32>} : memref<400xf32, #tpu.memory_space<vmem>>, vector<16xf32>,
    %bitcast3A_351 = vector.bitcast %gather3A_343 : vector<16xi32> to vector<16xf32>
    %swap3A_352 = arith.constant 240 : index
    %swap3A_353 = tpu.vector_load %arg12[%swap3A_352] {strides = array<i32>} : memref<400xf32, #tpu.memory_space<vmem>>, vector<16xf32>,
    tpu.vector_store %arg12[%swap3A_352], %bitcast3A_351 {strides = array<i32>} : memref<400xf32, #tpu.memory_space<vmem>>, vector<16xf32>,
    %bitcast3A_354 = vector.bitcast %gather3A_347 : vector<16xi32> to vector<16xf32>
    %swap3A_355 = arith.constant 240 : index
    %swap3A_356 = tpu.vector_load %arg13[%swap3A_355] {strides = array<i32>} : memref<400xf32, #tpu.memory_space<vmem>>, vector<16xf32>,
    tpu.vector_store %arg13[%swap3A_355], %bitcast3A_354 {strides = array<i32>} : memref<400xf32, #tpu.memory_space<vmem>>, vector<16xf32>,
    %add3A_357 = arith.constant 256 : i32
    %add3A_358 = vector.broadcast %add3A_357 : i32 to vector<16xi32>
    %add3A_359 = arith.addi %iota3A, %add3A_358 : vector<16xi32>
    %gather3A_360 = tpu.vector_load_idx %arg9[%add3A_359, %add3A_8] : memref<400x128xi32, #tpu.memory_space<vmem>>[vector<16xi32>, vector<16xi32>], vector<16xi32>,
    %add3A_361 = arith.constant 1 : i32
    %add3A_362 = vector.broadcast %add3A_361 : i32 to vector<16xi32>
    %add3A_363 = arith.addi %add3A_8, %add3A_362 : vector<16xi32>
    %gather3A_364 = tpu.vector_load_idx %arg9[%add3A_359, %add3A_363] : memref<400x128xi32, #tpu.memory_space<vmem>>[vector<16xi32>, vector<16xi32>], vector<16xi32>,
    %add3A_365 = arith.constant 2 : i32
    %add3A_366 = vector.broadcast %add3A_365 : i32 to vector<16xi32>
    %add3A_367 = arith.addi %add3A_8, %add3A_366 : vector<16xi32>
    %gather3A_368 = tpu.vector_load_idx %arg9[%add3A_359, %add3A_367] : memref<400x128xi32, #tpu.memory_space<vmem>>[vector<16xi32>, vector<16xi32>], vector<16xi32>,
    %bitcast3A_369 = vector.bitcast %gather3A_360 : vector<16xi32> to vector<16xf32>
    %swap3A_370 = arith.constant 256 : index
    %swap3A_371 = tpu.vector_load %arg11[%swap3A_370] {strides = array<i32>} : memref<400xf32, #tpu.memory_space<vmem>>, vector<16xf32>,
    tpu.vector_store %arg11[%swap3A_370], %bitcast3A_369 {strides = array<i32>} : memref<400xf32, #tpu.memory_space<vmem>>, vector<16xf32>,
    %bitcast3A_372 = vector.bitcast %gather3A_364 : vector<16xi32> to vector<16xf32>
    %swap3A_373 = arith.constant 256 : index
    %swap3A_374 = tpu.vector_load %arg12[%swap3A_373] {strides = array<i32>} : memref<400xf32, #tpu.memory_space<vmem>>, vector<16xf32>,
    tpu.vector_store %arg12[%swap3A_373], %bitcast3A_372 {strides = array<i32>} : memref<400xf32, #tpu.memory_space<vmem>>, vector<16xf32>,
    %bitcast3A_375 = vector.bitcast %gather3A_368 : vector<16xi32> to vector<16xf32>
    %swap3A_376 = arith.constant 256 : index
    %swap3A_377 = tpu.vector_load %arg13[%swap3A_376] {strides = array<i32>} : memref<400xf32, #tpu.memory_space<vmem>>, vector<16xf32>,
    tpu.vector_store %arg13[%swap3A_376], %bitcast3A_375 {strides = array<i32>} : memref<400xf32, #tpu.memory_space<vmem>>, vector<16xf32>,
    %add3A_378 = arith.constant 272 : i32
    %add3A_379 = vector.broadcast %add3A_378 : i32 to vector<16xi32>
    %add3A_380 = arith.addi %iota3A, %add3A_379 : vector<16xi32>
    %gather3A_381 = tpu.vector_load_idx %arg9[%add3A_380, %add3A_8] : memref<400x128xi32, #tpu.memory_space<vmem>>[vector<16xi32>, vector<16xi32>], vector<16xi32>,
    %add3A_382 = arith.constant 1 : i32
    %add3A_383 = vector.broadcast %add3A_382 : i32 to vector<16xi32>
    %add3A_384 = arith.addi %add3A_8, %add3A_383 : vector<16xi32>
    %gather3A_385 = tpu.vector_load_idx %arg9[%add3A_380, %add3A_384] : memref<400x128xi32, #tpu.memory_space<vmem>>[vector<16xi32>, vector<16xi32>], vector<16xi32>,
    %add3A_386 = arith.constant 2 : i32
    %add3A_387 = vector.broadcast %add3A_386 : i32 to vector<16xi32>
    %add3A_388 = arith.addi %add3A_8, %add3A_387 : vector<16xi32>
    %gather3A_389 = tpu.vector_load_idx %arg9[%add3A_380, %add3A_388] : memref<400x128xi32, #tpu.memory_space<vmem>>[vector<16xi32>, vector<16xi32>], vector<16xi32>,
    %bitcast3A_390 = vector.bitcast %gather3A_381 : vector<16xi32> to vector<16xf32>
    %swap3A_391 = arith.constant 272 : index
    %swap3A_392 = tpu.vector_load %arg11[%swap3A_391] {strides = array<i32>} : memref<400xf32, #tpu.memory_space<vmem>>, vector<16xf32>,
    tpu.vector_store %arg11[%swap3A_391], %bitcast3A_390 {strides = array<i32>} : memref<400xf32, #tpu.memory_space<vmem>>, vector<16xf32>,
    %bitcast3A_393 = vector.bitcast %gather3A_385 : vector<16xi32> to vector<16xf32>
    %swap3A_394 = arith.constant 272 : index
    %swap3A_395 = tpu.vector_load %arg12[%swap3A_394] {strides = array<i32>} : memref<400xf32, #tpu.memory_space<vmem>>, vector<16xf32>,
    tpu.vector_store %arg12[%swap3A_394], %bitcast3A_393 {strides = array<i32>} : memref<400xf32, #tpu.memory_space<vmem>>, vector<16xf32>,
    %bitcast3A_396 = vector.bitcast %gather3A_389 : vector<16xi32> to vector<16xf32>
    %swap3A_397 = arith.constant 272 : index
    %swap3A_398 = tpu.vector_load %arg13[%swap3A_397] {strides = array<i32>} : memref<400xf32, #tpu.memory_space<vmem>>, vector<16xf32>,
    tpu.vector_store %arg13[%swap3A_397], %bitcast3A_396 {strides = array<i32>} : memref<400xf32, #tpu.memory_space<vmem>>, vector<16xf32>,
    %add3A_399 = arith.constant 288 : i32
    %add3A_400 = vector.broadcast %add3A_399 : i32 to vector<16xi32>
    %add3A_401 = arith.addi %iota3A, %add3A_400 : vector<16xi32>
    %gather3A_402 = tpu.vector_load_idx %arg9[%add3A_401, %add3A_8] : memref<400x128xi32, #tpu.memory_space<vmem>>[vector<16xi32>, vector<16xi32>], vector<16xi32>,
    %add3A_403 = arith.constant 1 : i32
    %add3A_404 = vector.broadcast %add3A_403 : i32 to vector<16xi32>
    %add3A_405 = arith.addi %add3A_8, %add3A_404 : vector<16xi32>
    %gather3A_406 = tpu.vector_load_idx %arg9[%add3A_401, %add3A_405] : memref<400x128xi32, #tpu.memory_space<vmem>>[vector<16xi32>, vector<16xi32>], vector<16xi32>,
    %add3A_407 = arith.constant 2 : i32
    %add3A_408 = vector.broadcast %add3A_407 : i32 to vector<16xi32>
    %add3A_409 = arith.addi %add3A_8, %add3A_408 : vector<16xi32>
    %gather3A_410 = tpu.vector_load_idx %arg9[%add3A_401, %add3A_409] : memref<400x128xi32, #tpu.memory_space<vmem>>[vector<16xi32>, vector<16xi32>], vector<16xi32>,
    %bitcast3A_411 = vector.bitcast %gather3A_402 : vector<16xi32> to vector<16xf32>
    %swap3A_412 = arith.constant 288 : index
    %swap3A_413 = tpu.vector_load %arg11[%swap3A_412] {strides = array<i32>} : memref<400xf32, #tpu.memory_space<vmem>>, vector<16xf32>,
    tpu.vector_store %arg11[%swap3A_412], %bitcast3A_411 {strides = array<i32>} : memref<400xf32, #tpu.memory_space<vmem>>, vector<16xf32>,
    %bitcast3A_414 = vector.bitcast %gather3A_406 : vector<16xi32> to vector<16xf32>
    %swap3A_415 = arith.constant 288 : index
    %swap3A_416 = tpu.vector_load %arg12[%swap3A_415] {strides = array<i32>} : memref<400xf32, #tpu.memory_space<vmem>>, vector<16xf32>,
    tpu.vector_store %arg12[%swap3A_415], %bitcast3A_414 {strides = array<i32>} : memref<400xf32, #tpu.memory_space<vmem>>, vector<16xf32>,
    %bitcast3A_417 = vector.bitcast %gather3A_410 : vector<16xi32> to vector<16xf32>
    %swap3A_418 = arith.constant 288 : index
    %swap3A_419 = tpu.vector_load %arg13[%swap3A_418] {strides = array<i32>} : memref<400xf32, #tpu.memory_space<vmem>>, vector<16xf32>,
    tpu.vector_store %arg13[%swap3A_418], %bitcast3A_417 {strides = array<i32>} : memref<400xf32, #tpu.memory_space<vmem>>, vector<16xf32>,
    %add3A_420 = arith.constant 304 : i32
    %add3A_421 = vector.broadcast %add3A_420 : i32 to vector<16xi32>
    %add3A_422 = arith.addi %iota3A, %add3A_421 : vector<16xi32>
    %gather3A_423 = tpu.vector_load_idx %arg9[%add3A_422, %add3A_8] : memref<400x128xi32, #tpu.memory_space<vmem>>[vector<16xi32>, vector<16xi32>], vector<16xi32>,
    %add3A_424 = arith.constant 1 : i32
    %add3A_425 = vector.broadcast %add3A_424 : i32 to vector<16xi32>
    %add3A_426 = arith.addi %add3A_8, %add3A_425 : vector<16xi32>
    %gather3A_427 = tpu.vector_load_idx %arg9[%add3A_422, %add3A_426] : memref<400x128xi32, #tpu.memory_space<vmem>>[vector<16xi32>, vector<16xi32>], vector<16xi32>,
    %add3A_428 = arith.constant 2 : i32
    %add3A_429 = vector.broadcast %add3A_428 : i32 to vector<16xi32>
    %add3A_430 = arith.addi %add3A_8, %add3A_429 : vector<16xi32>
    %gather3A_431 = tpu.vector_load_idx %arg9[%add3A_422, %add3A_430] : memref<400x128xi32, #tpu.memory_space<vmem>>[vector<16xi32>, vector<16xi32>], vector<16xi32>,
    %bitcast3A_432 = vector.bitcast %gather3A_423 : vector<16xi32> to vector<16xf32>
    %swap3A_433 = arith.constant 304 : index
    %swap3A_434 = tpu.vector_load %arg11[%swap3A_433] {strides = array<i32>} : memref<400xf32, #tpu.memory_space<vmem>>, vector<16xf32>,
    tpu.vector_store %arg11[%swap3A_433], %bitcast3A_432 {strides = array<i32>} : memref<400xf32, #tpu.memory_space<vmem>>, vector<16xf32>,
    %bitcast3A_435 = vector.bitcast %gather3A_427 : vector<16xi32> to vector<16xf32>
    %swap3A_436 = arith.constant 304 : index
    %swap3A_437 = tpu.vector_load %arg12[%swap3A_436] {strides = array<i32>} : memref<400xf32, #tpu.memory_space<vmem>>, vector<16xf32>,
    tpu.vector_store %arg12[%swap3A_436], %bitcast3A_435 {strides = array<i32>} : memref<400xf32, #tpu.memory_space<vmem>>, vector<16xf32>,
    %bitcast3A_438 = vector.bitcast %gather3A_431 : vector<16xi32> to vector<16xf32>
    %swap3A_439 = arith.constant 304 : index
    %swap3A_440 = tpu.vector_load %arg13[%swap3A_439] {strides = array<i32>} : memref<400xf32, #tpu.memory_space<vmem>>, vector<16xf32>,
    tpu.vector_store %arg13[%swap3A_439], %bitcast3A_438 {strides = array<i32>} : memref<400xf32, #tpu.memory_space<vmem>>, vector<16xf32>,
    %add3A_441 = arith.constant 320 : i32
    %add3A_442 = vector.broadcast %add3A_441 : i32 to vector<16xi32>
    %add3A_443 = arith.addi %iota3A, %add3A_442 : vector<16xi32>
    %gather3A_444 = tpu.vector_load_idx %arg9[%add3A_443, %add3A_8] : memref<400x128xi32, #tpu.memory_space<vmem>>[vector<16xi32>, vector<16xi32>], vector<16xi32>,
    %add3A_445 = arith.constant 1 : i32
    %add3A_446 = vector.broadcast %add3A_445 : i32 to vector<16xi32>
    %add3A_447 = arith.addi %add3A_8, %add3A_446 : vector<16xi32>
    %gather3A_448 = tpu.vector_load_idx %arg9[%add3A_443, %add3A_447] : memref<400x128xi32, #tpu.memory_space<vmem>>[vector<16xi32>, vector<16xi32>], vector<16xi32>,
    %add3A_449 = arith.constant 2 : i32
    %add3A_450 = vector.broadcast %add3A_449 : i32 to vector<16xi32>
    %add3A_451 = arith.addi %add3A_8, %add3A_450 : vector<16xi32>
    %gather3A_452 = tpu.vector_load_idx %arg9[%add3A_443, %add3A_451] : memref<400x128xi32, #tpu.memory_space<vmem>>[vector<16xi32>, vector<16xi32>], vector<16xi32>,
    %bitcast3A_453 = vector.bitcast %gather3A_444 : vector<16xi32> to vector<16xf32>
    %swap3A_454 = arith.constant 320 : index
    %swap3A_455 = tpu.vector_load %arg11[%swap3A_454] {strides = array<i32>} : memref<400xf32, #tpu.memory_space<vmem>>, vector<16xf32>,
    tpu.vector_store %arg11[%swap3A_454], %bitcast3A_453 {strides = array<i32>} : memref<400xf32, #tpu.memory_space<vmem>>, vector<16xf32>,
    %bitcast3A_456 = vector.bitcast %gather3A_448 : vector<16xi32> to vector<16xf32>
    %swap3A_457 = arith.constant 320 : index
    %swap3A_458 = tpu.vector_load %arg12[%swap3A_457] {strides = array<i32>} : memref<400xf32, #tpu.memory_space<vmem>>, vector<16xf32>,
    tpu.vector_store %arg12[%swap3A_457], %bitcast3A_456 {strides = array<i32>} : memref<400xf32, #tpu.memory_space<vmem>>, vector<16xf32>,
    %bitcast3A_459 = vector.bitcast %gather3A_452 : vector<16xi32> to vector<16xf32>
    %swap3A_460 = arith.constant 320 : index
    %swap3A_461 = tpu.vector_load %arg13[%swap3A_460] {strides = array<i32>} : memref<400xf32, #tpu.memory_space<vmem>>, vector<16xf32>,
    tpu.vector_store %arg13[%swap3A_460], %bitcast3A_459 {strides = array<i32>} : memref<400xf32, #tpu.memory_space<vmem>>, vector<16xf32>,
    %add3A_462 = arith.constant 336 : i32
    %add3A_463 = vector.broadcast %add3A_462 : i32 to vector<16xi32>
    %add3A_464 = arith.addi %iota3A, %add3A_463 : vector<16xi32>
    %gather3A_465 = tpu.vector_load_idx %arg9[%add3A_464, %add3A_8] : memref<400x128xi32, #tpu.memory_space<vmem>>[vector<16xi32>, vector<16xi32>], vector<16xi32>,
    %add3A_466 = arith.constant 1 : i32
    %add3A_467 = vector.broadcast %add3A_466 : i32 to vector<16xi32>
    %add3A_468 = arith.addi %add3A_8, %add3A_467 : vector<16xi32>
    %gather3A_469 = tpu.vector_load_idx %arg9[%add3A_464, %add3A_468] : memref<400x128xi32, #tpu.memory_space<vmem>>[vector<16xi32>, vector<16xi32>], vector<16xi32>,
    %add3A_470 = arith.constant 2 : i32
    %add3A_471 = vector.broadcast %add3A_470 : i32 to vector<16xi32>
    %add3A_472 = arith.addi %add3A_8, %add3A_471 : vector<16xi32>
    %gather3A_473 = tpu.vector_load_idx %arg9[%add3A_464, %add3A_472] : memref<400x128xi32, #tpu.memory_space<vmem>>[vector<16xi32>, vector<16xi32>], vector<16xi32>,
    %bitcast3A_474 = vector.bitcast %gather3A_465 : vector<16xi32> to vector<16xf32>
    %swap3A_475 = arith.constant 336 : index
    %swap3A_476 = tpu.vector_load %arg11[%swap3A_475] {strides = array<i32>} : memref<400xf32, #tpu.memory_space<vmem>>, vector<16xf32>,
    tpu.vector_store %arg11[%swap3A_475], %bitcast3A_474 {strides = array<i32>} : memref<400xf32, #tpu.memory_space<vmem>>, vector<16xf32>,
    %bitcast3A_477 = vector.bitcast %gather3A_469 : vector<16xi32> to vector<16xf32>
    %swap3A_478 = arith.constant 336 : index
    %swap3A_479 = tpu.vector_load %arg12[%swap3A_478] {strides = array<i32>} : memref<400xf32, #tpu.memory_space<vmem>>, vector<16xf32>,
    tpu.vector_store %arg12[%swap3A_478], %bitcast3A_477 {strides = array<i32>} : memref<400xf32, #tpu.memory_space<vmem>>, vector<16xf32>,
    %bitcast3A_480 = vector.bitcast %gather3A_473 : vector<16xi32> to vector<16xf32>
    %swap3A_481 = arith.constant 336 : index
    %swap3A_482 = tpu.vector_load %arg13[%swap3A_481] {strides = array<i32>} : memref<400xf32, #tpu.memory_space<vmem>>, vector<16xf32>,
    tpu.vector_store %arg13[%swap3A_481], %bitcast3A_480 {strides = array<i32>} : memref<400xf32, #tpu.memory_space<vmem>>, vector<16xf32>,
    %add3A_483 = arith.constant 352 : i32
    %add3A_484 = vector.broadcast %add3A_483 : i32 to vector<16xi32>
    %add3A_485 = arith.addi %iota3A, %add3A_484 : vector<16xi32>
    %gather3A_486 = tpu.vector_load_idx %arg9[%add3A_485, %add3A_8] : memref<400x128xi32, #tpu.memory_space<vmem>>[vector<16xi32>, vector<16xi32>], vector<16xi32>,
    %add3A_487 = arith.constant 1 : i32
    %add3A_488 = vector.broadcast %add3A_487 : i32 to vector<16xi32>
    %add3A_489 = arith.addi %add3A_8, %add3A_488 : vector<16xi32>
    %gather3A_490 = tpu.vector_load_idx %arg9[%add3A_485, %add3A_489] : memref<400x128xi32, #tpu.memory_space<vmem>>[vector<16xi32>, vector<16xi32>], vector<16xi32>,
    %add3A_491 = arith.constant 2 : i32
    %add3A_492 = vector.broadcast %add3A_491 : i32 to vector<16xi32>
    %add3A_493 = arith.addi %add3A_8, %add3A_492 : vector<16xi32>
    %gather3A_494 = tpu.vector_load_idx %arg9[%add3A_485, %add3A_493] : memref<400x128xi32, #tpu.memory_space<vmem>>[vector<16xi32>, vector<16xi32>], vector<16xi32>,
    %bitcast3A_495 = vector.bitcast %gather3A_486 : vector<16xi32> to vector<16xf32>
    %swap3A_496 = arith.constant 352 : index
    %swap3A_497 = tpu.vector_load %arg11[%swap3A_496] {strides = array<i32>} : memref<400xf32, #tpu.memory_space<vmem>>, vector<16xf32>,
    tpu.vector_store %arg11[%swap3A_496], %bitcast3A_495 {strides = array<i32>} : memref<400xf32, #tpu.memory_space<vmem>>, vector<16xf32>,
    %bitcast3A_498 = vector.bitcast %gather3A_490 : vector<16xi32> to vector<16xf32>
    %swap3A_499 = arith.constant 352 : index
    %swap3A_500 = tpu.vector_load %arg12[%swap3A_499] {strides = array<i32>} : memref<400xf32, #tpu.memory_space<vmem>>, vector<16xf32>,
    tpu.vector_store %arg12[%swap3A_499], %bitcast3A_498 {strides = array<i32>} : memref<400xf32, #tpu.memory_space<vmem>>, vector<16xf32>,
    %bitcast3A_501 = vector.bitcast %gather3A_494 : vector<16xi32> to vector<16xf32>
    %swap3A_502 = arith.constant 352 : index
    %swap3A_503 = tpu.vector_load %arg13[%swap3A_502] {strides = array<i32>} : memref<400xf32, #tpu.memory_space<vmem>>, vector<16xf32>,
    tpu.vector_store %arg13[%swap3A_502], %bitcast3A_501 {strides = array<i32>} : memref<400xf32, #tpu.memory_space<vmem>>, vector<16xf32>,
    %add3A_504 = arith.constant 368 : i32
    %add3A_505 = vector.broadcast %add3A_504 : i32 to vector<16xi32>
    %add3A_506 = arith.addi %iota3A, %add3A_505 : vector<16xi32>
    %gather3A_507 = tpu.vector_load_idx %arg9[%add3A_506, %add3A_8] : memref<400x128xi32, #tpu.memory_space<vmem>>[vector<16xi32>, vector<16xi32>], vector<16xi32>,
    %add3A_508 = arith.constant 1 : i32
    %add3A_509 = vector.broadcast %add3A_508 : i32 to vector<16xi32>
    %add3A_510 = arith.addi %add3A_8, %add3A_509 : vector<16xi32>
    %gather3A_511 = tpu.vector_load_idx %arg9[%add3A_506, %add3A_510] : memref<400x128xi32, #tpu.memory_space<vmem>>[vector<16xi32>, vector<16xi32>], vector<16xi32>,
    %add3A_512 = arith.constant 2 : i32
    %add3A_513 = vector.broadcast %add3A_512 : i32 to vector<16xi32>
    %add3A_514 = arith.addi %add3A_8, %add3A_513 : vector<16xi32>
    %gather3A_515 = tpu.vector_load_idx %arg9[%add3A_506, %add3A_514] : memref<400x128xi32, #tpu.memory_space<vmem>>[vector<16xi32>, vector<16xi32>], vector<16xi32>,
    %bitcast3A_516 = vector.bitcast %gather3A_507 : vector<16xi32> to vector<16xf32>
    %swap3A_517 = arith.constant 368 : index
    %swap3A_518 = tpu.vector_load %arg11[%swap3A_517] {strides = array<i32>} : memref<400xf32, #tpu.memory_space<vmem>>, vector<16xf32>,
    tpu.vector_store %arg11[%swap3A_517], %bitcast3A_516 {strides = array<i32>} : memref<400xf32, #tpu.memory_space<vmem>>, vector<16xf32>,
    %bitcast3A_519 = vector.bitcast %gather3A_511 : vector<16xi32> to vector<16xf32>
    %swap3A_520 = arith.constant 368 : index
    %swap3A_521 = tpu.vector_load %arg12[%swap3A_520] {strides = array<i32>} : memref<400xf32, #tpu.memory_space<vmem>>, vector<16xf32>,
    tpu.vector_store %arg12[%swap3A_520], %bitcast3A_519 {strides = array<i32>} : memref<400xf32, #tpu.memory_space<vmem>>, vector<16xf32>,
    %bitcast3A_522 = vector.bitcast %gather3A_515 : vector<16xi32> to vector<16xf32>
    %swap3A_523 = arith.constant 368 : index
    %swap3A_524 = tpu.vector_load %arg13[%swap3A_523] {strides = array<i32>} : memref<400xf32, #tpu.memory_space<vmem>>, vector<16xf32>,
    tpu.vector_store %arg13[%swap3A_523], %bitcast3A_522 {strides = array<i32>} : memref<400xf32, #tpu.memory_space<vmem>>, vector<16xf32>,
    %add3A_525 = arith.constant 384 : i32
    %add3A_526 = vector.broadcast %add3A_525 : i32 to vector<16xi32>
    %add3A_527 = arith.addi %iota3A, %add3A_526 : vector<16xi32>
    %gather3A_528 = tpu.vector_load_idx %arg9[%add3A_527, %add3A_8] : memref<400x128xi32, #tpu.memory_space<vmem>>[vector<16xi32>, vector<16xi32>], vector<16xi32>,
    %add3A_529 = arith.constant 1 : i32
    %add3A_530 = vector.broadcast %add3A_529 : i32 to vector<16xi32>
    %add3A_531 = arith.addi %add3A_8, %add3A_530 : vector<16xi32>
    %gather3A_532 = tpu.vector_load_idx %arg9[%add3A_527, %add3A_531] : memref<400x128xi32, #tpu.memory_space<vmem>>[vector<16xi32>, vector<16xi32>], vector<16xi32>,
    %add3A_533 = arith.constant 2 : i32
    %add3A_534 = vector.broadcast %add3A_533 : i32 to vector<16xi32>
    %add3A_535 = arith.addi %add3A_8, %add3A_534 : vector<16xi32>
    %gather3A_536 = tpu.vector_load_idx %arg9[%add3A_527, %add3A_535] : memref<400x128xi32, #tpu.memory_space<vmem>>[vector<16xi32>, vector<16xi32>], vector<16xi32>,
    %bitcast3A_537 = vector.bitcast %gather3A_528 : vector<16xi32> to vector<16xf32>
    %swap3A_538 = arith.constant 384 : index
    %swap3A_539 = tpu.vector_load %arg11[%swap3A_538] {strides = array<i32>} : memref<400xf32, #tpu.memory_space<vmem>>, vector<16xf32>,
    tpu.vector_store %arg11[%swap3A_538], %bitcast3A_537 {strides = array<i32>} : memref<400xf32, #tpu.memory_space<vmem>>, vector<16xf32>,
    %bitcast3A_540 = vector.bitcast %gather3A_532 : vector<16xi32> to vector<16xf32>
    %swap3A_541 = arith.constant 384 : index
    %swap3A_542 = tpu.vector_load %arg12[%swap3A_541] {strides = array<i32>} : memref<400xf32, #tpu.memory_space<vmem>>, vector<16xf32>,
    tpu.vector_store %arg12[%swap3A_541], %bitcast3A_540 {strides = array<i32>} : memref<400xf32, #tpu.memory_space<vmem>>, vector<16xf32>,
    %bitcast3A_543 = vector.bitcast %gather3A_536 : vector<16xi32> to vector<16xf32>
    %swap3A_544 = arith.constant 384 : index
    %swap3A_545 = tpu.vector_load %arg13[%swap3A_544] {strides = array<i32>} : memref<400xf32, #tpu.memory_space<vmem>>, vector<16xf32>,
    tpu.vector_store %arg13[%swap3A_544], %bitcast3A_543 {strides = array<i32>} : memref<400xf32, #tpu.memory_space<vmem>>, vector<16xf32>,
    %add3A_546 = arith.constant 9600 : i32
    %add3A_547 = arith.addi %multiple_of3A, %add3A_546 : i32
    %multiple_of3A_548 = tpu.assume_multiple %add3A_547, 8 : i32
    %dma_start3A_549 = arith.constant 0 : i32
    %dma_start3A_550 = tpu.memref_slice %arg4[%multiple_of3A_548, %dma_start3A_549] : memref<320000x128xi32, #tpu.memory_space<hbm>> -> memref<400x128xi32, #tpu.memory_space<hbm>>
    %dma_start3A_551 = arith.constant 0 : i32
    %dma_start3A_552 = tpu.memref_slice %arg4[%multiple_of3A_548, %dma_start3A_551] : memref<320000x128xi32, #tpu.memory_space<hbm>> -> memref<400x128xi32, #tpu.memory_space<hbm>>
    tpu.enqueue_dma source(%arg9 : memref<400x128xi32, #tpu.memory_space<vmem>>) target(%dma_start3A_552 : memref<400x128xi32, #tpu.memory_space<hbm>>) target_semaphore(%arg19 : memref<!tpu.dma_semaphore, #tpu.memory_space<semaphore_mem>>)
    %dma_start3A_553 = tpu.memref_slice %arg5[%multiple_of3A_548] : memref<320000xf32, #tpu.memory_space<hbm>> -> memref<400xf32, #tpu.memory_space<hbm>>
    %dma_start3A_554 = tpu.memref_slice %arg5[%multiple_of3A_548] : memref<320000xf32, #tpu.memory_space<hbm>> -> memref<400xf32, #tpu.memory_space<hbm>>
    tpu.enqueue_dma source(%arg11 : memref<400xf32, #tpu.memory_space<vmem>>) target(%dma_start3A_554 : memref<400xf32, #tpu.memory_space<hbm>>) target_semaphore(%arg19 : memref<!tpu.dma_semaphore, #tpu.memory_space<semaphore_mem>>)
    %dma_start3A_555 = tpu.memref_slice %arg6[%multiple_of3A_548] : memref<320000xf32, #tpu.memory_space<hbm>> -> memref<400xf32, #tpu.memory_space<hbm>>
    %dma_start3A_556 = tpu.memref_slice %arg6[%multiple_of3A_548] : memref<320000xf32, #tpu.memory_space<hbm>> -> memref<400xf32, #tpu.memory_space<hbm>>
    tpu.enqueue_dma source(%arg12 : memref<400xf32, #tpu.memory_space<vmem>>) target(%dma_start3A_556 : memref<400xf32, #tpu.memory_space<hbm>>) target_semaphore(%arg19 : memref<!tpu.dma_semaphore, #tpu.memory_space<semaphore_mem>>)
    %dma_start3A_557 = tpu.memref_slice %arg7[%multiple_of3A_548] : memref<320000xf32, #tpu.memory_space<hbm>> -> memref<400xf32, #tpu.memory_space<hbm>>
    %dma_start3A_558 = tpu.memref_slice %arg7[%multiple_of3A_548] : memref<320000xf32, #tpu.memory_space<hbm>> -> memref<400xf32, #tpu.memory_space<hbm>>
    tpu.enqueue_dma source(%arg13 : memref<400xf32, #tpu.memory_space<vmem>>) target(%dma_start3A_558 : memref<400xf32, #tpu.memory_space<hbm>>) target_semaphore(%arg19 : memref<!tpu.dma_semaphore, #tpu.memory_space<semaphore_mem>>)
    %dma_wait3A_559 = arith.constant 0 : i32
    %dma_wait3A_560 = tpu.memref_slice %arg4[%multiple_of3A_548, %dma_wait3A_559] : memref<320000x128xi32, #tpu.memory_space<hbm>> -> memref<400x128xi32, #tpu.memory_space<hbm>>
    %dma_wait3A_561 = arith.constant 0 : i32
    %dma_wait3A_562 = tpu.memref_slice %arg4[%multiple_of3A_548, %dma_wait3A_561] : memref<320000x128xi32, #tpu.memory_space<hbm>> -> memref<400x128xi32, #tpu.memory_space<hbm>>
    tpu.wait_dma2 semaphore(%arg19 : memref<!tpu.dma_semaphore, #tpu.memory_space<semaphore_mem>>) src(%arg9 : memref<400x128xi32, #tpu.memory_space<vmem>>) dst(%dma_wait3A_562 : memref<400x128xi32, #tpu.memory_space<hbm>>)
    %dma_wait3A_563 = tpu.memref_slice %arg5[%multiple_of3A_548] : memref<320000xf32, #tpu.memory_space<hbm>> -> memref<400xf32, #tpu.memory_space<hbm>>
    %dma_wait3A_564 = tpu.memref_slice %arg5[%multiple_of3A_548] : memref<320000xf32, #tpu.memory_space<hbm>> -> memref<400xf32, #tpu.memory_space<hbm>>
    tpu.wait_dma2 semaphore(%arg19 : memref<!tpu.dma_semaphore, #tpu.memory_space<semaphore_mem>>) src(%arg11 : memref<400xf32, #tpu.memory_space<vmem>>) dst(%dma_wait3A_564 : memref<400xf32, #tpu.memory_space<hbm>>)
    %dma_wait3A_565 = tpu.memref_slice %arg6[%multiple_of3A_548] : memref<320000xf32, #tpu.memory_space<hbm>> -> memref<400xf32, #tpu.memory_space<hbm>>
    %dma_wait3A_566 = tpu.memref_slice %arg6[%multiple_of3A_548] : memref<320000xf32, #tpu.memory_space<hbm>> -> memref<400xf32, #tpu.memory_space<hbm>>
    tpu.wait_dma2 semaphore(%arg19 : memref<!tpu.dma_semaphore, #tpu.memory_space<semaphore_mem>>) src(%arg12 : memref<400xf32, #tpu.memory_space<vmem>>) dst(%dma_wait3A_566 : memref<400xf32, #tpu.memory_space<hbm>>)
    %dma_wait3A_567 = tpu.memref_slice %arg7[%multiple_of3A_548] : memref<320000xf32, #tpu.memory_space<hbm>> -> memref<400xf32, #tpu.memory_space<hbm>>
    %dma_wait3A_568 = tpu.memref_slice %arg7[%multiple_of3A_548] : memref<320000xf32, #tpu.memory_space<hbm>> -> memref<400xf32, #tpu.memory_space<hbm>>
    tpu.wait_dma2 semaphore(%arg19 : memref<!tpu.dma_semaphore, #tpu.memory_space<semaphore_mem>>) src(%arg13 : memref<400xf32, #tpu.memory_space<vmem>>) dst(%dma_wait3A_568 : memref<400xf32, #tpu.memory_space<hbm>>)
    return
  }
}

</mosaic_0001>

<sc_bundles>
// kernel: _sc_gather.3.cloned.1.call-start
scs
__scs_entry_jumppad:
0x0: {  	(pc) =	sbr.rel $0x88, $3  }
0x1: {  	(tag) =	ssettag $0x0;
	lr =	simm.s32 $0x1  }
0x2: {  	[smem:$0x3F9F] =	sst lr;
	_ =	strace $0xD0000000  }
0x3: {  	_ = 	snop  }
0x4: {  	_ = 	snop  }
0x5: {  	_ = 	snop  }
0x6: {  	_ = 	snop  }
0x7: {  	_ = 	snop  }
__scs_overlays_trampoline_lowered:
0x8: {  	[smem:$0x3FAE] =	sst s0  }
0x9: {  	[smem:$0x3FAF] =	sst s1  }
0xa: {  	[smem:$0x3FB0] =	sst s2  }
0xb: {  	[smem:$0x3FB1] =	sst s3  }
0xc: {  	[smem:$0x3FB2] =	sst s4  }
0xd: {  	[smem:$0x3FB3] =	sst s5  }
0xe: {  	[smem:$0x3FB4] =	sst s6  }
0xf: {  	[smem:$0x3FB5] =	sst s7  }
0x10: {  	[smem:$0x3FB6] =	sst s8  }
0x11: {  	[smem:$0x3FB7] =	sst s9;
	s0 =	simm.s32 @!p0 $0x0  }
0x12: {  	s1 =	sld [smem:$0x3F9D];
	s0 =	simm.s32 @p0 $0x1  }
0x13: {  	[smem:$0x3FB8] =	sst s0;
	s0 =	simm.s32 @!p1 $0x0  }
0x14: {  	s2 =	sld [smem:$0x3F9C];
	s0 =	simm.s32 @p1 $0x1  }
0x15: {  	[smem:$0x3FB9] =	sst s0;
	s0 =	simm.s32 @!p2 $0x0  }
0x16: {  	s3 =	sld [smem:$0x3FDB];
	s0 =	simm.s32 @p2 $0x1  }
0x17: {  	s4 =	simm.s32 $0x1BF5;
	[smem:$0x3FBB] =	sst s0  }
0x18: {  	s0 =	sld [smem:$0x3F9E];
	_ =	swait.ge [sflag:s4], $0x0  }
0x19: {  	s7 =	sld [smem:$0x3F9F]  }
0x1a: {  	s8 =	sadd.s32 $0xFFFFE003, lr  }
0x1b: {  	s9 =	sadd.s32 $0xFFFFFEF7, lr;
	s5 =	simm.s32 $0xFFFFFFFF;
	p2 =	slt.u32 s8, $0xFFFFF086  }
0x1c: {  	p1 =	slt.u32 s9, $0xF7A;
	s5 =	simm.s32 @!p2 $0x0  }
0x1d: {  	s5 =	simm.s32 @p1 $0x1;
	p0 =	seq.s32 s7, s2  }
0x1e: {  	s7 =	smul.u32 @!p0 $0xF7A, s2;
	p2 =	seq.s32 @!p0 s5, $0x0  }
0x1f: {  	s9 =	smul.u32 $0xF7A, s1;
	s8 =	simm.s32 @!p0 $0x1BF5;
	p2 =	por !p2, p0  }
0x20: {  	[sflag:s8] =	ssyncset.s32 @!p0 $0xFFFFF086;
	s6 =	sadd.s32 @!p0 s3, s7;
	s7 =	simm.s32 @!p0 $0x108  }
0x21: {  	s3 =	sadd.s32 s3, s9;
	s6 =	sadd.s32 @!p0 $0x88, s6;
	s7 =	simm.s32 @p2 $0x1082  }
0x22: {  	[simem:s7], [sflag:s8] =	dma.local @!p0 [hbm:s6], $0xF7A  }
0x23: {  	s9 =	sor.u32 $0xD0000000, s2;
	s6 =	simm.s32 $0x108;
	_ =	swait.ge @!p0 [sflag:s8], $0x0  }
0x24: {  	s3 =	sadd.s32 $0x88, s3;
	s6 =	simm.s32 @!p1 $0x1082;
	[sflag:s4] =	ssyncset.s32 $0xFFFFF086  }
0x25: {  	[simem:s6], [sflag:s4] =	dma.local [hbm:s3], $0xF7A  }
0x26: {  	[smem:$0x3F9F] =	sst s1;
	(tag) =	ssettag s2;
	_ =	strace s9  }
0x27: {  	s1 =	sld [smem:$0x3FAF]  }
0x28: {  	s2 =	sld [smem:$0x3FB0]  }
0x29: {  	s4 =	sld [smem:$0x3FB2]  }
0x2a: {  	p0 =	seq.s32 s5, $0x0;
	s5 =	sld [smem:$0x3FB3]  }
0x2b: {  	s6 =	sld [smem:$0x3FB4]  }
0x2c: {  	s7 =	sld [smem:$0x3FB5]  }
0x2d: {  	s3 =	simm.s32 $0x108;
	s8 =	sld [smem:$0x3FB6]  }
0x2e: {  	s3 =	simm.s32 @!p0 $0x1082;
	s9 =	sld [smem:$0x3FB7]  }
0x2f: {  	lr =	sadd.s32 s0, s3;
	s0 =	sld [smem:$0x3FAE]  }
0x30: {  	s3 =	sld [smem:$0x3FB1]  }
0x31: {  	[smem:$0x3FBA] =	sst s10  }
0x32: {  	s10 =	sld [smem:$0x3FB8];
	_ =	sdelay $0x3  }
0x33: {  	p0 =	seq.s32 s10, $0x1;
	s10 =	sld [smem:$0x3FBA];
	_ =	sdelay $0x3  }
0x34: {  	[smem:$0x3FBA] =	sst s10  }
0x35: {  	s10 =	sld [smem:$0x3FB9];
	_ =	sdelay $0x3  }
0x36: {  	p1 =	seq.s32 s10, $0x1;
	s10 =	sld [smem:$0x3FBA];
	_ =	sdelay $0x3  }
0x37: {  	[smem:$0x3FBA] =	sst s10  }
0x38: {  	s10 =	sld [smem:$0x3FBB]  }
0x39: {  	_ = 	snop;
	(pc) =	sbr.ind lr, $3  }
0x3a: {  	_ = 	snop  }
0x3b: {  	_ = 	snop  }
0x3c: {  	p2 =	seq.s32 s10, $0x1;
	s10 =	sld [smem:$0x3FBA]  }
0x3d: {  	_ =	shalt  }
0x3e: {  	_ =	shalt  }
0x3f: {  	_ =	shalt  }
0x40: {  	_ =	shalt  }
0x41: {  	_ =	shalt  }
0x42: {  	_ =	shalt  }
0x43: {  	_ =	shalt  }
0x44: {  	_ =	shalt  }
0x45: {  	_ =	shalt  }
0x46: {  	_ =	shalt  }
0x47: {  	_ =	shalt  }
0x48: {  	_ =	shalt  }
0x49: {  	_ =	shalt  }
0x4a: {  	_ =	shalt  }
0x4b: {  	_ =	shalt  }
0x4c: {  	_ =	shalt  }
0x4d: {  	_ =	shalt  }
0x4e: {  	_ =	shalt  }
0x4f: {  	_ =	shalt  }
0x50: {  	_ =	shalt  }
0x51: {  	_ =	shalt  }
0x52: {  	_ =	shalt  }
0x53: {  	_ =	shalt  }
0x54: {  	_ =	shalt  }
0x55: {  	_ =	shalt  }
0x56: {  	_ =	shalt  }
0x57: {  	_ =	shalt  }
0x58: {  	_ =	shalt  }
0x59: {  	_ =	shalt  }
0x5a: {  	_ =	shalt  }
0x5b: {  	_ =	shalt  }
0x5c: {  	_ =	shalt  }
0x5d: {  	_ =	shalt  }
0x5e: {  	_ =	shalt  }
0x5f: {  	_ =	shalt  }
0x60: {  	_ =	shalt  }
0x61: {  	_ =	shalt  }
0x62: {  	_ =	shalt  }
0x63: {  	_ =	shalt  }
0x64: {  	_ =	shalt  }
0x65: {  	_ =	shalt  }
0x66: {  	_ =	shalt  }
0x67: {  	_ =	shalt  }
0x68: {  	_ =	shalt  }
0x69: {  	_ =	shalt  }
0x6a: {  	_ =	shalt  }
0x6b: {  	_ =	shalt  }
0x6c: {  	_ =	shalt  }
0x6d: {  	_ =	shalt  }
0x6e: {  	_ =	shalt  }
0x6f: {  	_ =	shalt  }
0x70: {  	_ =	shalt  }
0x71: {  	_ =	shalt  }
0x72: {  	_ =	shalt  }
0x73: {  	_ =	shalt  }
0x74: {  	_ =	shalt  }
0x75: {  	_ =	shalt  }
0x76: {  	_ =	shalt  }
0x77: {  	_ =	shalt  }
0x78: {  	_ =	shalt  }
0x79: {  	_ =	shalt  }
0x7a: {  	_ =	shalt  }
0x7b: {  	_ =	shalt  }
0x7c: {  	_ =	shalt  }
0x7d: {  	_ =	shalt  }
0x7e: {  	_ =	shalt  }
0x7f: {  	_ =	shalt  }
0x80: {  	_ =	shalt  }
0x81: {  	_ =	shalt  }
0x82: {  	_ =	shalt  }
0x83: {  	_ =	shalt  }
0x84: {  	_ =	shalt  }
0x85: {  	_ =	shalt  }
0x86: {  	_ =	shalt  }
0x87: {  	_ =	shalt  }
.Lfunc_end0:
.L_simem_size_0:
called_computation_lowered:
.L_overlay_start_0:
0x88: {  	s2 =	sld [smem:$0x3FD9]  }
0x89: {  	s3 =	sld [smem:$0x3FFE];
	_ =	sdelay $0x1  }
0x8a: {  	s1 =	srdreg.scid  }
0x8b: {  	s0 =	sand.u32 $0x1, s1  }
0x8c: {  	s15 =	sshll.u32 s0, $0xA;
	s2 =	sadd.s32 s3, s2  }
0x8d: {  	s2 =	sadd.s32 s2, s15  }
0x8e: {  	[smem:$0x3FC6] =	sst s2  }
0x8f: {  	_ = 	snop  }
0x90: {  	s2 =	sld [smem:$0x3FD0];
	_ =	sdelay $0x1  }
0x91: {  	s16 =	sld [smem:$0x3FC9]  }
0x92: {  	s5 =	simm.s32 $0xA;
	s6 =	simm.s32 $0x10;
	s4 =	sld [smem:$0x3FC8]  }
0x93: {  	[smem:s6], [sflag:s5] =	dma.local [hbm:s2], $0x1  }
0x94: {  	_ =	swait.eq [sflag:s5], $0x1  }
0x95: {  	s17 =	sld [smem:$0x10]  }
0x96: {  	s18 =	sld [smem:$0x11];
	[sflag:s5] =	ssyncset.done $0x0  }
0x97: {  	s7 =	sld [smem:$0x12];
	[sflag:s5] =	ssyncadd.s32 $0xFFFFFFFF  }
0x98: {  	s19 =	sld [smem:$0x13];
	(tm) =	ssettm $0x1  }
0x99: {  	s8 =	sld [smem:$0x3FFB];
	_ =	sdelay $0x3  }
0x9a: {  	_ =	strace s8  }
0x9b: {  	s8 =	sld [smem:$0x3FFC];
	_ =	sdelay $0x3  }
0x9c: {  	_ =	strace s8  }
0x9d: {  	s8 =	sld [smem:$0x3FFD];
	_ =	sdelay $0x3  }
0x9e: {  	_ =	strace s8  }
0x9f: {  	_ =	strace $0x8FFFFFFF  }
0xa0: {  	s20 =	sld [smem:$0x3FDB];
	_ =	sdelay $0x1  }
0xa1: {  	s9 =	simm.s32 $_scs_section_size  }
0xa2: {  	s10 =	simm.s32 $_size__tile_overlayer_lowered;
	s11 =	simm.s32 $_tile_overlayer_lowered  }
0xa3: {  	s23 =	simm.s32 $0x1BFF;
	s22 =	sshll.u32 s11, $0x1;
	s8 =	sadd.s32 s9, s20  }
0xa4: {  	s12 =	simm.s32 $0x0;
	s21 =	sshll.u32 s10, $0x1;
	s10 =	sadd.s32 s22, s8  }
0xa5: {  	[timem:s12], [sflag:s23] =	dma.local [hbm:s10], s21  }
0xa6: {  	_ =	swait.ge [sflag:s23], s21  }
0xa7: {  	s9 =	ssub.s32 $0x0, s21;
	[sflag:s23] =	ssyncset.done $0x0  }
0xa8: {  	[sflag:s23] =	ssyncadd.s32 s9;
	_ =	sdelay $0x1  }
0xa9: {  	s24 =	simm.s32 $0x1B8B  }
0xaa: {  	_ =	swait.ge [sflag:s24], $0x1  }
0xab: {  	[sflag:s24] =	ssyncset.done $0x0  }
0xac: {  	s25 =	simm.s32 $0x1B8E;
	[sflag:s24] =	ssyncadd.s32 $0xFFFFFFFF  }
0xad: {  	s26 =	simm.s32 $execute0_lowered;
	[smem:$0x3FD2] =	sst s25  }
0xae: {  	s9 =	sshll.u32 s26, $0x1;
	_ =	strace $0x80000046;
	[dreg:$0x1] =	wrdreg $0xFFFFFFFF  }
0xaf: {  	s28 =	simm.s32 $_size_execute0_lowered;
	s8 =	sadd.s32 s8, s9;
	[dreg:$0x0] =	wrdreg $0x0  }
0xb0: {  	s9 =	sshll.u32 s28, $0x1;
	[dreg:$0x2] =	wrdreg s8  }
0xb1: {  	[dreg:$0x3] =	wrdreg s9  }
0xb2: {  	[dreg:$0x4] =	wrdreg $0xC0  }
0xb3: {  	_ =	task [dreg:s12], $0x5FFFF  }
0xb4: {  	[dreg:$0x1] =	wrdreg $0xFFFFFFFF  }
0xb5: {  	[dreg:$0x0] =	wrdreg $0x60  }
0xb6: {  	[dreg:$0x2] =	wrdreg s16  }
0xb7: {  	[dreg:$0x3] =	wrdreg s4  }
0xb8: {  	[dreg:$0x4] =	wrdreg s17  }
0xb9: {  	[dreg:$0x5] =	wrdreg s18  }
0xba: {  	[dreg:$0x6] =	wrdreg s7  }
0xbb: {  	[dreg:$0x7] =	wrdreg s19  }
0xbc: {  	[dreg:$0x8] =	wrdreg $0x9  }
0xbd: {  	_ =	task.clear_ibuf [dreg:s12], $0x9FFFF;
	_ =	strace $0x90000046  }
0xbe: {  	s29 =	simm.s32 $0x9;
	_ =	strace $0x80000048  }
0xbf: {  	_ =	swait.ge [sflag:s29], $0x1  }
0xc0: {  	[sflag:s29] =	ssyncadd.s32 $0xFFFFFFFF  }
0xc1: {  	_ =	strace $0x90000048  }
0xc2: {  	_ =	sfence  }
0xc3: {  	s30 =	sld [smem:$0x0];
	_ =	sdelay $0x2  }
0xc4: {  	s31 =	sshll.u32 s1, $0xD;
	s1 =	sshrl.u32 s1, $0x2  }
0xc5: {  	s3 =	sand.u32 $0x4000, s31;
	s1 =	sadd.s32 s1, s30  }
0xc6: {  	s0 =	sor.u32 s3, s0;
	s1 =	sshll.u32 s1, $0x11  }
0xc7: {  	s0 =	sor.u32 s1, s0  }
0xc8: {  	s0 =	sadd.s32 $0x8F2B, s0  }
0xc9: {  	[sflag:s0] =	ssyncadd.remote.s32 $0x1  }
0xca: {  	_ =	sfence.sel $0xFFFF  }
0xcb: {  	[dreg:$0x0] =	wrdreg $0xFFFFFFFF;
	(pc) =	sbr.abs _section_cstart, $3  }
0xcc: {  	[dreg:$0x1] =	wrdreg $0xFFFFFFFF  }
0xcd: {  	_ =	task.clear_ibuf [dreg:s12], $0x2FFFF;
	_ =	strace $0x9FFFFFFF  }
0xce: {  	(tm) =	ssettm $0x7FFFFFFF  }
0xcf: {  	_ =	shalt  }
tec
execute0_lowered:
.L_overlay_start_1:
0x0: {  	(tag) =	ssettag $0x1  }
0x1: {  	s4 =	rddreg [dreg:$0x0]  }
0x2: {  	v0 =	vlaneseq.u32;
	s0 =	rddreg [dreg:$0x1]  }
0x3: {  	s2 =	rddreg [dreg:$0x2];
	v0 =	vmul.u32 $0x80, v0  }
0x4: {  	s1 =	rddreg [dreg:$0x3];
	s3 =	srdreg.scid  }
0x5: {  	s10 =	rddreg [dreg:$0x4];
	s9 =	sand.u32 $0x1, s3;
	s3 =	simm.s32 $0x0;
	v1 =	vor.u32 $0x40, v0  }
0x6: {  	[smem:$0x7FF] =	sst s3;
	v22 =	vor.u32 $0x41, v0;
	[tilespmem:$0x1FC10] =	vst v1  }
0x7: {  	s13 =	rddreg [dreg:$0x5];
	v3 =	vor.u32 $0x840, v0;
	_ =	strace $0x80000047;
	[tilespmem:$0x1FC20] =	vst v22  }
0x8: {  	v5 =	vor.u32 $0x842, v0;
	[tilespmem:$0x1FC30] =	vst v3  }
0x9: {  	v7 =	vor.u32 $0x1041, v0;
	[tilespmem:$0x1FC40] =	vst v5  }
0xa: {  	v9 =	vor.u32 $0x1840, v0;
	[tilespmem:$0x1FC50] =	vst v7  }
0xb: {  	v11 =	vor.u32 $0x1842, v0;
	[tilespmem:$0x1FC60] =	vst v9  }
0xc: {  	v13 =	vor.u32 $0x2041, v0;
	[tilespmem:$0x1FC70] =	vst v11  }
0xd: {  	v15 =	vor.u32 $0x2840, v0;
	[tilespmem:$0x1FC80] =	vst v13  }
0xe: {  	v14 =	vor.u32 $0x2842, v0;
	[tilespmem:$0x1FC90] =	vst v15  }
0xf: {  	v33 =	vor.u32 $0x3041, v0;
	[tilespmem:$0x1FCA0] =	vst v14  }
0x10: {  	v35 =	vor.u32 $0x3840, v0;
	[tilespmem:$0x1FCB0] =	vst v33  }
0x11: {  	v37 =	vor.u32 $0x3842, v0;
	[tilespmem:$0x1FCC0] =	vst v35  }
0x12: {  	v39 =	vor.u32 $0x4041, v0;
	[tilespmem:$0x1FCD0] =	vst v37  }
0x13: {  	v41 =	vor.u32 $0x4840, v0;
	[tilespmem:$0x1FCE0] =	vst v39  }
0x14: {  	v43 =	vor.u32 $0x4842, v0;
	[tilespmem:$0x1FCF0] =	vst v41  }
0x15: {  	v2 =	vor.u32 $0x8041, v0;
	[tilespmem:$0x1FD00] =	vst v43  }
0x16: {  	v4 =	vor.u32 $0x8840, v0;
	[tilespmem:$0x1FD10] =	vst v2  }
0x17: {  	v6 =	vor.u32 $0x8842, v0;
	[tilespmem:$0x1FD20] =	vst v4  }
0x18: {  	v18 =	vor.u32 $0x9041, v0;
	[tilespmem:$0x1FD30] =	vst v6  }
0x19: {  	v45 =	vor.u32 $0x9840, v0;
	[tilespmem:$0x1FD40] =	vst v18  }
0x1a: {  	v20 =	vor.u32 $0x9842, v0;
	[tilespmem:$0x1FD50] =	vst v45  }
0x1b: {  	v16 =	vor.u32 $0xA041, v0;
	[tilespmem:$0x1FD60] =	vst v20  }
0x1c: {  	v47 =	vor.u32 $0x5041, v0;
	[tilespmem:$0x1FD70] =	vst v16  }
0x1d: {  	v49 =	vor.u32 $0x5840, v0;
	[tilespmem:$0x1FD80] =	vst v47  }
0x1e: {  	v8 =	vor.u32 $0x42, v0;
	[tilespmem:$0x1FD90] =	vst v49  }
0x1f: {  	v51 =	vor.u32 $0x5842, v0;
	[tilespmem:$0x1FDA0] =	vst v8  }
0x20: {  	v53 =	vor.u32 $0x6041, v0;
	[tilespmem:$0x1FDB0] =	vst v51  }
0x21: {  	v12 =	vor.u32 $0x841, v0;
	[tilespmem:$0x1FDC0] =	vst v53  }
0x22: {  	v55 =	vor.u32 $0x6840, v0;
	[tilespmem:$0x1FDD0] =	vst v12  }
0x23: {  	v57 =	vor.u32 $0x6842, v0;
	[tilespmem:$0x1FDE0] =	vst v55  }
0x24: {  	v1 =	vor.u32 $0x1040, v0;
	[tilespmem:$0x1FDF0] =	vst v57  }
0x25: {  	v59 =	vor.u32 $0x7041, v0;
	[tilespmem:$0x1FE00] =	vst v1  }
0x26: {  	v61 =	vor.u32 $0x7840, v0;
	[tilespmem:$0x1FE10] =	vst v59  }
0x27: {  	v24 =	vor.u32 $0x1042, v0;
	[tilespmem:$0x1FE20] =	vst v61  }
0x28: {  	v63 =	vor.u32 $0x7842, v0;
	[tilespmem:$0x1FE30] =	vst v24  }
0x29: {  	v17 =	vor.u32 $0x8040, v0;
	[tilespmem:$0x1FE40] =	vst v63  }
0x2a: {  	v26 =	vor.u32 $0x1841, v0;
	[tilespmem:$0x1FE50] =	vst v17  }
0x2b: {  	v19 =	vor.u32 $0x8042, v0;
	[tilespmem:$0x1FE60] =	vst v26  }
0x2c: {  	v28 =	vor.u32 $0x2040, v0;
	[tilespmem:$0x1FE70] =	vst v19  }
0x2d: {  	v21 =	vor.u32 $0x8841, v0;
	[tilespmem:$0x1FE80] =	vst v28  }
0x2e: {  	v48 =	vor.u32 $0x5042, v0;
	[tilespmem:$0x1FE90] =	vst v21  }
0x2f: {  	v50 =	vor.u32 $0x5841, v0;
	[tilespmem:$0x1FEA0] =	vst v48  }
0x30: {  	v52 =	vor.u32 $0x6040, v0;
	[tilespmem:$0x1FEB0] =	vst v50  }
0x31: {  	v54 =	vor.u32 $0x6042, v0;
	[tilespmem:$0x1FEC0] =	vst v52  }
0x32: {  	v56 =	vor.u32 $0x6841, v0;
	[tilespmem:$0x1FED0] =	vst v54  }
0x33: {  	v58 =	vor.u32 $0x7040, v0;
	[tilespmem:$0x1FEE0] =	vst v56  }
0x34: {  	s15 =	stileid.u32;
	s17 =	simm.s32 $0x190;
	v60 =	vor.u32 $0x7042, v0;
	[tilespmem:$0x1FEF0] =	vst v58  }
0x35: {  	s18 =	simm.s32 $0x2780;
	s19 =	simm.s32 $0xEF80;
	s20 =	simm.s32 $0x1;
	v62 =	vor.u32 $0x7841, v0;
	[tilespmem:$0x1FF00] =	vst v60  }
0x36: {  	s21 =	simm.s32 $0x1B780;
	s22 =	simm.s32 $0x1B980;
	s12 =	smul.u32 $0x4E20, s15;
	v30 =	vor.u32 $0x2042, v0;
	[tilespmem:$0x1FF10] =	vst v62  }
0x37: {  	s28 =	simm.s32 $0x1BF80;
	s5 =	sshll.u32 s15, $0x1;
	s15 =	smul.u32 $0x4E200, s15;
	v23 =	vor.u32 $0x9040, v0;
	[tilespmem:$0x1FF20] =	vst v30  }
0x38: {  	s5 =	sor.u32 s9, s5;
	s6 =	ssub.s32 $0x2, s9;
	s14 =	smul.u32 $0x2710, s9;
	v32 =	vor.u32 $0x2841, v0;
	[tilespmem:$0x1FF30] =	vst v23  }
0x39: {  	s29 =	simm.s32 $0x1C180;
	s5 =	smul.u32 $0x2710, s5;
	s7 =	sshrl.u32 s6, $0x1;
	v34 =	vor.u32 $0x3040, v0;
	[tilespmem:$0x1FF40] =	vst v32  }
0x3a: {  	s30 =	simm.s32 $0x0;
	s16 =	smul.u32 $0x27100, s9;
	v25 =	vor.u32 $0x9042, v0;
	s11 =	ssub.s32 s6, s7;
	[tilespmem:$0x1FF50] =	vst v34  }
0x3b: {  	v36 =	vor.u32 $0x3042, v0;
	s12 =	sadd.s32 s14, s12;
	s23 =	sshrl.u32 s5, $0x3;
	s24 =	sadd.s32 $0x2580, s5;
	[tilespmem:$0x1FF60] =	vst v25  }
0x3c: {  	v38 =	vor.u32 $0x3841, v0;
	s9 =	smax.u32 s11, $0x1;
	s14 =	sshrl.u32 s12, $0x3;
	s12 =	sadd.s32 $0x190, s12;
	[tilespmem:$0x1FF70] =	vst v36  }
0x3d: {  	v27 =	vor.u32 $0x9841, v0;
	[tilespmem:$0x1FF80] =	vst v38;
	s4 =	sadd.s32 s4, s23;
	s5 =	sshll.u32 s24, $0x4;
	s8 =	sshrl.u32 s24, $0x3  }
0x3e: {  	v40 =	vor.u32 $0x4040, v0;
	[tilespmem:$0x1FF90] =	vst v27;
	s26 =	sadd.s32 s14, s13;
	s11 =	sadd.s32 s14, s10;
	s31 =	sshrl.u32 s12, $0x3  }
0x3f: {  	v42 =	vor.u32 $0x4042, v0;
	[tilespmem:$0x1FFA0] =	vst v40;
	s12 =	sadd.s32 s14, s1;
	s23 =	simm.s32 $0x1BB80;
	s24 =	simm.s32 $0x3  }
0x40: {  	v29 =	vor.u32 $0xA040, v0;
	[tilespmem:$0x1FFB0] =	vst v42;
	[dreg:$0x8] =	wrdreg s4;
	s25 =	sadd.s32 s2, s5;
	s6 =	sadd.s32 s1, s8  }
0x41: {  	v44 =	vor.u32 $0x4841, v0;
	[tilespmem:$0x1FFC0] =	vst v29;
	s7 =	sadd.s32 s10, s8;
	s8 =	sadd.s32 s13, s8;
	s2 =	sadd.s32 s15, s2  }
0x42: {  	v46 =	vor.u32 $0x5040, v0;
	[tilespmem:$0x1FFD0] =	vst v44;
	[dreg:$0x7] =	wrdreg s26;
	s13 =	sadd.s32 s31, s13;
	s14 =	sadd.s32 s31, s10  }
0x43: {  	v31 =	vor.u32 $0xA042, v0;
	[tilespmem:$0x1FFE0] =	vst v46;
	s15 =	sadd.s32 s31, s1;
	s26 =	simm.s32 $0x1BD80;
	[dreg:$0x9] =	wrdreg s25  }
0x44: {  	[tilespmem:$0x1FFF0] =	vst v31;
	s2 =	sadd.s32 s16, s2;
	s16 =	simm.s32 $0x4;
	s25 =	simm.s32 $0x2  }
.LBB2_1:
0x45: {  	s1 =	rddreg [dreg:$0x8]  }
0x46: {  	[tilespmem:s3], [sflag:$0x4] =	stream.linear.gather [hbm4b:s1+s3], $0x2710, $0x38;
	[tilespmem:$0x1C380] =	vst v63  }
0x47: {  	_ =	swait.ge [sflag:s16], $0x2710  }
0x48: {  	s31 =	simm.s32 $0x320;
	[sflag:s16] =	ssyncset.done $0x0  }
0x49: {  	s10 =	smov.u32 s2;
	s1 =	simm.s32 $0x0;
	[sflag:s16] =	ssyncadd.s32 $0xFFFFD8F0  }
0x4a: {  	[tilespmem:s18], [sflag:$0x1] =	stream.indirect.gather [hbm4b:s0+s17], $0x80, s3, s17, $0xb8;
	[tilespmem:$0x1C380] =	vst v63  }
.LBB2_2:
0x4b: {  	s4 =	sadd.s32 $0xFFFFFE70, s31  }
0x4c: {  	[tilespmem:s19], [sflag:$0x2] =	stream.indirect.gather [hbm4b:s0+s17], $0x80, s4, s17, $0xb8;
	[tilespmem:$0x1C380] =	vst v63  }
0x4d: {  	_ =	swait.ge [sflag:s20], $0xC800  }
0x4e: {  	v1 =	vld [tilespmem:$0x1FC10]  }
0x4f: {  	v16 =	vld [tilespmem:$0x1FC20]  }
0x50: {  	v24 =	vld [tilespmem:$0x1FDA0];
	_ =	sdelay $0x2  }
0x51: {  	v33 =	vld [tilespmem:$0x1FC30]  }
0x52: {  	[sflag:s20] =	ssyncset.done $0x0;
	v27 =	vld [tilespmem:$0x1FDD0]  }
0x53: {  	v35 =	vld [tilespmem:$0x1FC40];
	[sflag:s20] =	ssyncadd.s32 $0xFFFF3800  }
0x54: {  	v1 =	vld.idx.msk [tilespmem:v1+s18+$0x0], $0xffff  }
0x55: {  	v2 =	vld.idx.msk [tilespmem:v16+s18+$0x0], $0xffff  }
0x56: {  	v3 =	vld.idx.msk [tilespmem:v24+s18+$0x0], $0xffff;
	_ =	sdelay $0x2  }
0x57: {  	v30 =	vld [tilespmem:$0x1FE00];
	[tilespmem:$0x1B780] =	vst v1  }
0x58: {  	v37 =	vld [tilespmem:$0x1FC50];
	[tilespmem:$0x1B980] =	vst v2  }
0x59: {  	v34 =	vld [tilespmem:$0x1FE30];
	[tilespmem:$0x1BB80] =	vst v3  }
0x5a: {  	v1 =	vld.idx.msk [tilespmem:v33+s18+$0x0], $0xffff  }
0x5b: {  	v2 =	vld.idx.msk [tilespmem:v27+s18+$0x0], $0xffff  }
0x5c: {  	v3 =	vld.idx.msk [tilespmem:v35+s18+$0x0], $0xffff;
	_ =	sdelay $0x2  }
0x5d: {  	[tilespmem:$0x1B790] =	vst v1  }
0x5e: {  	[tilespmem:$0x1B990] =	vst v2  }
0x5f: {  	v41 =	vld [tilespmem:$0x1FC70];
	[tilespmem:$0x1BB90] =	vst v3  }
0x60: {  	v1 =	vld.idx.msk [tilespmem:v30+s18+$0x0], $0xffff  }
0x61: {  	v2 =	vld.idx.msk [tilespmem:v37+s18+$0x0], $0xffff  }
0x62: {  	v3 =	vld.idx.msk [tilespmem:v34+s18+$0x0], $0xffff  }
0x63: {  	v39 =	vld [tilespmem:$0x1FC60]  }
0x64: {  	v40 =	vld [tilespmem:$0x1FE60]  }
0x65: {  	[tilespmem:$0x1B7A0] =	vst v1  }
0x66: {  	[tilespmem:$0x1B9A0] =	vst v2  }
0x67: {  	[tilespmem:$0x1BBA0] =	vst v3  }
0x68: {  	v3 =	vld.idx.msk [tilespmem:v41+s18+$0x0], $0xffff  }
0x69: {  	v44 =	vld [tilespmem:$0x1FE80]  }
0x6a: {  	v43 =	vld [tilespmem:$0x1FC80]  }
0x6b: {  	v1 =	vld.idx.msk [tilespmem:v39+s18+$0x0], $0xffff  }
0x6c: {  	v2 =	vld.idx.msk [tilespmem:v40+s18+$0x0], $0xffff  }
0x6d: {  	[tilespmem:$0x1BBB0] =	vst v3;
	v3 =	vld [tilespmem:$0x1FF20];
	_ =	sdelay $0x2  }
0x6e: {  	[tilespmem:$0x1B7B0] =	vst v1  }
0x6f: {  	v45 =	vld [tilespmem:$0x1FC90];
	[tilespmem:$0x1B9B0] =	vst v2  }
0x70: {  	v2 =	vld.idx.msk [tilespmem:v43+s18+$0x0], $0xffff  }
0x71: {  	v47 =	vld [tilespmem:$0x1FCA0]  }
0x72: {  	v1 =	vld.idx.msk [tilespmem:v44+s18+$0x0], $0xffff  }
0x73: {  	v3 =	vld.idx.msk [tilespmem:v3+s18+$0x0], $0xffff;
	_ =	sdelay $0x1  }
0x74: {  	[tilespmem:$0x1B9C0] =	vst v2;
	v2 =	vld [tilespmem:$0x1FF40];
	_ =	sdelay $0x1  }
0x75: {  	[tilespmem:$0x1B7C0] =	vst v1  }
0x76: {  	[tilespmem:$0x1BBC0] =	vst v3  }
0x77: {  	v1 =	vld.idx.msk [tilespmem:v45+s18+$0x0], $0xffff  }
0x78: {  	v3 =	vld.idx.msk [tilespmem:v47+s18+$0x0], $0xffff;
	_ =	sdelay $0x1  }
0x79: {  	v49 =	vld [tilespmem:$0x1FCB0]  }
0x7a: {  	v2 =	vld.idx.msk [tilespmem:v2+s18+$0x0], $0xffff  }
0x7b: {  	[tilespmem:$0x1B7D0] =	vst v1;
	v1 =	vld [tilespmem:$0x1FF50]  }
0x7c: {  	[tilespmem:$0x1BBD0] =	vst v3;
	v3 =	vld [tilespmem:$0x1FF70];
	_ =	sdelay $0x3  }
0x7d: {  	v51 =	vld [tilespmem:$0x1FCC0];
	[tilespmem:$0x1B9D0] =	vst v2  }
0x7e: {  	v2 =	vld.idx.msk [tilespmem:v49+s18+$0x0], $0xffff  }
0x7f: {  	v53 =	vld [tilespmem:$0x1FCD0]  }
0x80: {  	v1 =	vld.idx.msk [tilespmem:v1+s18+$0x0], $0xffff  }
0x81: {  	v3 =	vld.idx.msk [tilespmem:v3+s18+$0x0], $0xffff;
	_ =	sdelay $0x1  }
0x82: {  	[tilespmem:$0x1B9E0] =	vst v2;
	v2 =	vld [tilespmem:$0x1FF80];
	_ =	sdelay $0x1  }
0x83: {  	[tilespmem:$0x1B7E0] =	vst v1  }
0x84: {  	[tilespmem:$0x1BBE0] =	vst v3  }
0x85: {  	v1 =	vld.idx.msk [tilespmem:v51+s18+$0x0], $0xffff  }
0x86: {  	v3 =	vld.idx.msk [tilespmem:v53+s18+$0x0], $0xffff;
	_ =	sdelay $0x1  }
0x87: {  	v55 =	vld [tilespmem:$0x1FCE0]  }
0x88: {  	v2 =	vld.idx.msk [tilespmem:v2+s18+$0x0], $0xffff  }
0x89: {  	[tilespmem:$0x1B7F0] =	vst v1;
	v1 =	vld [tilespmem:$0x1FFA0]  }
0x8a: {  	[tilespmem:$0x1BBF0] =	vst v3;
	v3 =	vld [tilespmem:$0x1FFB0];
	_ =	sdelay $0x3  }
0x8b: {  	[tilespmem:$0x1B9F0] =	vst v2  }
0x8c: {  	v2 =	vld.idx.msk [tilespmem:v55+s18+$0x0], $0xffff  }
0x8d: {  	v57 =	vld [tilespmem:$0x1FCF0]  }
0x8e: {  	v1 =	vld.idx.msk [tilespmem:v1+s18+$0x0], $0xffff  }
0x8f: {  	v3 =	vld.idx.msk [tilespmem:v3+s18+$0x0], $0xffff  }
0x90: {  	v59 =	vld [tilespmem:$0x1FD00]  }
0x91: {  	[tilespmem:$0x1BA00] =	vst v2;
	v2 =	vld [tilespmem:$0x1FFD0];
	_ =	sdelay $0x1  }
0x92: {  	[tilespmem:$0x1B800] =	vst v1  }
0x93: {  	[tilespmem:$0x1BC00] =	vst v3  }
0x94: {  	v1 =	vld.idx.msk [tilespmem:v57+s18+$0x0], $0xffff  }
0x95: {  	v22 =	vld [tilespmem:$0x1FD80]  }
0x96: {  	v48 =	vld [tilespmem:$0x1FEA0]  }
0x97: {  	v3 =	vld.idx.msk [tilespmem:v59+s18+$0x0], $0xffff  }
0x98: {  	v2 =	vld.idx.msk [tilespmem:v2+s18+$0x0], $0xffff  }
0x99: {  	[tilespmem:$0x1B810] =	vst v1;
	v1 =	vld [tilespmem:$0x1FFE0];
	_ =	sdelay $0x2  }
0x9a: {  	v23 =	vld [tilespmem:$0x1FD90]  }
0x9b: {  	v50 =	vld [tilespmem:$0x1FEB0];
	[tilespmem:$0x1BC10] =	vst v3  }
0x9c: {  	v25 =	vld [tilespmem:$0x1FDB0];
	[tilespmem:$0x1BA10] =	vst v2  }
0x9d: {  	v2 =	vld.idx.msk [tilespmem:v22+s18+$0x0], $0xffff  }
0x9e: {  	v3 =	vld.idx.msk [tilespmem:v48+s18+$0x0], $0xffff  }
0x9f: {  	v1 =	vld.idx.msk [tilespmem:v1+s18+$0x0], $0xffff;
	_ =	sdelay $0x2  }
0xa0: {  	v52 =	vld [tilespmem:$0x1FEC0];
	[tilespmem:$0x1BA20] =	vst v2  }
0xa1: {  	v26 =	vld [tilespmem:$0x1FDC0];
	[tilespmem:$0x1BC20] =	vst v3  }
0xa2: {  	v54 =	vld [tilespmem:$0x1FED0];
	[tilespmem:$0x1B820] =	vst v1  }
0xa3: {  	v1 =	vld.idx.msk [tilespmem:v23+s18+$0x0], $0xffff  }
0xa4: {  	v2 =	vld.idx.msk [tilespmem:v50+s18+$0x0], $0xffff  }
0xa5: {  	v3 =	vld.idx.msk [tilespmem:v25+s18+$0x0], $0xffff;
	_ =	sdelay $0x2  }
0xa6: {  	v28 =	vld [tilespmem:$0x1FDE0];
	[tilespmem:$0x1B830] =	vst v1  }
0xa7: {  	v56 =	vld [tilespmem:$0x1FEE0];
	[tilespmem:$0x1BA30] =	vst v2  }
0xa8: {  	v29 =	vld [tilespmem:$0x1FDF0];
	[tilespmem:$0x1BC30] =	vst v3  }
0xa9: {  	v1 =	vld.idx.msk [tilespmem:v52+s18+$0x0], $0xffff  }
0xaa: {  	v2 =	vld.idx.msk [tilespmem:v26+s18+$0x0], $0xffff  }
0xab: {  	v3 =	vld.idx.msk [tilespmem:v54+s18+$0x0], $0xffff;
	_ =	sdelay $0x2  }
0xac: {  	v58 =	vld [tilespmem:$0x1FEF0];
	[tilespmem:$0x1B840] =	vst v1  }
0xad: {  	v31 =	vld [tilespmem:$0x1FE10];
	[tilespmem:$0x1BA40] =	vst v2  }
0xae: {  	v60 =	vld [tilespmem:$0x1FF00];
	[tilespmem:$0x1BC40] =	vst v3  }
0xaf: {  	v1 =	vld.idx.msk [tilespmem:v28+s18+$0x0], $0xffff  }
0xb0: {  	v2 =	vld.idx.msk [tilespmem:v56+s18+$0x0], $0xffff  }
0xb1: {  	v3 =	vld.idx.msk [tilespmem:v29+s18+$0x0], $0xffff;
	_ =	sdelay $0x2  }
0xb2: {  	v32 =	vld [tilespmem:$0x1FE20];
	[tilespmem:$0x1B850] =	vst v1  }
0xb3: {  	v62 =	vld [tilespmem:$0x1FF10];
	[tilespmem:$0x1BA50] =	vst v2  }
0xb4: {  	v36 =	vld [tilespmem:$0x1FE40];
	[tilespmem:$0x1BC50] =	vst v3  }
0xb5: {  	v1 =	vld.idx.msk [tilespmem:v58+s18+$0x0], $0xffff  }
0xb6: {  	v2 =	vld.idx.msk [tilespmem:v31+s18+$0x0], $0xffff  }
0xb7: {  	v3 =	vld.idx.msk [tilespmem:v60+s18+$0x0], $0xffff;
	_ =	sdelay $0x2  }
0xb8: {  	v38 =	vld [tilespmem:$0x1FE50];
	[tilespmem:$0x1B860] =	vst v1  }
0xb9: {  	v61 =	vld [tilespmem:$0x1FD10];
	[tilespmem:$0x1BA60] =	vst v2  }
0xba: {  	v42 =	vld [tilespmem:$0x1FE70];
	[tilespmem:$0x1BC60] =	vst v3  }
0xbb: {  	v1 =	vld.idx.msk [tilespmem:v32+s18+$0x0], $0xffff  }
0xbc: {  	v2 =	vld.idx.msk [tilespmem:v62+s18+$0x0], $0xffff  }
0xbd: {  	v3 =	vld.idx.msk [tilespmem:v36+s18+$0x0], $0xffff;
	_ =	sdelay $0x2  }
0xbe: {  	[tilespmem:$0x1B870] =	vst v1  }
0xbf: {  	v63 =	vld [tilespmem:$0x1FD20];
	[tilespmem:$0x1BA70] =	vst v2  }
0xc0: {  	v17 =	vld [tilespmem:$0x1FD30];
	[tilespmem:$0x1BC70] =	vst v3  }
0xc1: {  	v1 =	vld.idx.msk [tilespmem:v38+s18+$0x0], $0xffff  }
0xc2: {  	v2 =	vld.idx.msk [tilespmem:v61+s18+$0x0], $0xffff  }
0xc3: {  	v3 =	vld.idx.msk [tilespmem:v42+s18+$0x0], $0xffff;
	_ =	sdelay $0x1  }
0xc4: {  	v46 =	vld [tilespmem:$0x1FE90]  }
0xc5: {  	[tilespmem:$0x1B880] =	vst v1  }
0xc6: {  	[tilespmem:$0x1BA80] =	vst v2  }
0xc7: {  	[tilespmem:$0x1BC80] =	vst v3  }
0xc8: {  	v1 =	vld.idx.msk [tilespmem:v63+s18+$0x0], $0xffff  }
0xc9: {  	v3 =	vld.idx.msk [tilespmem:v17+s18+$0x0], $0xffff;
	_ =	sdelay $0x1  }
0xca: {  	v18 =	vld [tilespmem:$0x1FD40]  }
0xcb: {  	v2 =	vld.idx.msk [tilespmem:v46+s18+$0x0], $0xffff  }
0xcc: {  	[tilespmem:$0x1B890] =	vst v1;
	v1 =	vld [tilespmem:$0x1FF30]  }
0xcd: {  	[tilespmem:$0x1BC90] =	vst v3;
	v3 =	vld [tilespmem:$0x1FF60];
	_ =	sdelay $0x3  }
0xce: {  	[tilespmem:$0x1BA90] =	vst v2  }
0xcf: {  	v2 =	vld.idx.msk [tilespmem:v18+s18+$0x0], $0xffff  }
0xd0: {  	v19 =	vld [tilespmem:$0x1FD50]  }
0xd1: {  	v1 =	vld.idx.msk [tilespmem:v1+s18+$0x0], $0xffff  }
0xd2: {  	v3 =	vld.idx.msk [tilespmem:v3+s18+$0x0], $0xffff  }
0xd3: {  	v20 =	vld [tilespmem:$0x1FD60]  }
0xd4: {  	[tilespmem:$0x1BAA0] =	vst v2;
	v2 =	vld [tilespmem:$0x1FF90];
	_ =	sdelay $0x1  }
0xd5: {  	[tilespmem:$0x1B8A0] =	vst v1  }
0xd6: {  	[tilespmem:$0x1BCA0] =	vst v3  }
0xd7: {  	v1 =	vld.idx.msk [tilespmem:v19+s18+$0x0], $0xffff;
	_ =	sdelay $0x2  }
0xd8: {  	v3 =	vld.idx.msk [tilespmem:v20+s18+$0x0], $0xffff  }
0xd9: {  	v2 =	vld.idx.msk [tilespmem:v2+s18+$0x0], $0xffff  }
0xda: {  	[tilespmem:$0x1B8B0] =	vst v1;
	v1 =	vld [tilespmem:$0x1FFC0];
	_ =	sdelay $0x5  }
0xdb: {  	[tilespmem:$0x1BCB0] =	vst v3  }
0xdc: {  	v21 =	vld [tilespmem:$0x1FD70];
	[tilespmem:$0x1BAB0] =	vst v2  }
0xdd: {  	v3 =	vld.idx.msk [tilespmem:v1+s18+$0x0], $0xffff  }
0xde: {  	v1 =	vld [tilespmem:$0x1FFF0];
	_ =	sdelay $0x6  }
0xdf: {  	v4 =	vld.idx.msk [tilespmem:v21+s18+$0x0], $0xffff  }
0xe0: {  	v5 =	vld.idx.msk [tilespmem:v1+s18+$0x0], $0xffff  }
0xe1: {  	v1 =	vor.u32 $0xA840, v0  }
0xe2: {  	v2 =	vor.u32 $0xA841, v0  }
0xe3: {  	[tilespmem:$0x1B8C0] =	vst v3;
	v3 =	vor.u32 $0xA842, v0  }
0xe4: {  	[tilespmem:$0x1BAC0] =	vst v4  }
0xe5: {  	[tilespmem:$0x1BCC0] =	vst v5  }
0xe6: {  	v6 =	vld.idx.msk [tilespmem:v1+s18+$0x0], $0xffff  }
0xe7: {  	v7 =	vld.idx.msk [tilespmem:v2+s18+$0x0], $0xffff  }
0xe8: {  	v8 =	vld.idx.msk [tilespmem:v3+s18+$0x0], $0xffff  }
0xe9: {  	v4 =	vor.u32 $0xB040, v0  }
0xea: {  	v5 =	vor.u32 $0xB041, v0  }
0xeb: {  	[tilespmem:$0x1B8D0] =	vst v6;
	v6 =	vor.u32 $0xB042, v0  }
0xec: {  	[tilespmem:$0x1BAD0] =	vst v7  }
0xed: {  	[tilespmem:$0x1BCD0] =	vst v8  }
0xee: {  	v9 =	vld.idx.msk [tilespmem:v4+s18+$0x0], $0xffff  }
0xef: {  	v10 =	vld.idx.msk [tilespmem:v5+s18+$0x0], $0xffff  }
0xf0: {  	v11 =	vld.idx.msk [tilespmem:v6+s18+$0x0], $0xffff  }
0xf1: {  	v7 =	vor.u32 $0xB840, v0  }
0xf2: {  	v8 =	vor.u32 $0xB841, v0  }
0xf3: {  	[tilespmem:$0x1B8E0] =	vst v9;
	v9 =	vor.u32 $0xB842, v0  }
0xf4: {  	[tilespmem:$0x1BAE0] =	vst v10  }
0xf5: {  	[tilespmem:$0x1BCE0] =	vst v11  }
0xf6: {  	v12 =	vld.idx.msk [tilespmem:v7+s18+$0x0], $0xffff  }
0xf7: {  	v13 =	vld.idx.msk [tilespmem:v8+s18+$0x0], $0xffff  }
0xf8: {  	v14 =	vld.idx.msk [tilespmem:v9+s18+$0x0], $0xffff  }
0xf9: {  	v10 =	vor.u32 $0xC040, v0  }
0xfa: {  	v11 =	vor.u32 $0xC041, v0  }
0xfb: {  	[tilespmem:$0x1B8F0] =	vst v12;
	v12 =	vor.u32 $0xC042, v0  }
0xfc: {  	[tilespmem:$0x1BAF0] =	vst v13  }
0xfd: {  	[tilespmem:$0x1BCF0] =	vst v14  }
0xfe: {  	v13 =	vld.idx.msk [tilespmem:v10+s18+$0x0], $0xffff  }
0xff: {  	v14 =	vld.idx.msk [tilespmem:v11+s18+$0x0], $0xffff  }
0x100: {  	v15 =	vld.idx.msk [tilespmem:v12+s18+$0x0], $0xffff;
	_ =	sdelay $0x2  }
0x101: {  	[tilespmem:$0x1B900] =	vst v13  }
0x102: {  	[tilespmem:$0x1BB00] =	vst v14  }
0x103: {  	[tilespmem:$0x1BD00] =	vst v15  }
0x104: {  	[hbm4b:s10+s3] =	stream.linear.scatter [tilespmem:s18], [sflag:$0x3], $0xC800, $0x38;
	[tilespmem:$0x1C380] =	vst v63  }
0x105: {  	s5 =	sadd.s32 s1, s12  }
0x106: {  	[hbm4b:s5+s3] =	stream.linear.scatter [tilespmem:s21], [sflag:$0x3], $0x190, $0x38;
	[tilespmem:$0x1C380] =	vst v63  }
0x107: {  	s4 =	rddreg [dreg:$0x7];
	s5 =	sadd.s32 s1, s11  }
0x108: {  	[hbm4b:s5+s3] =	stream.linear.scatter [tilespmem:s22], [sflag:$0x3], $0x190, $0x38;
	[tilespmem:$0x1C380] =	vst v63  }
0x109: {  	s4 =	sadd.s32 s1, s4  }
0x10a: {  	[hbm4b:s4+s3] =	stream.linear.scatter [tilespmem:s23], [sflag:$0x3], $0x190, $0x38;
	[tilespmem:$0x1C380] =	vst v63  }
0x10b: {  	_ =	swait.ge [sflag:s24], $0xC800  }
0x10c: {  	[sflag:s24] =	ssyncset.done $0x0  }
0x10d: {  	[sflag:s24] =	ssyncadd.s32 $0xFFFF3800  }
0x10e: {  	_ =	swait.ge [sflag:s24], $0x190  }
0x10f: {  	[sflag:s24] =	ssyncset.done $0x0  }
0x110: {  	[sflag:s24] =	ssyncadd.s32 $0xFFFFFE70  }
0x111: {  	_ =	swait.ge [sflag:s24], $0x190  }
0x112: {  	[sflag:s24] =	ssyncset.done $0x0  }
0x113: {  	[sflag:s24] =	ssyncadd.s32 $0xFFFFFE70  }
0x114: {  	_ =	swait.ge [sflag:s24], $0x190  }
0x115: {  	[sflag:s24] =	ssyncset.done $0x0  }
0x116: {  	[sflag:s24] =	ssyncadd.s32 $0xFFFFFE70  }
0x117: {  	[tilespmem:s18], [sflag:$0x1] =	stream.indirect.gather [hbm4b:s0+s17], $0x80, s31, s17, $0xb8;
	[tilespmem:$0x1C380] =	vst v63  }
0x118: {  	_ =	swait.ge [sflag:s25], $0xC800  }
0x119: {  	v13 =	vld [tilespmem:$0x1FC10];
	_ =	sdelay $0x3  }
0x11a: {  	[sflag:s25] =	ssyncset.done $0x0  }
0x11b: {  	[sflag:s25] =	ssyncadd.s32 $0xFFFF3800  }
0x11c: {  	v14 =	vld.idx.msk [tilespmem:v16+s19+$0x0], $0xffff  }
0x11d: {  	v15 =	vld.idx.msk [tilespmem:v24+s19+$0x0], $0xffff  }
0x11e: {  	v13 =	vld.idx.msk [tilespmem:v13+s19+$0x0], $0xffff;
	_ =	sdelay $0x2  }
0x11f: {  	[tilespmem:$0x1BF80] =	vst v14  }
0x120: {  	[tilespmem:$0x1C180] =	vst v15  }
0x121: {  	[tilespmem:$0x1BD80] =	vst v13  }
0x122: {  	v13 =	vld.idx.msk [tilespmem:v33+s19+$0x0], $0xffff  }
0x123: {  	v14 =	vld.idx.msk [tilespmem:v27+s19+$0x0], $0xffff  }
0x124: {  	v15 =	vld.idx.msk [tilespmem:v35+s19+$0x0], $0xffff;
	_ =	sdelay $0x2  }
0x125: {  	[tilespmem:$0x1BD90] =	vst v13  }
0x126: {  	[tilespmem:$0x1BF90] =	vst v14  }
0x127: {  	[tilespmem:$0x1C190] =	vst v15  }
0x128: {  	v13 =	vld.idx.msk [tilespmem:v30+s19+$0x0], $0xffff  }
0x129: {  	v14 =	vld.idx.msk [tilespmem:v37+s19+$0x0], $0xffff  }
0x12a: {  	v15 =	vld.idx.msk [tilespmem:v34+s19+$0x0], $0xffff;
	_ =	sdelay $0x2  }
0x12b: {  	[tilespmem:$0x1BDA0] =	vst v13  }
0x12c: {  	[tilespmem:$0x1BFA0] =	vst v14  }
0x12d: {  	[tilespmem:$0x1C1A0] =	vst v15  }
0x12e: {  	v15 =	vld.idx.msk [tilespmem:v41+s19+$0x0], $0xffff;
	_ =	sdelay $0x2  }
0x12f: {  	v13 =	vld.idx.msk [tilespmem:v39+s19+$0x0], $0xffff  }
0x130: {  	v14 =	vld.idx.msk [tilespmem:v40+s19+$0x0], $0xffff  }
0x131: {  	[tilespmem:$0x1C1B0] =	vst v15;
	v15 =	vld [tilespmem:$0x1FF20];
	_ =	sdelay $0x2  }
0x132: {  	[tilespmem:$0x1BDB0] =	vst v13  }
0x133: {  	[tilespmem:$0x1BFB0] =	vst v14  }
0x134: {  	v14 =	vld.idx.msk [tilespmem:v43+s19+$0x0], $0xffff;
	_ =	sdelay $0x1  }
0x135: {  	v13 =	vld.idx.msk [tilespmem:v44+s19+$0x0], $0xffff  }
0x136: {  	v15 =	vld.idx.msk [tilespmem:v15+s19+$0x0], $0xffff;
	_ =	sdelay $0x1  }
0x137: {  	[tilespmem:$0x1BFC0] =	vst v14;
	v14 =	vld [tilespmem:$0x1FF40];
	_ =	sdelay $0x1  }
0x138: {  	[tilespmem:$0x1BDC0] =	vst v13  }
0x139: {  	[tilespmem:$0x1C1C0] =	vst v15  }
0x13a: {  	v13 =	vld.idx.msk [tilespmem:v45+s19+$0x0], $0xffff  }
0x13b: {  	v15 =	vld.idx.msk [tilespmem:v47+s19+$0x0], $0xffff;
	_ =	sdelay $0x2  }
0x13c: {  	v14 =	vld.idx.msk [tilespmem:v14+s19+$0x0], $0xffff  }
0x13d: {  	[tilespmem:$0x1BDD0] =	vst v13;
	v13 =	vld [tilespmem:$0x1FF50]  }
0x13e: {  	[tilespmem:$0x1C1D0] =	vst v15;
	v15 =	vld [tilespmem:$0x1FF70];
	_ =	sdelay $0x3  }
0x13f: {  	[tilespmem:$0x1BFD0] =	vst v14  }
0x140: {  	v14 =	vld.idx.msk [tilespmem:v49+s19+$0x0], $0xffff;
	_ =	sdelay $0x1  }
0x141: {  	v13 =	vld.idx.msk [tilespmem:v13+s19+$0x0], $0xffff  }
0x142: {  	v15 =	vld.idx.msk [tilespmem:v15+s19+$0x0], $0xffff;
	_ =	sdelay $0x1  }
0x143: {  	[tilespmem:$0x1BFE0] =	vst v14;
	v14 =	vld [tilespmem:$0x1FF80];
	_ =	sdelay $0x1  }
0x144: {  	[tilespmem:$0x1BDE0] =	vst v13  }
0x145: {  	[tilespmem:$0x1C1E0] =	vst v15  }
0x146: {  	v13 =	vld.idx.msk [tilespmem:v51+s19+$0x0], $0xffff  }
0x147: {  	v15 =	vld.idx.msk [tilespmem:v53+s19+$0x0], $0xffff;
	_ =	sdelay $0x2  }
0x148: {  	v14 =	vld.idx.msk [tilespmem:v14+s19+$0x0], $0xffff  }
0x149: {  	[tilespmem:$0x1BDF0] =	vst v13;
	v13 =	vld [tilespmem:$0x1FFA0]  }
0x14a: {  	[tilespmem:$0x1C1F0] =	vst v15;
	v15 =	vld [tilespmem:$0x1FFB0];
	_ =	sdelay $0x3  }
0x14b: {  	[tilespmem:$0x1BFF0] =	vst v14  }
0x14c: {  	v14 =	vld.idx.msk [tilespmem:v55+s19+$0x0], $0xffff;
	_ =	sdelay $0x1  }
0x14d: {  	v13 =	vld.idx.msk [tilespmem:v13+s19+$0x0], $0xffff  }
0x14e: {  	v15 =	vld.idx.msk [tilespmem:v15+s19+$0x0], $0xffff;
	_ =	sdelay $0x1  }
0x14f: {  	[tilespmem:$0x1C000] =	vst v14;
	v14 =	vld [tilespmem:$0x1FFD0];
	_ =	sdelay $0x1  }
0x150: {  	[tilespmem:$0x1BE00] =	vst v13  }
0x151: {  	[tilespmem:$0x1C200] =	vst v15  }
0x152: {  	v13 =	vld.idx.msk [tilespmem:v57+s19+$0x0], $0xffff;
	_ =	sdelay $0x2  }
0x153: {  	v15 =	vld.idx.msk [tilespmem:v59+s19+$0x0], $0xffff  }
0x154: {  	v14 =	vld.idx.msk [tilespmem:v14+s19+$0x0], $0xffff  }
0x155: {  	[tilespmem:$0x1BE10] =	vst v13;
	v13 =	vld [tilespmem:$0x1FFE0];
	_ =	sdelay $0x3  }
0x156: {  	[tilespmem:$0x1C210] =	vst v15  }
0x157: {  	[tilespmem:$0x1C010] =	vst v14  }
0x158: {  	v14 =	vld.idx.msk [tilespmem:v22+s19+$0x0], $0xffff  }
0x159: {  	v15 =	vld.idx.msk [tilespmem:v48+s19+$0x0], $0xffff  }
0x15a: {  	v13 =	vld.idx.msk [tilespmem:v13+s19+$0x0], $0xffff;
	_ =	sdelay $0x2  }
0x15b: {  	[tilespmem:$0x1C020] =	vst v14  }
0x15c: {  	[tilespmem:$0x1C220] =	vst v15  }
0x15d: {  	[tilespmem:$0x1BE20] =	vst v13  }
0x15e: {  	v13 =	vld.idx.msk [tilespmem:v23+s19+$0x0], $0xffff  }
0x15f: {  	v14 =	vld.idx.msk [tilespmem:v50+s19+$0x0], $0xffff  }
0x160: {  	v15 =	vld.idx.msk [tilespmem:v25+s19+$0x0], $0xffff;
	_ =	sdelay $0x2  }
0x161: {  	[tilespmem:$0x1BE30] =	vst v13  }
0x162: {  	[tilespmem:$0x1C030] =	vst v14  }
0x163: {  	[tilespmem:$0x1C230] =	vst v15  }
0x164: {  	v13 =	vld.idx.msk [tilespmem:v52+s19+$0x0], $0xffff  }
0x165: {  	v14 =	vld.idx.msk [tilespmem:v26+s19+$0x0], $0xffff  }
0x166: {  	v15 =	vld.idx.msk [tilespmem:v54+s19+$0x0], $0xffff;
	_ =	sdelay $0x2  }
0x167: {  	[tilespmem:$0x1BE40] =	vst v13  }
0x168: {  	[tilespmem:$0x1C040] =	vst v14  }
0x169: {  	[tilespmem:$0x1C240] =	vst v15  }
0x16a: {  	v13 =	vld.idx.msk [tilespmem:v28+s19+$0x0], $0xffff  }
0x16b: {  	v14 =	vld.idx.msk [tilespmem:v56+s19+$0x0], $0xffff  }
0x16c: {  	v15 =	vld.idx.msk [tilespmem:v29+s19+$0x0], $0xffff;
	_ =	sdelay $0x2  }
0x16d: {  	[tilespmem:$0x1BE50] =	vst v13  }
0x16e: {  	[tilespmem:$0x1C050] =	vst v14  }
0x16f: {  	[tilespmem:$0x1C250] =	vst v15  }
0x170: {  	v13 =	vld.idx.msk [tilespmem:v58+s19+$0x0], $0xffff  }
0x171: {  	v14 =	vld.idx.msk [tilespmem:v31+s19+$0x0], $0xffff  }
0x172: {  	v15 =	vld.idx.msk [tilespmem:v60+s19+$0x0], $0xffff;
	_ =	sdelay $0x2  }
0x173: {  	[tilespmem:$0x1BE60] =	vst v13  }
0x174: {  	[tilespmem:$0x1C060] =	vst v14  }
0x175: {  	[tilespmem:$0x1C260] =	vst v15  }
0x176: {  	v13 =	vld.idx.msk [tilespmem:v32+s19+$0x0], $0xffff  }
0x177: {  	v14 =	vld.idx.msk [tilespmem:v62+s19+$0x0], $0xffff  }
0x178: {  	v15 =	vld.idx.msk [tilespmem:v36+s19+$0x0], $0xffff;
	_ =	sdelay $0x2  }
0x179: {  	[tilespmem:$0x1BE70] =	vst v13  }
0x17a: {  	[tilespmem:$0x1C070] =	vst v14  }
0x17b: {  	[tilespmem:$0x1C270] =	vst v15  }
0x17c: {  	v13 =	vld.idx.msk [tilespmem:v38+s19+$0x0], $0xffff  }
0x17d: {  	v14 =	vld.idx.msk [tilespmem:v61+s19+$0x0], $0xffff  }
0x17e: {  	v15 =	vld.idx.msk [tilespmem:v42+s19+$0x0], $0xffff;
	_ =	sdelay $0x2  }
0x17f: {  	[tilespmem:$0x1BE80] =	vst v13  }
0x180: {  	[tilespmem:$0x1C080] =	vst v14  }
0x181: {  	[tilespmem:$0x1C280] =	vst v15  }
0x182: {  	v13 =	vld.idx.msk [tilespmem:v63+s19+$0x0], $0xffff  }
0x183: {  	v15 =	vld.idx.msk [tilespmem:v17+s19+$0x0], $0xffff;
	_ =	sdelay $0x2  }
0x184: {  	v14 =	vld.idx.msk [tilespmem:v46+s19+$0x0], $0xffff  }
0x185: {  	[tilespmem:$0x1BE90] =	vst v13;
	v13 =	vld [tilespmem:$0x1FF30]  }
0x186: {  	[tilespmem:$0x1C290] =	vst v15;
	v15 =	vld [tilespmem:$0x1FF60];
	_ =	sdelay $0x3  }
0x187: {  	[tilespmem:$0x1C090] =	vst v14  }
0x188: {  	v14 =	vld.idx.msk [tilespmem:v18+s19+$0x0], $0xffff;
	_ =	sdelay $0x1  }
0x189: {  	v13 =	vld.idx.msk [tilespmem:v13+s19+$0x0], $0xffff  }
0x18a: {  	v15 =	vld.idx.msk [tilespmem:v15+s19+$0x0], $0xffff;
	_ =	sdelay $0x1  }
0x18b: {  	[tilespmem:$0x1C0A0] =	vst v14;
	v14 =	vld [tilespmem:$0x1FF90];
	_ =	sdelay $0x1  }
0x18c: {  	[tilespmem:$0x1BEA0] =	vst v13  }
0x18d: {  	[tilespmem:$0x1C2A0] =	vst v15  }
0x18e: {  	v13 =	vld.idx.msk [tilespmem:v19+s19+$0x0], $0xffff  }
0x18f: {  	v15 =	vld.idx.msk [tilespmem:v20+s19+$0x0], $0xffff;
	_ =	sdelay $0x2  }
0x190: {  	v14 =	vld.idx.msk [tilespmem:v14+s19+$0x0], $0xffff  }
0x191: {  	[tilespmem:$0x1BEB0] =	vst v13;
	v13 =	vld [tilespmem:$0x1FFC0]  }
0x192: {  	[tilespmem:$0x1C2B0] =	vst v15;
	v15 =	vld [tilespmem:$0x1FFF0];
	_ =	sdelay $0x4  }
0x193: {  	[tilespmem:$0x1C0B0] =	vst v14  }
0x194: {  	v14 =	vld.idx.msk [tilespmem:v21+s19+$0x0], $0xffff  }
0x195: {  	v13 =	vld.idx.msk [tilespmem:v13+s19+$0x0], $0xffff  }
0x196: {  	v15 =	vld.idx.msk [tilespmem:v15+s19+$0x0], $0xffff;
	_ =	sdelay $0x2  }
0x197: {  	[tilespmem:$0x1C0C0] =	vst v14  }
0x198: {  	[tilespmem:$0x1BEC0] =	vst v13  }
0x199: {  	[tilespmem:$0x1C2C0] =	vst v15  }
0x19a: {  	v13 =	vld.idx.msk [tilespmem:v1+s19+$0x0], $0xffff  }
0x19b: {  	v14 =	vld.idx.msk [tilespmem:v2+s19+$0x0], $0xffff  }
0x19c: {  	v15 =	vld.idx.msk [tilespmem:v3+s19+$0x0], $0xffff;
	_ =	sdelay $0x2  }
0x19d: {  	[tilespmem:$0x1BED0] =	vst v13  }
0x19e: {  	[tilespmem:$0x1C0D0] =	vst v14  }
0x19f: {  	[tilespmem:$0x1C2D0] =	vst v15  }
0x1a0: {  	v13 =	vld.idx.msk [tilespmem:v4+s19+$0x0], $0xffff  }
0x1a1: {  	v14 =	vld.idx.msk [tilespmem:v5+s19+$0x0], $0xffff  }
0x1a2: {  	v15 =	vld.idx.msk [tilespmem:v6+s19+$0x0], $0xffff;
	_ =	sdelay $0x2  }
0x1a3: {  	[tilespmem:$0x1BEE0] =	vst v13  }
0x1a4: {  	[tilespmem:$0x1C0E0] =	vst v14  }
0x1a5: {  	[tilespmem:$0x1C2E0] =	vst v15  }
0x1a6: {  	v13 =	vld.idx.msk [tilespmem:v7+s19+$0x0], $0xffff  }
0x1a7: {  	v14 =	vld.idx.msk [tilespmem:v8+s19+$0x0], $0xffff  }
0x1a8: {  	v15 =	vld.idx.msk [tilespmem:v9+s19+$0x0], $0xffff;
	_ =	sdelay $0x2  }
0x1a9: {  	[tilespmem:$0x1BEF0] =	vst v13  }
0x1aa: {  	[tilespmem:$0x1C0F0] =	vst v14  }
0x1ab: {  	[tilespmem:$0x1C2F0] =	vst v15  }
0x1ac: {  	v13 =	vld.idx.msk [tilespmem:v10+s19+$0x0], $0xffff  }
0x1ad: {  	v14 =	vld.idx.msk [tilespmem:v11+s19+$0x0], $0xffff  }
0x1ae: {  	v15 =	vld.idx.msk [tilespmem:v12+s19+$0x0], $0xffff;
	_ =	sdelay $0x2  }
0x1af: {  	[tilespmem:$0x1BF00] =	vst v13  }
0x1b0: {  	[tilespmem:$0x1C100] =	vst v14  }
0x1b1: {  	s5 =	sadd.s32 $0x1900, s10;
	[tilespmem:$0x1C300] =	vst v15  }
0x1b2: {  	[hbm4b:s5+s3] =	stream.linear.scatter [tilespmem:s19], [sflag:$0x3], $0xC800, $0x38;
	[tilespmem:$0x1C380] =	vst v63  }
0x1b3: {  	s5 =	sadd.s32 s1, s15  }
0x1b4: {  	[hbm4b:s5+s3] =	stream.linear.scatter [tilespmem:s26], [sflag:$0x3], $0x190, $0x38;
	[tilespmem:$0x1C380] =	vst v63  }
0x1b5: {  	s5 =	sadd.s32 s1, s14  }
0x1b6: {  	[hbm4b:s5+s3] =	stream.linear.scatter [tilespmem:s28], [sflag:$0x3], $0x190, $0x38;
	[tilespmem:$0x1C380] =	vst v63  }
0x1b7: {  	s5 =	sadd.s32 s1, s13  }
0x1b8: {  	[hbm4b:s5+s3] =	stream.linear.scatter [tilespmem:s29], [sflag:$0x3], $0x190, $0x38;
	[tilespmem:$0x1C380] =	vst v63  }
0x1b9: {  	_ =	swait.ge [sflag:s24], $0xC800  }
0x1ba: {  	[sflag:s24] =	ssyncset.done $0x0  }
0x1bb: {  	[sflag:s24] =	ssyncadd.s32 $0xFFFF3800  }
0x1bc: {  	_ =	swait.ge [sflag:s24], $0x190  }
0x1bd: {  	[sflag:s24] =	ssyncset.done $0x0  }
0x1be: {  	[sflag:s24] =	ssyncadd.s32 $0xFFFFFE70  }
0x1bf: {  	p0 =	sne.s32 s1, $0x44C;
	_ =	swait.ge [sflag:s24], $0x190  }
.Ltmp0:
0x1c0: {  	[sflag:s24] =	ssyncset.done $0x0;
	(pc) =	sbr.rel @p0 .LBB2_2-.Ltmp0, $4  }
0x1c1: {  	[sflag:s24] =	ssyncadd.s32 $0xFFFFFE70  }
0x1c2: {  	_ =	swait.ge [sflag:s24], $0x190  }
0x1c3: {  	s10 =	sadd.s32 $0x3200, s10;
	[sflag:s24] =	ssyncset.done $0x0  }
0x1c4: {  	s31 =	sadd.s32 $0x320, s31;
	s1 =	sadd.s32 $0x64, s1;
	[sflag:s24] =	ssyncadd.s32 $0xFFFFFE70  }
0x1c5: {  	_ =	swait.ge [sflag:s20], $0xC800  }
0x1c6: {  	v13 =	vld [tilespmem:$0x1FC10]  }
0x1c7: {  	v14 =	vld [tilespmem:$0x1FC20]  }
0x1c8: {  	v30 =	vld [tilespmem:$0x1FDA0];
	_ =	sdelay $0x2  }
0x1c9: {  	v33 =	vld [tilespmem:$0x1FC30]  }
0x1ca: {  	[sflag:s20] =	ssyncset.done $0x0;
	v24 =	vld [tilespmem:$0x1FDD0]  }
0x1cb: {  	v35 =	vld [tilespmem:$0x1FC40];
	[sflag:s20] =	ssyncadd.s32 $0xFFFF3800  }
0x1cc: {  	v13 =	vld.idx.msk [tilespmem:v13+s18+$0x0], $0xffff  }
0x1cd: {  	v14 =	vld.idx.msk [tilespmem:v14+s18+$0x0], $0xffff  }
0x1ce: {  	v15 =	vld.idx.msk [tilespmem:v30+s18+$0x0], $0xffff;
	_ =	sdelay $0x2  }
0x1cf: {  	v26 =	vld [tilespmem:$0x1FE00];
	[tilespmem:$0x1B780] =	vst v13  }
0x1d0: {  	v37 =	vld [tilespmem:$0x1FC50];
	[tilespmem:$0x1B980] =	vst v14  }
0x1d1: {  	v28 =	vld [tilespmem:$0x1FE30];
	[tilespmem:$0x1BB80] =	vst v15  }
0x1d2: {  	v13 =	vld.idx.msk [tilespmem:v33+s18+$0x0], $0xffff  }
0x1d3: {  	v14 =	vld.idx.msk [tilespmem:v24+s18+$0x0], $0xffff  }
0x1d4: {  	v15 =	vld.idx.msk [tilespmem:v35+s18+$0x0], $0xffff;
	_ =	sdelay $0x2  }
0x1d5: {  	v39 =	vld [tilespmem:$0x1FC60];
	[tilespmem:$0x1B790] =	vst v13  }
0x1d6: {  	v34 =	vld [tilespmem:$0x1FE60];
	[tilespmem:$0x1B990] =	vst v14  }
0x1d7: {  	v41 =	vld [tilespmem:$0x1FC70];
	[tilespmem:$0x1BB90] =	vst v15  }
0x1d8: {  	v13 =	vld.idx.msk [tilespmem:v26+s18+$0x0], $0xffff  }
0x1d9: {  	v14 =	vld.idx.msk [tilespmem:v37+s18+$0x0], $0xffff  }
0x1da: {  	v15 =	vld.idx.msk [tilespmem:v28+s18+$0x0], $0xffff;
	_ =	sdelay $0x2  }
0x1db: {  	v38 =	vld [tilespmem:$0x1FE80];
	[tilespmem:$0x1B7A0] =	vst v13  }
0x1dc: {  	v43 =	vld [tilespmem:$0x1FC80];
	[tilespmem:$0x1B9A0] =	vst v14  }
0x1dd: {  	v50 =	vld [tilespmem:$0x1FF20];
	[tilespmem:$0x1BBA0] =	vst v15  }
0x1de: {  	v13 =	vld.idx.msk [tilespmem:v39+s18+$0x0], $0xffff  }
0x1df: {  	v14 =	vld.idx.msk [tilespmem:v34+s18+$0x0], $0xffff  }
0x1e0: {  	v15 =	vld.idx.msk [tilespmem:v41+s18+$0x0], $0xffff;
	_ =	sdelay $0x2  }
0x1e1: {  	v32 =	vld [tilespmem:$0x1FC90];
	[tilespmem:$0x1B7B0] =	vst v13  }
0x1e2: {  	v51 =	vld [tilespmem:$0x1FF40];
	[tilespmem:$0x1B9B0] =	vst v14  }
0x1e3: {  	v36 =	vld [tilespmem:$0x1FCA0];
	[tilespmem:$0x1BBB0] =	vst v15  }
0x1e4: {  	v13 =	vld.idx.msk [tilespmem:v38+s18+$0x0], $0xffff  }
0x1e5: {  	v14 =	vld.idx.msk [tilespmem:v43+s18+$0x0], $0xffff  }
0x1e6: {  	v15 =	vld.idx.msk [tilespmem:v50+s18+$0x0], $0xffff;
	_ =	sdelay $0x2  }
0x1e7: {  	v52 =	vld [tilespmem:$0x1FF50];
	[tilespmem:$0x1B7C0] =	vst v13  }
0x1e8: {  	v40 =	vld [tilespmem:$0x1FCB0];
	[tilespmem:$0x1B9C0] =	vst v14  }
0x1e9: {  	v53 =	vld [tilespmem:$0x1FF70];
	[tilespmem:$0x1BBC0] =	vst v15  }
0x1ea: {  	v13 =	vld.idx.msk [tilespmem:v32+s18+$0x0], $0xffff  }
0x1eb: {  	v14 =	vld.idx.msk [tilespmem:v51+s18+$0x0], $0xffff  }
0x1ec: {  	v15 =	vld.idx.msk [tilespmem:v36+s18+$0x0], $0xffff;
	_ =	sdelay $0x2  }
0x1ed: {  	[tilespmem:$0x1B7D0] =	vst v13  }
0x1ee: {  	v54 =	vld [tilespmem:$0x1FF80];
	[tilespmem:$0x1B9D0] =	vst v14  }
0x1ef: {  	v51 =	vld [tilespmem:$0x1FCC0];
	[tilespmem:$0x1BBD0] =	vst v15  }
0x1f0: {  	v13 =	vld.idx.msk [tilespmem:v52+s18+$0x0], $0xffff  }
0x1f1: {  	v14 =	vld.idx.msk [tilespmem:v40+s18+$0x0], $0xffff  }
0x1f2: {  	v15 =	vld.idx.msk [tilespmem:v53+s18+$0x0], $0xffff  }
0x1f3: {  	v53 =	vld [tilespmem:$0x1FCD0];
	_ =	sdelay $0x2  }
0x1f4: {  	[tilespmem:$0x1B7E0] =	vst v13  }
0x1f5: {  	[tilespmem:$0x1B9E0] =	vst v14  }
0x1f6: {  	v55 =	vld [tilespmem:$0x1FFA0];
	[tilespmem:$0x1BBE0] =	vst v15  }
0x1f7: {  	v13 =	vld.idx.msk [tilespmem:v51+s18+$0x0], $0xffff  }
0x1f8: {  	v14 =	vld.idx.msk [tilespmem:v54+s18+$0x0], $0xffff  }
0x1f9: {  	v15 =	vld.idx.msk [tilespmem:v53+s18+$0x0], $0xffff;
	_ =	sdelay $0x2  }
0x1fa: {  	[tilespmem:$0x1B7F0] =	vst v13  }
0x1fb: {  	[tilespmem:$0x1B9F0] =	vst v14  }
0x1fc: {  	v42 =	vld [tilespmem:$0x1FFB0];
	[tilespmem:$0x1BBF0] =	vst v15  }
0x1fd: {  	v13 =	vld.idx.msk [tilespmem:v55+s18+$0x0], $0xffff  }
0x1fe: {  	v55 =	vld [tilespmem:$0x1FCE0];
	_ =	sdelay $0x3  }
0x1ff: {  	v57 =	vld [tilespmem:$0x1FCF0]  }
0x200: {  	v44 =	vld [tilespmem:$0x1FFD0]  }
0x201: {  	v59 =	vld [tilespmem:$0x1FD00]  }
0x202: {  	v15 =	vld.idx.msk [tilespmem:v42+s18+$0x0], $0xffff  }
0x203: {  	v14 =	vld.idx.msk [tilespmem:v55+s18+$0x0], $0xffff;
	_ =	sdelay $0x2  }
0x204: {  	v46 =	vld [tilespmem:$0x1FFE0];
	[tilespmem:$0x1B800] =	vst v13  }
0x205: {  	v47 =	vld [tilespmem:$0x1FD80];
	[tilespmem:$0x1BC00] =	vst v15  }
0x206: {  	v48 =	vld [tilespmem:$0x1FEA0];
	[tilespmem:$0x1BA00] =	vst v14  }
0x207: {  	v13 =	vld.idx.msk [tilespmem:v57+s18+$0x0], $0xffff  }
0x208: {  	v14 =	vld.idx.msk [tilespmem:v44+s18+$0x0], $0xffff  }
0x209: {  	v15 =	vld.idx.msk [tilespmem:v59+s18+$0x0], $0xffff;
	_ =	sdelay $0x2  }
0x20a: {  	v49 =	vld [tilespmem:$0x1FD90];
	[tilespmem:$0x1B810] =	vst v13  }
0x20b: {  	v23 =	vld [tilespmem:$0x1FDB0];
	[tilespmem:$0x1BA10] =	vst v14  }
0x20c: {  	v50 =	vld [tilespmem:$0x1FEB0];
	[tilespmem:$0x1BC10] =	vst v15  }
0x20d: {  	v13 =	vld.idx.msk [tilespmem:v46+s18+$0x0], $0xffff  }
0x20e: {  	v14 =	vld.idx.msk [tilespmem:v47+s18+$0x0], $0xffff  }
0x20f: {  	v15 =	vld.idx.msk [tilespmem:v48+s18+$0x0], $0xffff;
	_ =	sdelay $0x2  }
0x210: {  	v25 =	vld [tilespmem:$0x1FDC0];
	[tilespmem:$0x1B820] =	vst v13  }
0x211: {  	v52 =	vld [tilespmem:$0x1FEC0];
	[tilespmem:$0x1BA20] =	vst v14  }
0x212: {  	v54 =	vld [tilespmem:$0x1FED0];
	[tilespmem:$0x1BC20] =	vst v15  }
0x213: {  	v13 =	vld.idx.msk [tilespmem:v49+s18+$0x0], $0xffff  }
0x214: {  	v14 =	vld.idx.msk [tilespmem:v50+s18+$0x0], $0xffff  }
0x215: {  	v15 =	vld.idx.msk [tilespmem:v23+s18+$0x0], $0xffff;
	_ =	sdelay $0x2  }
0x216: {  	v27 =	vld [tilespmem:$0x1FDE0];
	[tilespmem:$0x1B830] =	vst v13  }
0x217: {  	v56 =	vld [tilespmem:$0x1FEE0];
	[tilespmem:$0x1BA30] =	vst v14  }
0x218: {  	v29 =	vld [tilespmem:$0x1FDF0];
	[tilespmem:$0x1BC30] =	vst v15  }
0x219: {  	v13 =	vld.idx.msk [tilespmem:v52+s18+$0x0], $0xffff  }
0x21a: {  	v14 =	vld.idx.msk [tilespmem:v25+s18+$0x0], $0xffff  }
0x21b: {  	v15 =	vld.idx.msk [tilespmem:v54+s18+$0x0], $0xffff;
	_ =	sdelay $0x2  }
0x21c: {  	v58 =	vld [tilespmem:$0x1FEF0];
	[tilespmem:$0x1B840] =	vst v13  }
0x21d: {  	v31 =	vld [tilespmem:$0x1FE10];
	[tilespmem:$0x1BA40] =	vst v14  }
0x21e: {  	v60 =	vld [tilespmem:$0x1FF00];
	[tilespmem:$0x1BC40] =	vst v15  }
0x21f: {  	v13 =	vld.idx.msk [tilespmem:v27+s18+$0x0], $0xffff  }
0x220: {  	v14 =	vld.idx.msk [tilespmem:v56+s18+$0x0], $0xffff  }
0x221: {  	v15 =	vld.idx.msk [tilespmem:v29+s18+$0x0], $0xffff;
	_ =	sdelay $0x2  }
0x222: {  	v61 =	vld [tilespmem:$0x1FE20];
	[tilespmem:$0x1B850] =	vst v13  }
0x223: {  	v62 =	vld [tilespmem:$0x1FF10];
	[tilespmem:$0x1BA50] =	vst v14  }
0x224: {  	v63 =	vld [tilespmem:$0x1FE40];
	[tilespmem:$0x1BC50] =	vst v15  }
0x225: {  	v13 =	vld.idx.msk [tilespmem:v58+s18+$0x0], $0xffff  }
0x226: {  	v14 =	vld.idx.msk [tilespmem:v31+s18+$0x0], $0xffff  }
0x227: {  	v15 =	vld.idx.msk [tilespmem:v60+s18+$0x0], $0xffff;
	_ =	sdelay $0x2  }
0x228: {  	v17 =	vld [tilespmem:$0x1FE50];
	[tilespmem:$0x1B860] =	vst v13  }
0x229: {  	v19 =	vld [tilespmem:$0x1FE70];
	[tilespmem:$0x1BA60] =	vst v14  }
0x22a: {  	v56 =	vld [tilespmem:$0x1FD10];
	[tilespmem:$0x1BC60] =	vst v15  }
0x22b: {  	v13 =	vld.idx.msk [tilespmem:v61+s18+$0x0], $0xffff  }
0x22c: {  	v14 =	vld.idx.msk [tilespmem:v62+s18+$0x0], $0xffff  }
0x22d: {  	v15 =	vld.idx.msk [tilespmem:v63+s18+$0x0], $0xffff;
	_ =	sdelay $0x2  }
0x22e: {  	v21 =	vld [tilespmem:$0x1FE90];
	[tilespmem:$0x1B870] =	vst v13  }
0x22f: {  	v57 =	vld [tilespmem:$0x1FD20];
	[tilespmem:$0x1BA70] =	vst v14  }
0x230: {  	v58 =	vld [tilespmem:$0x1FD30];
	[tilespmem:$0x1BC70] =	vst v15  }
0x231: {  	v13 =	vld.idx.msk [tilespmem:v17+s18+$0x0], $0xffff  }
0x232: {  	v14 =	vld.idx.msk [tilespmem:v56+s18+$0x0], $0xffff  }
0x233: {  	v15 =	vld.idx.msk [tilespmem:v19+s18+$0x0], $0xffff;
	_ =	sdelay $0x2  }
0x234: {  	v18 =	vld [tilespmem:$0x1FD40];
	[tilespmem:$0x1B880] =	vst v13  }
0x235: {  	v59 =	vld [tilespmem:$0x1FF30];
	[tilespmem:$0x1BA80] =	vst v14  }
0x236: {  	v60 =	vld [tilespmem:$0x1FF60];
	[tilespmem:$0x1BC80] =	vst v15  }
0x237: {  	v13 =	vld.idx.msk [tilespmem:v57+s18+$0x0], $0xffff  }
0x238: {  	v14 =	vld.idx.msk [tilespmem:v21+s18+$0x0], $0xffff  }
0x239: {  	v15 =	vld.idx.msk [tilespmem:v58+s18+$0x0], $0xffff;
	_ =	sdelay $0x2  }
0x23a: {  	v45 =	vld [tilespmem:$0x1FD50];
	[tilespmem:$0x1B890] =	vst v13  }
0x23b: {  	v20 =	vld [tilespmem:$0x1FD60];
	[tilespmem:$0x1BA90] =	vst v14  }
0x23c: {  	v61 =	vld [tilespmem:$0x1FF90];
	[tilespmem:$0x1BC90] =	vst v15  }
0x23d: {  	v13 =	vld.idx.msk [tilespmem:v59+s18+$0x0], $0xffff  }
0x23e: {  	v14 =	vld.idx.msk [tilespmem:v18+s18+$0x0], $0xffff  }
0x23f: {  	v15 =	vld.idx.msk [tilespmem:v60+s18+$0x0], $0xffff;
	_ =	sdelay $0x2  }
0x240: {  	v22 =	vld [tilespmem:$0x1FD70];
	[tilespmem:$0x1B8A0] =	vst v13  }
0x241: {  	v62 =	vld [tilespmem:$0x1FFC0];
	[tilespmem:$0x1BAA0] =	vst v14  }
0x242: {  	v63 =	vld [tilespmem:$0x1FFF0];
	[tilespmem:$0x1BCA0] =	vst v15  }
0x243: {  	v13 =	vld.idx.msk [tilespmem:v45+s18+$0x0], $0xffff  }
0x244: {  	v14 =	vld.idx.msk [tilespmem:v61+s18+$0x0], $0xffff  }
0x245: {  	v15 =	vld.idx.msk [tilespmem:v20+s18+$0x0], $0xffff;
	_ =	sdelay $0x2  }
0x246: {  	[tilespmem:$0x1B8B0] =	vst v13  }
0x247: {  	[tilespmem:$0x1BAB0] =	vst v14  }
0x248: {  	[tilespmem:$0x1BCB0] =	vst v15  }
0x249: {  	v16 =	vld.idx.msk [tilespmem:v62+s18+$0x0], $0xffff  }
0x24a: {  	v14 =	vld.idx.msk [tilespmem:v22+s18+$0x0], $0xffff  }
0x24b: {  	v15 =	vld.idx.msk [tilespmem:v63+s18+$0x0], $0xffff;
	_ =	sdelay $0x2  }
0x24c: {  	[tilespmem:$0x1B8C0] =	vst v16  }
0x24d: {  	[tilespmem:$0x1BAC0] =	vst v14  }
0x24e: {  	[tilespmem:$0x1BCC0] =	vst v15  }
0x24f: {  	v1 =	vld.idx.msk [tilespmem:v1+s18+$0x0], $0xffff  }
0x250: {  	v2 =	vld.idx.msk [tilespmem:v2+s18+$0x0], $0xffff  }
0x251: {  	v3 =	vld.idx.msk [tilespmem:v3+s18+$0x0], $0xffff;
	_ =	sdelay $0x2  }
0x252: {  	[tilespmem:$0x1B8D0] =	vst v1  }
0x253: {  	[tilespmem:$0x1BAD0] =	vst v2  }
0x254: {  	[tilespmem:$0x1BCD0] =	vst v3  }
0x255: {  	v1 =	vld.idx.msk [tilespmem:v4+s18+$0x0], $0xffff  }
0x256: {  	v2 =	vld.idx.msk [tilespmem:v5+s18+$0x0], $0xffff  }
0x257: {  	v3 =	vld.idx.msk [tilespmem:v6+s18+$0x0], $0xffff;
	_ =	sdelay $0x2  }
0x258: {  	[tilespmem:$0x1B8E0] =	vst v1  }
0x259: {  	[tilespmem:$0x1BAE0] =	vst v2  }
0x25a: {  	[tilespmem:$0x1BCE0] =	vst v3  }
0x25b: {  	v1 =	vld.idx.msk [tilespmem:v7+s18+$0x0], $0xffff  }
0x25c: {  	v2 =	vld.idx.msk [tilespmem:v8+s18+$0x0], $0xffff  }
0x25d: {  	v3 =	vld.idx.msk [tilespmem:v9+s18+$0x0], $0xffff;
	_ =	sdelay $0x2  }
0x25e: {  	[tilespmem:$0x1B8F0] =	vst v1  }
0x25f: {  	[tilespmem:$0x1BAF0] =	vst v2  }
0x260: {  	[tilespmem:$0x1BCF0] =	vst v3  }
0x261: {  	v1 =	vld.idx.msk [tilespmem:v10+s18+$0x0], $0xffff  }
0x262: {  	v2 =	vld.idx.msk [tilespmem:v11+s18+$0x0], $0xffff  }
0x263: {  	v3 =	vld.idx.msk [tilespmem:v12+s18+$0x0], $0xffff;
	_ =	sdelay $0x2  }
0x264: {  	[tilespmem:$0x1B900] =	vst v1  }
0x265: {  	[tilespmem:$0x1BB00] =	vst v2  }
0x266: {  	s1 =	rddreg [dreg:$0x9];
	[tilespmem:$0x1BD00] =	vst v3  }
0x267: {  	[hbm4b:s1+s3] =	stream.linear.scatter [tilespmem:s18], [sflag:$0x3], $0xC800, $0x38;
	[tilespmem:$0x1C380] =	vst v63  }
0x268: {  	_ = 	snop  }
0x269: {  	[hbm4b:s6+s3] =	stream.linear.scatter [tilespmem:s21], [sflag:$0x3], $0x190, $0x38;
	[tilespmem:$0x1C380] =	vst v63  }
0x26a: {  	_ = 	snop  }
0x26b: {  	[hbm4b:s7+s3] =	stream.linear.scatter [tilespmem:s22], [sflag:$0x3], $0x190, $0x38;
	[tilespmem:$0x1C380] =	vst v63  }
0x26c: {  	_ = 	snop  }
0x26d: {  	[hbm4b:s8+s3] =	stream.linear.scatter [tilespmem:s23], [sflag:$0x3], $0x190, $0x38;
	[tilespmem:$0x1C380] =	vst v63  }
0x26e: {  	_ =	swait.ge [sflag:s24], $0xC800  }
0x26f: {  	[sflag:s24] =	ssyncset.done $0x0  }
0x270: {  	[sflag:s24] =	ssyncadd.s32 $0xFFFF3800  }
0x271: {  	_ =	swait.ge [sflag:s24], $0x190  }
0x272: {  	[sflag:s24] =	ssyncset.done $0x0  }
0x273: {  	s30 =	sadd.s32 $0x1, s30;
	[sflag:s24] =	ssyncadd.s32 $0xFFFFFE70  }
0x274: {  	p0 =	sne.s32 s30, s9;
	_ =	swait.ge [sflag:s24], $0x190  }
.Ltmp1:
0x275: {  	[sflag:s24] =	ssyncset.done $0x0;
	(pc) =	sbr.rel @p0 .LBB2_1-.Ltmp1, $4  }
0x276: {  	[sflag:s24] =	ssyncadd.s32 $0xFFFFFE70  }
0x277: {  	_ =	swait.ge [sflag:s24], $0x190  }
0x278: {  	[sflag:s24] =	ssyncset.done $0x0  }
0x279: {  	[sflag:s24] =	ssyncadd.s32 $0xFFFFFE70  }
0x27a: {  	_ =	sfence.sel $0x180000  }
0x27b: {  	[bflag:$0x0] =	sbarrier.arrive $0xFFFF  }
0x27c: {  	_ =	strace $0x90000047  }
0x27d: {  	s0 =	stileid.u32;
	[bflag:$0x2] =	sbarrier.arrive $0xFFFF  }
0x27e: {  	p0 =	sne.s32 s0, $0x0;
	s0 =	rddreg [dreg:$0x6]  }
0x27f: {  	s0 =	sadd.s32 @!p0 $0x100000, s0  }
0x280: {  	[sflag:s0] =	ssyncadd.tile.s32 @!p0 $0x1;
	_ =	shalt  }
.Lfunc_end2:
_tile_overlayer_lowered:
.L_overlay_start_2:
0x281: {  	(tag) =	ssettag $0x2  }
0x282: {  	s0 =	rddreg [dreg:$0x0];
	s2 =	stileid.u32  }
0x283: {  	s1 =	rddreg [dreg:$0x1];
	p0 =	sne.s32 s2, $0x0  }
0x284: {  	s3 =	rddreg [dreg:$0x2];
	[bflag:$0x3] =	sbarrier.arrive $0xFFFF;
	s2 =	simm.s32 @!p0 $0x1C04  }
0x285: {  	[timem:s3], [sflag:s2] =	dma.local @!p0 [hbm:s0], s1  }
0x286: {  	s0 =	simm.s32 @!p0 $0x4  }
0x287: {  	_ =	swait.ge @!p0 [sflag:s0], s1  }
0x288: {  	s1 =	ssub.s32 @!p0 $0x0, s1;
	[sflag:s0] =	ssyncset.done @!p0 $0x0  }
0x289: {  	[sflag:s0] =	ssyncadd.s32 @!p0 s1  }
0x28a: {  	[bflag:$0x3] =	sbarrier.arrive $0xFFFF  }
0x28b: {  	_ =	shalt  }

</sc_bundles>
